<compile_context>
chip_gen: v7x
topology: tpu7x:2x2x1
jax: 0.10.2.dev20260603
libtpu: 0.0.44.dev20260713+nightly
codegen_flags: <defaults>
</compile_context>

<pallas_src>
import functools

import jax
import jax.numpy as jnp
from jax import lax
from jax.experimental import pallas as pl
from jax.experimental.pallas import tpu as pltpu
from jax.experimental.pallas import tpu_sc as plsc

_N = 10000
_E = 320000
_D = 128
_K = 3
_PA = 1.0
_PB = 1.0
_LO = -1.0
_HI = 1.0

_NC = 2
_NS = 16
_NW = _NC * _NS

_CH = 128
_EPT = 10240
_NCHT = _EPT // _CH
_NQ = 5
_QCH = _NCHT // _NQ
_EP = _NW * _EPT
_NP = 10240
_RPT = _NP // _NS



@functools.lru_cache(maxsize=None)
def _build_sc_kernels():
    mesh = plsc.VectorSubcoreMesh(
        core_axis_name="c", subcore_axis_name="s", num_cores=_NC, num_subcores=_NS
    )

    n_full = _E // (_CH * 79)
    tail_ch = (_E - n_full * 79 * _CH) // _CH

    @functools.partial(
        pl.kernel,
        out_type=jax.ShapeDtypeStruct((_NC, _NP), jnp.float32),
        mesh=mesh,
        scratch_types=[
            pltpu.VMEM((80 * _CH,), jnp.int32),
            pltpu.VMEM((_CH,), jnp.float32),
            pltpu.VMEM_SHARED((_NP,), jnp.float32),
            pltpu.SemaphoreType.DMA,
        ],
    )
    def deg_kernel(ei_hbm, zeros1_hbm, ones1_hbm, degp_hbm, row_v, ones_v, acc, sem_s):
        c = lax.axis_index("c")
        s = lax.axis_index("s")
        wid = c * _NS + s
        nch = jnp.where(wid < n_full, 79, tail_ch)
        base = wid * (79 * _CH)
        pltpu.sync_copy(zeros1_hbm, acc.at[pl.ds(s * _RPT, _RPT)])
        pltpu.sync_copy(ones1_hbm, ones_v)

        @pl.when(wid < n_full)
        def _load_full():
            pltpu.sync_copy(ei_hbm.at[0, pl.ds(base, 79 * _CH)], row_v.at[pl.ds(0, 79 * _CH)])

        @pl.when(wid >= n_full)
        def _load_tail():
            pltpu.sync_copy(
                ei_hbm.at[0, pl.ds(base, tail_ch * _CH)], row_v.at[pl.ds(0, tail_ch * _CH)]
            )

        plsc.subcore_barrier()

        def body(j, carry):
            pltpu.async_copy(ones_v, acc.at[row_v.at[pl.ds(j * _CH, _CH)]], sem_s, add=True)
            return carry

        lax.fori_loop(0, nch, body, 0)

        def drain(j, carry):
            pltpu.make_async_copy(
                ones_v, acc.at[row_v.at[pl.ds(j * _CH, _CH)]], sem_s
            ).wait()
            return carry

        lax.fori_loop(0, nch, drain, 0)
        plsc.subcore_barrier()
        pltpu.sync_copy(acc.at[pl.ds(s * _RPT, _RPT)], degp_hbm.at[c].at[pl.ds(s * _RPT, _RPT)])

    @functools.partial(
        pl.kernel,
        out_type=[
            jax.ShapeDtypeStruct((_NP, _D), jnp.float32),
            jax.ShapeDtypeStruct((_NP, _D), jnp.float32),
        ],
        mesh=mesh,
        scratch_types=[
            pltpu.VMEM((2, _QCH, _CH), jnp.int32),
            pltpu.VMEM((2, _QCH, _CH), jnp.int32),
            pltpu.VMEM((2, _CH, _D), jnp.float32),
            pltpu.VMEM_SHARED((_NP, _D), jnp.float32),
            pltpu.SemaphoreType.DMA,
            pltpu.SemaphoreType.DMA,
            pltpu.SemaphoreType.DMA,
        ],
    )
    def spmm_kernel(
        y_hbm, colp_hbm, rowp_hbm, zeros2_hbm, part0_hbm, part1_hbm,
        col_v, row_v, buf, acc, sem, sem_i, sem_z,
    ):
        c = lax.axis_index("c")
        s = lax.axis_index("s")
        wid = c * _NS + s
        pltpu.async_copy(zeros2_hbm, acc.at[pl.ds(s * _RPT, _RPT)], sem_z)
        pltpu.sync_copy(colp_hbm.at[wid, pl.ds(0, _QCH)], col_v.at[0])
        pltpu.sync_copy(rowp_hbm.at[wid, pl.ds(0, _QCH)], row_v.at[0])
        pltpu.async_copy(colp_hbm.at[wid, pl.ds(_QCH, _QCH)], col_v.at[1], sem_i)
        pltpu.async_copy(rowp_hbm.at[wid, pl.ds(_QCH, _QCH)], row_v.at[1], sem_i)
        pltpu.make_async_copy(zeros2_hbm, acc.at[pl.ds(s * _RPT, _RPT)], sem_z).wait()
        plsc.subcore_barrier()

        pltpu.async_copy(y_hbm.at[col_v.at[0, 0]], buf.at[0], sem)

        def body(j, carry):
            q = j // _QCH
            jj = j - q * _QCH
            slot = lax.rem(q, 2)
            cur = lax.rem(j, 2)

            @pl.when(jnp.logical_and(jj == 0, jnp.logical_and(q >= 1, q < _NQ - 1)))
            def _prefetch_idx():
                nslot = 1 - slot
                off = (q + 1) * _QCH
                pltpu.async_copy(colp_hbm.at[wid, pl.ds(off, _QCH)], col_v.at[nslot], sem_i)
                pltpu.async_copy(rowp_hbm.at[wid, pl.ds(off, _QCH)], row_v.at[nslot], sem_i)

            pltpu.make_async_copy(y_hbm.at[col_v.at[slot, jj]], buf.at[cur], sem).wait()

            @pl.when(j < _NCHT - 1)
            def _start_next():
                nj = j + 1
                nq = nj // _QCH
                njj = nj - nq * _QCH
                nslot = lax.rem(nq, 2)

                @pl.when(njj == 0)
                def _wait_idx():
                    off = nq * _QCH
                    pltpu.make_async_copy(
                        colp_hbm.at[wid, pl.ds(off, _QCH)], col_v.at[nslot], sem_i
                    ).wait()
                    pltpu.make_async_copy(
                        rowp_hbm.at[wid, pl.ds(off, _QCH)], row_v.at[nslot], sem_i
                    ).wait()

                pltpu.async_copy(y_hbm.at[col_v.at[nslot, njj]], buf.at[1 - cur], sem)

            pltpu.sync_copy(buf.at[cur], acc.at[row_v.at[slot, jj]], add=True)
            return carry

        lax.fori_loop(0, _NCHT, body, 0)
        plsc.subcore_barrier()

        @pl.when(c == 0)
        def _drain0():
            pltpu.sync_copy(acc.at[pl.ds(s * _RPT, _RPT)], part0_hbm.at[pl.ds(s * _RPT, _RPT)])

        @pl.when(c == 1)
        def _drain1():
            pltpu.sync_copy(acc.at[pl.ds(s * _RPT, _RPT)], part1_hbm.at[pl.ds(s * _RPT, _RPT)])

    return deg_kernel, spmm_kernel


_R = 2000


def _disy_body(dt_ref, x_ref, y_ref, dis_ref):
    deg = lax.dot_general(
        dt_ref[...],
        jnp.ones((_NC, 1), jnp.float32),
        (((0,), (0,)), ((), ())),
        preferred_element_type=jnp.float32,
    )[:_N]
    deg = jnp.where(deg < 0.5, deg + 1.0, deg)
    dis = lax.rsqrt(deg)
    dis_ref[...] = dis
    y_ref[...] = dis * x_ref[...]


def _combine_first_body(p0_ref, p1_ref, dis_ref, xc_ref, cf_ref, xn_ref, yn_ref):
    seg = p0_ref[...] + p1_ref[...]
    dis = dis_ref[...]
    xn = cf_ref[0, 0] * (dis * seg) + cf_ref[0, 1] * xc_ref[...]
    xn_ref[...] = xn
    yn_ref[...] = dis * xn


def _combine_mid_body(p0_ref, p1_ref, dis_ref, xc_ref, xp_ref, cf_ref, xn_ref, yn_ref):
    seg = p0_ref[...] + p1_ref[...]
    dis = dis_ref[...]
    xn = (
        cf_ref[0, 0] * (dis * seg)
        + cf_ref[0, 1] * xc_ref[...]
        + cf_ref[0, 2] * xp_ref[...]
    )
    xn_ref[...] = xn
    yn_ref[...] = dis * xn


def _combine_mm_body(
    p0_ref, p1_ref, dis_ref, x2_ref, x1_ref, cf_ref, x0_ref, w_ref, b_ref, o_ref
):
    seg = p0_ref[...] + p1_ref[...]
    x3 = (
        cf_ref[0, 0] * (dis_ref[...] * seg)
        + cf_ref[0, 1] * x2_ref[...]
        + cf_ref[0, 2] * x1_ref[...]
    )
    acc = b_ref[...] + jnp.dot(x0_ref[...], w_ref[0], preferred_element_type=jnp.float32)
    acc = acc + jnp.dot(x1_ref[...], w_ref[1], preferred_element_type=jnp.float32)
    acc = acc + jnp.dot(x2_ref[...], w_ref[2], preferred_element_type=jnp.float32)
    acc = acc + jnp.dot(x3, w_ref[3], preferred_element_type=jnp.float32)
    o_ref[...] = acc


_EBLKS = 10
_EBLK = _EP // _EBLKS


_EROWS = 8
_ECOLS = _EBLK // _EROWS


def _repack_body(e_ref, rowp_ref, colp_ref):
    i = pl.program_id(0)
    eg = (
        i * _EBLK
        + lax.broadcasted_iota(jnp.int32, (_EROWS, _ECOLS), 0) * _ECOLS
        + lax.broadcasted_iota(jnp.int32, (_EROWS, _ECOLS), 1)
    )
    k = eg - _E
    in_pad = eg >= _E
    pr = _N + (k - (k // (_NP - _N)) * (_NP - _N))
    pc = k - (k // _N) * _N
    rowp_ref[...] = jnp.where(in_pad, pr, e_ref[0:1, :].reshape(_EROWS, _ECOLS))
    colp_ref[...] = jnp.where(in_pad, pc, e_ref[1:2, :].reshape(_EROWS, _ECOLS))


def _row_spec(width):
    return pl.BlockSpec((_R, width), lambda i: (i, 0))


def _rep_spec(shape):
    ndim = len(shape)
    return pl.BlockSpec(shape, lambda i, _nd=ndim: (0,) * _nd)


_GRID = (_N // _R,)

_disy_call = pl.pallas_call(
    _disy_body,
    grid=(1,),
    in_specs=[
        pl.BlockSpec((_NC, _NP), lambda i: (0, 0)),
        pl.BlockSpec((_N, _D), lambda i: (0, 0)),
    ],
    out_specs=[
        pl.BlockSpec((_N, _D), lambda i: (0, 0)),
        pl.BlockSpec((_N, 1), lambda i: (0, 0)),
    ],
    out_shape=[
        jax.ShapeDtypeStruct((_N, _D), jnp.float32),
        jax.ShapeDtypeStruct((_N, 1), jnp.float32),
    ],
)

_combine_xy_shape = [
    jax.ShapeDtypeStruct((_N, _D), jnp.float32),
    jax.ShapeDtypeStruct((_N, _D), jnp.float32),
]

_combine_first_call = pl.pallas_call(
    _combine_first_body,
    grid=_GRID,
    in_specs=[_row_spec(_D), _row_spec(_D), _row_spec(1), _row_spec(_D), _rep_spec((1, 3))],
    out_specs=[_row_spec(_D), _row_spec(_D)],
    out_shape=_combine_xy_shape,
)

_combine_mid_call = pl.pallas_call(
    _combine_mid_body,
    grid=_GRID,
    in_specs=[
        _row_spec(_D), _row_spec(_D), _row_spec(1), _row_spec(_D), _row_spec(_D),
        _rep_spec((1, 3)),
    ],
    out_specs=[_row_spec(_D), _row_spec(_D)],
    out_shape=_combine_xy_shape,
)

_combine_mm_call = pl.pallas_call(
    _combine_mm_body,
    grid=_GRID,
    in_specs=[
        _row_spec(_D), _row_spec(_D), _row_spec(1), _row_spec(_D), _row_spec(_D),
        _rep_spec((1, 3)),
        _row_spec(_D),
        _rep_spec((_K + 1, _D, _D)),
        _rep_spec((1, _D)),
    ],
    out_specs=_row_spec(_D),
    out_shape=jax.ShapeDtypeStruct((_N, _D), jnp.float32),
)

_repack_call = pl.pallas_call(
    _repack_body,
    grid=(_EBLKS,),
    in_specs=[pl.BlockSpec((2, _EBLK), lambda i: (0, i))],
    out_specs=[
        pl.BlockSpec((_EROWS, _ECOLS), lambda i: (i, 0)),
        pl.BlockSpec((_EROWS, _ECOLS), lambda i: (i, 0)),
    ],
    out_shape=[
        jax.ShapeDtypeStruct((_EBLKS * _EROWS, _ECOLS), jnp.int32),
        jax.ShapeDtypeStruct((_EBLKS * _EROWS, _ECOLS), jnp.int32),
    ],
)


def _coef_schedule(alphas):
    coef1 = (_PA - _PB) / 2 - (_PA + _PB + 2) / 2 * ((_LO + _HI) / (_HI - _LO))
    coef2 = (_PA + _PB + 2) / (_HI - _LO)
    scheds = [(alphas[0] * coef2, alphas[0] * coef1, alphas[0] * 0.0)]
    for L in range(2, _K + 1):
        coef_l = 2 * L * (L + _PA + _PB) * (2 * L - 2 + _PA + _PB)
        coef_lm1_1 = (2 * L + _PA + _PB - 1) * (2 * L + _PA + _PB) * (2 * L + _PA + _PB - 2)
        coef_lm1_2 = (2 * L + _PA + _PB - 1) * (_PA**2 - _PB**2)
        coef_lm2 = 2 * (L - 1 + _PA) * (L - 1 + _PB) * (2 * L + _PA + _PB)
        tmp1 = alphas[L - 1] * (coef_lm1_1 / coef_l)
        tmp2 = alphas[L - 1] * (coef_lm1_2 / coef_l)
        tmp3 = alphas[L - 1] * alphas[L - 2] * (coef_lm2 / coef_l)
        tmp1_2 = tmp1 * (2.0 / (_HI - _LO))
        tmp2_2 = tmp1 * ((_HI + _LO) / (_HI - _LO)) + tmp2
        scheds.append((tmp1_2, -tmp2_2, -tmp3))
    return scheds


def kernel(x, edge_index, alphas_param, W, bias):
    rowp, colp = _repack_call(edge_index)
    rowp = rowp.reshape(_NW, _NCHT, _CH)
    colp = colp.reshape(_NW, _NCHT, _CH)
    zeros1 = jnp.zeros((_RPT,), jnp.float32)
    ones1 = jnp.ones((_CH,), jnp.float32)
    zeros2 = jnp.zeros((_RPT, _D), jnp.float32)

    deg_kernel, spmm_kernel = _build_sc_kernels()
    degp = deg_kernel(edge_index, zeros1, ones1)
    y, dis = _disy_call(degp, x)

    alphas = jnp.tanh(alphas_param)
    scheds = _coef_schedule(alphas)
    cfs = [jnp.stack(s).reshape(1, 3).astype(jnp.float32) for s in scheds]

    p0, p1 = spmm_kernel(y, colp, rowp, zeros2)
    x1, y = _combine_first_call(p0, p1, dis, x, cfs[0])
    p0, p1 = spmm_kernel(y, colp, rowp, zeros2)
    x2, y = _combine_mid_call(p0, p1, dis, x1, x, cfs[1])
    p0, p1 = spmm_kernel(y, colp, rowp, zeros2)

    wt = W.T.reshape(_K + 1, _D, _D)
    return _combine_mm_call(p0, p1, dis, x2, x1, cfs[2], x, wt, bias.reshape(1, _D))

# --- scband reference (transcript-rebuilt; emitter-appended) ---
"""Pipeline reference for scband-jacobiconv-17506286699043 (READ-ONLY COPY).

The authoritative reference and input builder live on the scoring server;
editing this copy changes nothing except your own understanding.
"""

import jax, jax.numpy as jnp
import numpy as np

N = 10000
E = 320000
D = 128
K = 3
A = 1.0
B = 1.0
LO = -1.0
HI = 1.0


def setup_inputs(seed: int = 0) -> dict:
    key = jax.random.key(seed)
    k1, k2, k3, k4 = jax.random.split(key, 4)
    x = jax.random.normal(k1, (N, D), dtype=jnp.float32)
    edge_index = jax.random.randint(k2, (2, E), 0, N, dtype=jnp.int32)
    # learned parameters
    alphas_param = jnp.ones((K + 1,), dtype=jnp.float32)  # nn.Parameter(torch.tensor(1.0)) x (K+1)
    W = jax.random.normal(k3, (D, (K + 1) * D), dtype=jnp.float32) * 0.05  # lin.weight [out, (K+1)*in]
    bias = jnp.zeros((D,), dtype=jnp.float32)
    return {"x": x, "edge_index": edge_index, "alphas_param": alphas_param, "W": W, "bias": bias}


def _spmm(row, col, val, x):
    # adj @ x where adj is SparseTensor(row, col, val) of shape (N, N)
    return jax.ops.segment_sum(val[:, None] * x[col], row, num_segments=N)


def _forward(x, alphas_param, W, bias, edge_index):
    row = edge_index[0]
    col = edge_index[1]
    edge_weight = jnp.ones((E,), dtype=jnp.float32)
    # buildAdj with aggr='gcn'
    deg = jax.ops.segment_sum(jnp.ones((E,), dtype=jnp.float32), row, num_segments=N)
    deg = jnp.where(deg < 0.5, deg + 1.0, deg)
    deg_inv_sqrt = deg ** -0.5
    val = deg_inv_sqrt[row] * edge_weight * deg_inv_sqrt[col]
    # alphas = basealpha * tanh(param)
    alphas = jnp.tanh(alphas_param)
    xs = [x]
    # L = 1
    Ax = _spmm(row, col, val, xs[-1])
    coef1 = (A - B) / 2 - (A + B + 2) / 2 * ((LO + HI) / (HI - LO))
    coef2 = (A + B + 2) / (HI - LO)
    xs.append(alphas[0] * (coef1 * xs[-1] + coef2 * Ax))
    # L >= 2 three-term recurrence
    for L in range(2, K + 1):
        Ax = _spmm(row, col, val, xs[-1])
        coef_l = 2 * L * (L + A + B) * (2 * L - 2 + A + B)
        coef_lm1_1 = (2 * L + A + B - 1) * (2 * L + A + B) * (2 * L + A + B - 2)
        coef_lm1_2 = (2 * L + A + B - 1) * (A ** 2 - B ** 2)
        coef_lm2 = 2 * (L - 1 + A) * (L - 1 + B) * (2 * L + A + B)
        tmp1 = alphas[L - 1] * (coef_lm1_1 / coef_l)
        tmp2 = alphas[L - 1] * (coef_lm1_2 / coef_l)
        tmp3 = alphas[L - 1] * alphas[L - 2] * (coef_lm2 / coef_l)
        tmp1_2 = tmp1 * (2.0 / (HI - LO))
        tmp2_2 = tmp1 * ((HI + LO) / (HI - LO)) + tmp2
        xs.append(tmp1_2 * Ax - tmp2_2 * xs[-1] - tmp3 * xs[-2])
    x_cat = jnp.concatenate(xs, axis=1)
    return x_cat @ W.T + bias


def reference(x, edge_index, alphas_param, W, bias):
    return _forward(x, alphas_param, W, bias, edge_index)

if __name__ == "__main__":
    import jax
    _d = setup_inputs()
    print(jax.jit(kernel)(*tuple(_d.values())))

</pallas_src>

<mosaic_0001>
#map = affine_map<(d0, d1) -> (0, 0)>
#map1 = affine_map<(d0, d1) -> (0, 0, 0)>
module attributes {stable_mosaic.version = 14 : i64} {
  func.func @spmm_kernel(%arg0: i32, %arg1: i32, %arg2: memref<10000x128xf32, #tpu.memory_space<hbm>>, %arg3: memref<32x80x128xi32, #tpu.memory_space<hbm>>, %arg4: memref<32x80x128xi32, #tpu.memory_space<hbm>>, %arg5: memref<640x128xf32, #tpu.memory_space<hbm>>, %arg6: memref<10240x128xf32, #tpu.memory_space<hbm>>, %arg7: memref<10240x128xf32, #tpu.memory_space<hbm>>, %arg8: memref<2x16x128xi32, #tpu.memory_space<vmem>>, %arg9: memref<2x16x128xi32, #tpu.memory_space<vmem>>, %arg10: memref<2x128x128xf32, #tpu.memory_space<vmem>>, %arg11: memref<10240x128xf32, #tpu.memory_space<vmem_shared>>, %arg12: memref<!tpu.dma_semaphore, #tpu.memory_space<semaphore_mem>>, %arg13: memref<!tpu.dma_semaphore, #tpu.memory_space<semaphore_mem>>, %arg14: memref<!tpu.dma_semaphore, #tpu.memory_space<semaphore_mem>>) attributes {dimension_semantics = [#tpu.dimension_semantics<core_parallel>, #tpu.dimension_semantics<subcore_parallel>], iteration_bounds = array<i64: 2, 16>, scalar_prefetch = 0 : i64, scratch_operands = 7 : i64, tpu.core_type = #tpu.core_type<sc_vector_subcore>, window_params = [{transform_indices = #map}, {transform_indices = #map1}, {transform_indices = #map1}, {transform_indices = #map}, {transform_indices = #map}, {transform_indices = #map}]} {
    %mul3A = arith.constant 16 : i32
    %mul3A_0 = arith.muli %arg0, %mul3A : i32
    %add3A = arith.addi %mul3A_0, %arg1 : i32
    %mul3A_1 = arith.constant 640 : i32
    %mul3A_2 = arith.muli %arg1, %mul3A_1 : i32
    %dma_start3A = arith.constant 0 : i32
    %dma_start3A_3 = tpu.memref_slice %arg11[%mul3A_2, %dma_start3A] : memref<10240x128xf32, #tpu.memory_space<vmem_shared>> -> memref<640x128xf32, #tpu.memory_space<vmem_shared>>
    tpu.enqueue_dma source(%arg5 : memref<640x128xf32, #tpu.memory_space<hbm>>) target(%dma_start3A_3 : memref<640x128xf32, #tpu.memory_space<vmem_shared>>) target_semaphore(%arg14 : memref<!tpu.dma_semaphore, #tpu.memory_space<semaphore_mem>>)
    %run_scoped3A = arith.constant 0 : i32
    "tpu.region"() ({
      %run_scoped3A_68 = tpu.sem_alloc : memref<!tpu.dma_semaphore, #tpu.memory_space<semaphore_mem>>
      %dma_start3A_69 = arith.constant 0 : i32
      %dma_start3A_70 = arith.constant 0 : i32
      %dma_start3A_71 = tpu.memref_slice %arg8[%run_scoped3A, %dma_start3A_69, %dma_start3A_70] : memref<2x16x128xi32, #tpu.memory_space<vmem>> -> memref<1x16x128xi32, #tpu.memory_space<vmem>>
      %dma_start3A_72 = tpu.memref_squeeze %dma_start3A_71 : memref<1x16x128xi32, #tpu.memory_space<vmem>> -> memref<16x128xi32, #tpu.memory_space<vmem>>
      %dma_start3A_73 = arith.constant 0 : i32
      %dma_start3A_74 = arith.constant 0 : i32
      %dma_start3A_75 = tpu.memref_slice %arg3[%add3A, %dma_start3A_73, %dma_start3A_74] : memref<32x80x128xi32, #tpu.memory_space<hbm>> -> memref<1x16x128xi32, #tpu.memory_space<hbm>>
      %dma_start3A_76 = tpu.memref_squeeze %dma_start3A_75 : memref<1x16x128xi32, #tpu.memory_space<hbm>> -> memref<16x128xi32, #tpu.memory_space<hbm>>
      %dma_start3A_77 = arith.constant 0 : i32
      %dma_start3A_78 = arith.constant 0 : i32
      %dma_start3A_79 = tpu.memref_slice %arg8[%run_scoped3A, %dma_start3A_77, %dma_start3A_78] : memref<2x16x128xi32, #tpu.memory_space<vmem>> -> memref<1x16x128xi32, #tpu.memory_space<vmem>>
      %dma_start3A_80 = tpu.memref_squeeze %dma_start3A_79 : memref<1x16x128xi32, #tpu.memory_space<vmem>> -> memref<16x128xi32, #tpu.memory_space<vmem>>
      %dma_start3A_81 = arith.constant 0 : i32
      %dma_start3A_82 = arith.constant 0 : i32
      %dma_start3A_83 = tpu.memref_slice %arg3[%add3A, %dma_start3A_81, %dma_start3A_82] : memref<32x80x128xi32, #tpu.memory_space<hbm>> -> memref<1x16x128xi32, #tpu.memory_space<hbm>>
      %dma_start3A_84 = tpu.memref_squeeze %dma_start3A_83 : memref<1x16x128xi32, #tpu.memory_space<hbm>> -> memref<16x128xi32, #tpu.memory_space<hbm>>
      tpu.enqueue_dma source(%dma_start3A_84 : memref<16x128xi32, #tpu.memory_space<hbm>>) target(%dma_start3A_80 : memref<16x128xi32, #tpu.memory_space<vmem>>) target_semaphore(%run_scoped3A_68 : memref<!tpu.dma_semaphore, #tpu.memory_space<semaphore_mem>>)
      %dma_wait3A_85 = arith.constant 0 : i32
      %dma_wait3A_86 = arith.constant 0 : i32
      %dma_wait3A_87 = tpu.memref_slice %arg8[%run_scoped3A, %dma_wait3A_85, %dma_wait3A_86] : memref<2x16x128xi32, #tpu.memory_space<vmem>> -> memref<1x16x128xi32, #tpu.memory_space<vmem>>
      %dma_wait3A_88 = tpu.memref_squeeze %dma_wait3A_87 : memref<1x16x128xi32, #tpu.memory_space<vmem>> -> memref<16x128xi32, #tpu.memory_space<vmem>>
      %dma_wait3A_89 = arith.constant 0 : i32
      %dma_wait3A_90 = arith.constant 0 : i32
      %dma_wait3A_91 = tpu.memref_slice %arg3[%add3A, %dma_wait3A_89, %dma_wait3A_90] : memref<32x80x128xi32, #tpu.memory_space<hbm>> -> memref<1x16x128xi32, #tpu.memory_space<hbm>>
      %dma_wait3A_92 = tpu.memref_squeeze %dma_wait3A_91 : memref<1x16x128xi32, #tpu.memory_space<hbm>> -> memref<16x128xi32, #tpu.memory_space<hbm>>
      %dma_wait3A_93 = arith.constant 0 : i32
      %dma_wait3A_94 = arith.constant 0 : i32
      %dma_wait3A_95 = tpu.memref_slice %arg8[%run_scoped3A, %dma_wait3A_93, %dma_wait3A_94] : memref<2x16x128xi32, #tpu.memory_space<vmem>> -> memref<1x16x128xi32, #tpu.memory_space<vmem>>
      %dma_wait3A_96 = tpu.memref_squeeze %dma_wait3A_95 : memref<1x16x128xi32, #tpu.memory_space<vmem>> -> memref<16x128xi32, #tpu.memory_space<vmem>>
      %dma_wait3A_97 = arith.constant 0 : i32
      %dma_wait3A_98 = arith.constant 0 : i32
      %dma_wait3A_99 = tpu.memref_slice %arg3[%add3A, %dma_wait3A_97, %dma_wait3A_98] : memref<32x80x128xi32, #tpu.memory_space<hbm>> -> memref<1x16x128xi32, #tpu.memory_space<hbm>>
      %dma_wait3A_100 = tpu.memref_squeeze %dma_wait3A_99 : memref<1x16x128xi32, #tpu.memory_space<hbm>> -> memref<16x128xi32, #tpu.memory_space<hbm>>
      tpu.wait_dma2 semaphore(%run_scoped3A_68 : memref<!tpu.dma_semaphore, #tpu.memory_space<semaphore_mem>>) src(%dma_wait3A_100 : memref<16x128xi32, #tpu.memory_space<hbm>>) dst(%dma_wait3A_96 : memref<16x128xi32, #tpu.memory_space<vmem>>)
      tpu.yield
    }) : () -> ()
    %run_scoped3A_4 = arith.constant 0 : i32
    "tpu.region"() ({
      %run_scoped3A_68 = tpu.sem_alloc : memref<!tpu.dma_semaphore, #tpu.memory_space<semaphore_mem>>
      %dma_start3A_69 = arith.constant 0 : i32
      %dma_start3A_70 = arith.constant 0 : i32
      %dma_start3A_71 = tpu.memref_slice %arg9[%run_scoped3A_4, %dma_start3A_69, %dma_start3A_70] : memref<2x16x128xi32, #tpu.memory_space<vmem>> -> memref<1x16x128xi32, #tpu.memory_space<vmem>>
      %dma_start3A_72 = tpu.memref_squeeze %dma_start3A_71 : memref<1x16x128xi32, #tpu.memory_space<vmem>> -> memref<16x128xi32, #tpu.memory_space<vmem>>
      %dma_start3A_73 = arith.constant 0 : i32
      %dma_start3A_74 = arith.constant 0 : i32
      %dma_start3A_75 = tpu.memref_slice %arg4[%add3A, %dma_start3A_73, %dma_start3A_74] : memref<32x80x128xi32, #tpu.memory_space<hbm>> -> memref<1x16x128xi32, #tpu.memory_space<hbm>>
      %dma_start3A_76 = tpu.memref_squeeze %dma_start3A_75 : memref<1x16x128xi32, #tpu.memory_space<hbm>> -> memref<16x128xi32, #tpu.memory_space<hbm>>
      %dma_start3A_77 = arith.constant 0 : i32
      %dma_start3A_78 = arith.constant 0 : i32
      %dma_start3A_79 = tpu.memref_slice %arg9[%run_scoped3A_4, %dma_start3A_77, %dma_start3A_78] : memref<2x16x128xi32, #tpu.memory_space<vmem>> -> memref<1x16x128xi32, #tpu.memory_space<vmem>>
      %dma_start3A_80 = tpu.memref_squeeze %dma_start3A_79 : memref<1x16x128xi32, #tpu.memory_space<vmem>> -> memref<16x128xi32, #tpu.memory_space<vmem>>
      %dma_start3A_81 = arith.constant 0 : i32
      %dma_start3A_82 = arith.constant 0 : i32
      %dma_start3A_83 = tpu.memref_slice %arg4[%add3A, %dma_start3A_81, %dma_start3A_82] : memref<32x80x128xi32, #tpu.memory_space<hbm>> -> memref<1x16x128xi32, #tpu.memory_space<hbm>>
      %dma_start3A_84 = tpu.memref_squeeze %dma_start3A_83 : memref<1x16x128xi32, #tpu.memory_space<hbm>> -> memref<16x128xi32, #tpu.memory_space<hbm>>
      tpu.enqueue_dma source(%dma_start3A_84 : memref<16x128xi32, #tpu.memory_space<hbm>>) target(%dma_start3A_80 : memref<16x128xi32, #tpu.memory_space<vmem>>) target_semaphore(%run_scoped3A_68 : memref<!tpu.dma_semaphore, #tpu.memory_space<semaphore_mem>>)
      %dma_wait3A_85 = arith.constant 0 : i32
      %dma_wait3A_86 = arith.constant 0 : i32
      %dma_wait3A_87 = tpu.memref_slice %arg9[%run_scoped3A_4, %dma_wait3A_85, %dma_wait3A_86] : memref<2x16x128xi32, #tpu.memory_space<vmem>> -> memref<1x16x128xi32, #tpu.memory_space<vmem>>
      %dma_wait3A_88 = tpu.memref_squeeze %dma_wait3A_87 : memref<1x16x128xi32, #tpu.memory_space<vmem>> -> memref<16x128xi32, #tpu.memory_space<vmem>>
      %dma_wait3A_89 = arith.constant 0 : i32
      %dma_wait3A_90 = arith.constant 0 : i32
      %dma_wait3A_91 = tpu.memref_slice %arg4[%add3A, %dma_wait3A_89, %dma_wait3A_90] : memref<32x80x128xi32, #tpu.memory_space<hbm>> -> memref<1x16x128xi32, #tpu.memory_space<hbm>>
      %dma_wait3A_92 = tpu.memref_squeeze %dma_wait3A_91 : memref<1x16x128xi32, #tpu.memory_space<hbm>> -> memref<16x128xi32, #tpu.memory_space<hbm>>
      %dma_wait3A_93 = arith.constant 0 : i32
      %dma_wait3A_94 = arith.constant 0 : i32
      %dma_wait3A_95 = tpu.memref_slice %arg9[%run_scoped3A_4, %dma_wait3A_93, %dma_wait3A_94] : memref<2x16x128xi32, #tpu.memory_space<vmem>> -> memref<1x16x128xi32, #tpu.memory_space<vmem>>
      %dma_wait3A_96 = tpu.memref_squeeze %dma_wait3A_95 : memref<1x16x128xi32, #tpu.memory_space<vmem>> -> memref<16x128xi32, #tpu.memory_space<vmem>>
      %dma_wait3A_97 = arith.constant 0 : i32
      %dma_wait3A_98 = arith.constant 0 : i32
      %dma_wait3A_99 = tpu.memref_slice %arg4[%add3A, %dma_wait3A_97, %dma_wait3A_98] : memref<32x80x128xi32, #tpu.memory_space<hbm>> -> memref<1x16x128xi32, #tpu.memory_space<hbm>>
      %dma_wait3A_100 = tpu.memref_squeeze %dma_wait3A_99 : memref<1x16x128xi32, #tpu.memory_space<hbm>> -> memref<16x128xi32, #tpu.memory_space<hbm>>
      tpu.wait_dma2 semaphore(%run_scoped3A_68 : memref<!tpu.dma_semaphore, #tpu.memory_space<semaphore_mem>>) src(%dma_wait3A_100 : memref<16x128xi32, #tpu.memory_space<hbm>>) dst(%dma_wait3A_96 : memref<16x128xi32, #tpu.memory_space<vmem>>)
      tpu.yield
    }) : () -> ()
    %dma_start3A_5 = arith.constant 1 : i32
    %dma_start3A_6 = arith.constant 0 : i32
    %dma_start3A_7 = arith.constant 0 : i32
    %dma_start3A_8 = tpu.memref_slice %arg8[%dma_start3A_5, %dma_start3A_6, %dma_start3A_7] : memref<2x16x128xi32, #tpu.memory_space<vmem>> -> memref<1x16x128xi32, #tpu.memory_space<vmem>>
    %dma_start3A_9 = tpu.memref_squeeze %dma_start3A_8 : memref<1x16x128xi32, #tpu.memory_space<vmem>> -> memref<16x128xi32, #tpu.memory_space<vmem>>
    %dma_start3A_10 = arith.constant 16 : i32
    %dma_start3A_11 = arith.constant 0 : i32
    %dma_start3A_12 = tpu.memref_slice %arg3[%add3A, %dma_start3A_10, %dma_start3A_11] : memref<32x80x128xi32, #tpu.memory_space<hbm>> -> memref<1x16x128xi32, #tpu.memory_space<hbm>>
    %dma_start3A_13 = tpu.memref_squeeze %dma_start3A_12 : memref<1x16x128xi32, #tpu.memory_space<hbm>> -> memref<16x128xi32, #tpu.memory_space<hbm>>
    %dma_start3A_14 = arith.constant 0 : i32
    %dma_start3A_15 = arith.constant 0 : i32
    %dma_start3A_16 = tpu.memref_slice %arg8[%dma_start3A_5, %dma_start3A_14, %dma_start3A_15] : memref<2x16x128xi32, #tpu.memory_space<vmem>> -> memref<1x16x128xi32, #tpu.memory_space<vmem>>
    %dma_start3A_17 = tpu.memref_squeeze %dma_start3A_16 : memref<1x16x128xi32, #tpu.memory_space<vmem>> -> memref<16x128xi32, #tpu.memory_space<vmem>>
    %dma_start3A_18 = arith.constant 16 : i32
    %dma_start3A_19 = arith.constant 0 : i32
    %dma_start3A_20 = tpu.memref_slice %arg3[%add3A, %dma_start3A_18, %dma_start3A_19] : memref<32x80x128xi32, #tpu.memory_space<hbm>> -> memref<1x16x128xi32, #tpu.memory_space<hbm>>
    %dma_start3A_21 = tpu.memref_squeeze %dma_start3A_20 : memref<1x16x128xi32, #tpu.memory_space<hbm>> -> memref<16x128xi32, #tpu.memory_space<hbm>>
    tpu.enqueue_dma source(%dma_start3A_21 : memref<16x128xi32, #tpu.memory_space<hbm>>) target(%dma_start3A_17 : memref<16x128xi32, #tpu.memory_space<vmem>>) target_semaphore(%arg13 : memref<!tpu.dma_semaphore, #tpu.memory_space<semaphore_mem>>)
    %dma_start3A_22 = arith.constant 1 : i32
    %dma_start3A_23 = arith.constant 0 : i32
    %dma_start3A_24 = arith.constant 0 : i32
    %dma_start3A_25 = tpu.memref_slice %arg9[%dma_start3A_22, %dma_start3A_23, %dma_start3A_24] : memref<2x16x128xi32, #tpu.memory_space<vmem>> -> memref<1x16x128xi32, #tpu.memory_space<vmem>>
    %dma_start3A_26 = tpu.memref_squeeze %dma_start3A_25 : memref<1x16x128xi32, #tpu.memory_space<vmem>> -> memref<16x128xi32, #tpu.memory_space<vmem>>
    %dma_start3A_27 = arith.constant 16 : i32
    %dma_start3A_28 = arith.constant 0 : i32
    %dma_start3A_29 = tpu.memref_slice %arg4[%add3A, %dma_start3A_27, %dma_start3A_28] : memref<32x80x128xi32, #tpu.memory_space<hbm>> -> memref<1x16x128xi32, #tpu.memory_space<hbm>>
    %dma_start3A_30 = tpu.memref_squeeze %dma_start3A_29 : memref<1x16x128xi32, #tpu.memory_space<hbm>> -> memref<16x128xi32, #tpu.memory_space<hbm>>
    %dma_start3A_31 = arith.constant 0 : i32
    %dma_start3A_32 = arith.constant 0 : i32
    %dma_start3A_33 = tpu.memref_slice %arg9[%dma_start3A_22, %dma_start3A_31, %dma_start3A_32] : memref<2x16x128xi32, #tpu.memory_space<vmem>> -> memref<1x16x128xi32, #tpu.memory_space<vmem>>
    %dma_start3A_34 = tpu.memref_squeeze %dma_start3A_33 : memref<1x16x128xi32, #tpu.memory_space<vmem>> -> memref<16x128xi32, #tpu.memory_space<vmem>>
    %dma_start3A_35 = arith.constant 16 : i32
    %dma_start3A_36 = arith.constant 0 : i32
    %dma_start3A_37 = tpu.memref_slice %arg4[%add3A, %dma_start3A_35, %dma_start3A_36] : memref<32x80x128xi32, #tpu.memory_space<hbm>> -> memref<1x16x128xi32, #tpu.memory_space<hbm>>
    %dma_start3A_38 = tpu.memref_squeeze %dma_start3A_37 : memref<1x16x128xi32, #tpu.memory_space<hbm>> -> memref<16x128xi32, #tpu.memory_space<hbm>>
    tpu.enqueue_dma source(%dma_start3A_38 : memref<16x128xi32, #tpu.memory_space<hbm>>) target(%dma_start3A_34 : memref<16x128xi32, #tpu.memory_space<vmem>>) target_semaphore(%arg13 : memref<!tpu.dma_semaphore, #tpu.memory_space<semaphore_mem>>)
    %mul3A_39 = arith.constant 640 : i32
    %mul3A_40 = arith.muli %arg1, %mul3A_39 : i32
    %dma_wait3A = arith.constant 0 : i32
    %dma_wait3A_41 = tpu.memref_slice %arg11[%mul3A_40, %dma_wait3A] : memref<10240x128xf32, #tpu.memory_space<vmem_shared>> -> memref<640x128xf32, #tpu.memory_space<vmem_shared>>
    tpu.wait_dma2 semaphore(%arg14 : memref<!tpu.dma_semaphore, #tpu.memory_space<semaphore_mem>>) src(%arg5 : memref<640x128xf32, #tpu.memory_space<hbm>>) dst(%dma_wait3A_41 : memref<640x128xf32, #tpu.memory_space<vmem_shared>>)
    %barrier3A = arith.constant 0 : index
    tpu.barrier barrier_id(%barrier3A)
    %dma_start3A_42 = arith.constant 0 : i32
    %dma_start3A_43 = arith.constant 0 : i32
    %dma_start3A_44 = arith.constant 0 : i32
    %dma_start3A_45 = arith.constant 0 : i32
    %dma_start3A_46 = arith.constant 0 : i32
    %dma_start3A_47 = tpu.memref_slice %arg10[%dma_start3A_44, %dma_start3A_45, %dma_start3A_46] : memref<2x128x128xf32, #tpu.memory_space<vmem>> -> memref<1x128x128xf32, #tpu.memory_space<vmem>>
    %dma_start3A_48 = tpu.memref_squeeze %dma_start3A_47 : memref<1x128x128xf32, #tpu.memory_space<vmem>> -> memref<128x128xf32, #tpu.memory_space<vmem>>
    %dma_start3A_49 = arith.constant 0 : i32
    %dma_start3A_50 = tpu.memref_slice %arg8[%dma_start3A_42, %dma_start3A_43, %dma_start3A_49] : memref<2x16x128xi32, #tpu.memory_space<vmem>> -> memref<1x1x128xi32, #tpu.memory_space<vmem>>
    %dma_start3A_51 = tpu.memref_squeeze %dma_start3A_50 : memref<1x1x128xi32, #tpu.memory_space<vmem>> -> memref<128xi32, #tpu.memory_space<vmem>>
    %dma_start3A_52 = arith.constant 0 : i32
    %dma_start3A_53 = arith.constant 0 : i32
    %dma_start3A_54 = tpu.memref_slice %arg2[%dma_start3A_52, %dma_start3A_53] : memref<10000x128xf32, #tpu.memory_space<hbm>> -> memref<10000x128xf32, #tpu.memory_space<hbm>>
    tpu.enqueue_indirect_dma source(%dma_start3A_54 : memref<10000x128xf32, #tpu.memory_space<hbm>>) target(%dma_start3A_48 : memref<128x128xf32, #tpu.memory_space<vmem>>) offsets(%dma_start3A_51 : memref<128xi32, #tpu.memory_space<vmem>>) semaphore(%arg12 : memref<!tpu.dma_semaphore, #tpu.memory_space<semaphore_mem>>)
    %scan3A = arith.constant 0 : i32
    %scan3A_55 = arith.constant 0 : i32
    %scan3A_56 = arith.constant 80 : i32
    %scan3A_57 = arith.addi %scan3A_55, %scan3A_56 : i32
    %scan3A_58 = arith.constant 1 : i32
    scf.for %scan3A_68 = %scan3A_55 to %scan3A_57 step %scan3A_58  : i32 {
      %jit3A = arith.constant 16 : i32
      %div3A = arith.divsi %scan3A_68, %jit3A : i32
      %sign3A = arith.constant 0 : i32
      %sign3A_69 = arith.cmpi sgt, %scan3A_68, %sign3A : i32
      %sign3A_70 = arith.extui %sign3A_69 : i1 to i32
      %sign3A_71 = arith.constant 0 : i32
      %sign3A_72 = arith.cmpi slt, %scan3A_68, %sign3A_71 : i32
      %sign3A_73 = arith.extui %sign3A_72 : i1 to i32
      %sign3A_74 = arith.subi %sign3A_70, %sign3A_73 : i32
      %sign3A_75 = arith.constant 0 : i32
      %sign3A_76 = arith.cmpi sgt, %jit3A, %sign3A_75 : i32
      %sign3A_77 = arith.extui %sign3A_76 : i1 to i32
      %sign3A_78 = arith.constant 0 : i32
      %sign3A_79 = arith.cmpi slt, %jit3A, %sign3A_78 : i32
      %sign3A_80 = arith.extui %sign3A_79 : i1 to i32
      %sign3A_81 = arith.subi %sign3A_77, %sign3A_80 : i32
      %ne3A = arith.cmpi ne, %sign3A_74, %sign3A_81 : i32
      %rem3A = arith.remsi %scan3A_68, %jit3A : i32
      %ne3A_82 = arith.constant 0 : i32
      %ne3A_83 = arith.cmpi ne, %rem3A, %ne3A_82 : i32
      %and3A = arith.andi %ne3A, %ne3A_83 : i1
      %sub3A = arith.constant 1 : i32
      %sub3A_84 = arith.subi %div3A, %sub3A : i32
      %select_n3A = arith.select %and3A, %sub3A_84, %div3A : i32
      %mul3A_85 = arith.constant 16 : i32
      %mul3A_86 = arith.muli %select_n3A, %mul3A_85 : i32
      %sub3A_87 = arith.subi %scan3A_68, %mul3A_86 : i32
      %rem3A_88 = arith.constant 2 : i32
      %rem3A_89 = arith.remsi %select_n3A, %rem3A_88 : i32
      %rem3A_90 = arith.constant 2 : i32
      %rem3A_91 = arith.remsi %scan3A_68, %rem3A_90 : i32
      %eq3A_92 = arith.constant 0 : i32
      %eq3A_93 = arith.cmpi eq, %sub3A_87, %eq3A_92 : i32
      %ge3A = arith.constant 1 : i32
      %ge3A_94 = arith.cmpi sge, %select_n3A, %ge3A : i32
      %lt3A = arith.constant 4 : i32
      %lt3A_95 = arith.cmpi slt, %select_n3A, %lt3A : i32
      %and3A_96 = arith.andi %ge3A_94, %lt3A_95 : i1
      %and3A_97 = arith.andi %eq3A_93, %and3A_96 : i1
      %convert_element_type3A_98 = arith.extui %and3A_97 : i1 to i32
      %cond3A_99 = arith.constant 0 : i32
      %cond3A_100 = arith.cmpi ne, %convert_element_type3A_98, %cond3A_99 : i32
      scf.if %cond3A_100 {
        %sub3A_116 = arith.constant 1 : i32
        %sub3A_117 = arith.subi %sub3A_116, %rem3A_89 : i32
        %add3A_118 = arith.constant 1 : i32
        %add3A_119 = arith.addi %select_n3A, %add3A_118 : i32
        %mul3A_120 = arith.constant 16 : i32
        %mul3A_121 = arith.muli %add3A_119, %mul3A_120 : i32
        %dma_start3A_122 = arith.constant 0 : i32
        %dma_start3A_123 = arith.constant 0 : i32
        %dma_start3A_124 = tpu.memref_slice %arg8[%sub3A_117, %dma_start3A_122, %dma_start3A_123] : memref<2x16x128xi32, #tpu.memory_space<vmem>> -> memref<1x16x128xi32, #tpu.memory_space<vmem>>
        %dma_start3A_125 = tpu.memref_squeeze %dma_start3A_124 : memref<1x16x128xi32, #tpu.memory_space<vmem>> -> memref<16x128xi32, #tpu.memory_space<vmem>>
        %dma_start3A_126 = arith.constant 0 : i32
        %dma_start3A_127 = tpu.memref_slice %arg3[%add3A, %mul3A_121, %dma_start3A_126] : memref<32x80x128xi32, #tpu.memory_space<hbm>> -> memref<1x16x128xi32, #tpu.memory_space<hbm>>
        %dma_start3A_128 = tpu.memref_squeeze %dma_start3A_127 : memref<1x16x128xi32, #tpu.memory_space<hbm>> -> memref<16x128xi32, #tpu.memory_space<hbm>>
        %dma_start3A_129 = arith.constant 0 : i32
        %dma_start3A_130 = arith.constant 0 : i32
        %dma_start3A_131 = tpu.memref_slice %arg8[%sub3A_117, %dma_start3A_129, %dma_start3A_130] : memref<2x16x128xi32, #tpu.memory_space<vmem>> -> memref<1x16x128xi32, #tpu.memory_space<vmem>>
        %dma_start3A_132 = tpu.memref_squeeze %dma_start3A_131 : memref<1x16x128xi32, #tpu.memory_space<vmem>> -> memref<16x128xi32, #tpu.memory_space<vmem>>
        %dma_start3A_133 = arith.constant 0 : i32
        %dma_start3A_134 = tpu.memref_slice %arg3[%add3A, %mul3A_121, %dma_start3A_133] : memref<32x80x128xi32, #tpu.memory_space<hbm>> -> memref<1x16x128xi32, #tpu.memory_space<hbm>>
        %dma_start3A_135 = tpu.memref_squeeze %dma_start3A_134 : memref<1x16x128xi32, #tpu.memory_space<hbm>> -> memref<16x128xi32, #tpu.memory_space<hbm>>
        tpu.enqueue_dma source(%dma_start3A_135 : memref<16x128xi32, #tpu.memory_space<hbm>>) target(%dma_start3A_132 : memref<16x128xi32, #tpu.memory_space<vmem>>) target_semaphore(%arg13 : memref<!tpu.dma_semaphore, #tpu.memory_space<semaphore_mem>>)
        %dma_start3A_136 = arith.constant 0 : i32
        %dma_start3A_137 = arith.constant 0 : i32
        %dma_start3A_138 = tpu.memref_slice %arg9[%sub3A_117, %dma_start3A_136, %dma_start3A_137] : memref<2x16x128xi32, #tpu.memory_space<vmem>> -> memref<1x16x128xi32, #tpu.memory_space<vmem>>
        %dma_start3A_139 = tpu.memref_squeeze %dma_start3A_138 : memref<1x16x128xi32, #tpu.memory_space<vmem>> -> memref<16x128xi32, #tpu.memory_space<vmem>>
        %dma_start3A_140 = arith.constant 0 : i32
        %dma_start3A_141 = tpu.memref_slice %arg4[%add3A, %mul3A_121, %dma_start3A_140] : memref<32x80x128xi32, #tpu.memory_space<hbm>> -> memref<1x16x128xi32, #tpu.memory_space<hbm>>
        %dma_start3A_142 = tpu.memref_squeeze %dma_start3A_141 : memref<1x16x128xi32, #tpu.memory_space<hbm>> -> memref<16x128xi32, #tpu.memory_space<hbm>>
        %dma_start3A_143 = arith.constant 0 : i32
        %dma_start3A_144 = arith.constant 0 : i32
        %dma_start3A_145 = tpu.memref_slice %arg9[%sub3A_117, %dma_start3A_143, %dma_start3A_144] : memref<2x16x128xi32, #tpu.memory_space<vmem>> -> memref<1x16x128xi32, #tpu.memory_space<vmem>>
        %dma_start3A_146 = tpu.memref_squeeze %dma_start3A_145 : memref<1x16x128xi32, #tpu.memory_space<vmem>> -> memref<16x128xi32, #tpu.memory_space<vmem>>
        %dma_start3A_147 = arith.constant 0 : i32
        %dma_start3A_148 = tpu.memref_slice %arg4[%add3A, %mul3A_121, %dma_start3A_147] : memref<32x80x128xi32, #tpu.memory_space<hbm>> -> memref<1x16x128xi32, #tpu.memory_space<hbm>>
        %dma_start3A_149 = tpu.memref_squeeze %dma_start3A_148 : memref<1x16x128xi32, #tpu.memory_space<hbm>> -> memref<16x128xi32, #tpu.memory_space<hbm>>
        tpu.enqueue_dma source(%dma_start3A_149 : memref<16x128xi32, #tpu.memory_space<hbm>>) target(%dma_start3A_146 : memref<16x128xi32, #tpu.memory_space<vmem>>) target_semaphore(%arg13 : memref<!tpu.dma_semaphore, #tpu.memory_space<semaphore_mem>>)
      } else {
      }
      %dma_wait3A_101 = arith.constant 0 : i32
      %dma_wait3A_102 = arith.constant 0 : i32
      %dma_wait3A_103 = tpu.memref_slice %arg10[%rem3A_91, %dma_wait3A_101, %dma_wait3A_102] : memref<2x128x128xf32, #tpu.memory_space<vmem>> -> memref<1x128x128xf32, #tpu.memory_space<vmem>>
      %dma_wait3A_104 = tpu.memref_squeeze %dma_wait3A_103 : memref<1x128x128xf32, #tpu.memory_space<vmem>> -> memref<128x128xf32, #tpu.memory_space<vmem>>
      %dma_wait3A_105 = arith.constant 0 : i32
      %dma_wait3A_106 = tpu.memref_slice %arg8[%rem3A_89, %sub3A_87, %dma_wait3A_105] : memref<2x16x128xi32, #tpu.memory_space<vmem>> -> memref<1x1x128xi32, #tpu.memory_space<vmem>>
      %dma_wait3A_107 = tpu.memref_squeeze %dma_wait3A_106 : memref<1x1x128xi32, #tpu.memory_space<vmem>> -> memref<128xi32, #tpu.memory_space<vmem>>
      %dma_wait3A_108 = arith.constant 0 : i32
      %dma_wait3A_109 = arith.constant 0 : i32
      %dma_wait3A_110 = tpu.memref_slice %arg2[%dma_wait3A_108, %dma_wait3A_109] : memref<10000x128xf32, #tpu.memory_space<hbm>> -> memref<10000x128xf32, #tpu.memory_space<hbm>>
      tpu.wait_indirect_dma semaphore(%arg12 : memref<!tpu.dma_semaphore, #tpu.memory_space<semaphore_mem>>) src(%dma_wait3A_110 : memref<10000x128xf32, #tpu.memory_space<hbm>>) dst(%dma_wait3A_104 : memref<128x128xf32, #tpu.memory_space<vmem>>)
      %lt3A_111 = arith.constant 79 : i32
      %lt3A_112 = arith.cmpi slt, %scan3A_68, %lt3A_111 : i32
      %convert_element_type3A_113 = arith.extui %lt3A_112 : i1 to i32
      %cond3A_114 = arith.constant 0 : i32
      %cond3A_115 = arith.cmpi ne, %convert_element_type3A_113, %cond3A_114 : i32
      scf.if %cond3A_115 {
        %add3A_116 = arith.constant 1 : i32
        %add3A_117 = arith.addi %scan3A_68, %add3A_116 : i32
        %jit3A_118 = arith.constant 16 : i32
        %div3A_119 = arith.divsi %add3A_117, %jit3A_118 : i32
        %sign3A_120 = arith.constant 0 : i32
        %sign3A_121 = arith.cmpi sgt, %add3A_117, %sign3A_120 : i32
        %sign3A_122 = arith.extui %sign3A_121 : i1 to i32
        %sign3A_123 = arith.constant 0 : i32
        %sign3A_124 = arith.cmpi slt, %add3A_117, %sign3A_123 : i32
        %sign3A_125 = arith.extui %sign3A_124 : i1 to i32
        %sign3A_126 = arith.subi %sign3A_122, %sign3A_125 : i32
        %sign3A_127 = arith.constant 0 : i32
        %sign3A_128 = arith.cmpi sgt, %jit3A_118, %sign3A_127 : i32
        %sign3A_129 = arith.extui %sign3A_128 : i1 to i32
        %sign3A_130 = arith.constant 0 : i32
        %sign3A_131 = arith.cmpi slt, %jit3A_118, %sign3A_130 : i32
        %sign3A_132 = arith.extui %sign3A_131 : i1 to i32
        %sign3A_133 = arith.subi %sign3A_129, %sign3A_132 : i32
        %ne3A_134 = arith.cmpi ne, %sign3A_126, %sign3A_133 : i32
        %rem3A_135 = arith.remsi %add3A_117, %jit3A_118 : i32
        %ne3A_136 = arith.constant 0 : i32
        %ne3A_137 = arith.cmpi ne, %rem3A_135, %ne3A_136 : i32
        %and3A_138 = arith.andi %ne3A_134, %ne3A_137 : i1
        %sub3A_139 = arith.constant 1 : i32
        %sub3A_140 = arith.subi %div3A_119, %sub3A_139 : i32
        %select_n3A_141 = arith.select %and3A_138, %sub3A_140, %div3A_119 : i32
        %mul3A_142 = arith.constant 16 : i32
        %mul3A_143 = arith.muli %select_n3A_141, %mul3A_142 : i32
        %sub3A_144 = arith.subi %add3A_117, %mul3A_143 : i32
        %rem3A_145 = arith.constant 2 : i32
        %rem3A_146 = arith.remsi %select_n3A_141, %rem3A_145 : i32
        %eq3A_147 = arith.constant 0 : i32
        %eq3A_148 = arith.cmpi eq, %sub3A_144, %eq3A_147 : i32
        %convert_element_type3A_149 = arith.extui %eq3A_148 : i1 to i32
        %cond3A_150 = arith.constant 0 : i32
        %cond3A_151 = arith.cmpi ne, %convert_element_type3A_149, %cond3A_150 : i32
        scf.if %cond3A_151 {
          %mul3A_164 = arith.constant 16 : i32
          %mul3A_165 = arith.muli %select_n3A_141, %mul3A_164 : i32
          %dma_wait3A_166 = arith.constant 0 : i32
          %dma_wait3A_167 = arith.constant 0 : i32
          %dma_wait3A_168 = tpu.memref_slice %arg8[%rem3A_146, %dma_wait3A_166, %dma_wait3A_167] : memref<2x16x128xi32, #tpu.memory_space<vmem>> -> memref<1x16x128xi32, #tpu.memory_space<vmem>>
          %dma_wait3A_169 = tpu.memref_squeeze %dma_wait3A_168 : memref<1x16x128xi32, #tpu.memory_space<vmem>> -> memref<16x128xi32, #tpu.memory_space<vmem>>
          %dma_wait3A_170 = arith.constant 0 : i32
          %dma_wait3A_171 = tpu.memref_slice %arg3[%add3A, %mul3A_165, %dma_wait3A_170] : memref<32x80x128xi32, #tpu.memory_space<hbm>> -> memref<1x16x128xi32, #tpu.memory_space<hbm>>
          %dma_wait3A_172 = tpu.memref_squeeze %dma_wait3A_171 : memref<1x16x128xi32, #tpu.memory_space<hbm>> -> memref<16x128xi32, #tpu.memory_space<hbm>>
          %dma_wait3A_173 = arith.constant 0 : i32
          %dma_wait3A_174 = arith.constant 0 : i32
          %dma_wait3A_175 = tpu.memref_slice %arg8[%rem3A_146, %dma_wait3A_173, %dma_wait3A_174] : memref<2x16x128xi32, #tpu.memory_space<vmem>> -> memref<1x16x128xi32, #tpu.memory_space<vmem>>
          %dma_wait3A_176 = tpu.memref_squeeze %dma_wait3A_175 : memref<1x16x128xi32, #tpu.memory_space<vmem>> -> memref<16x128xi32, #tpu.memory_space<vmem>>
          %dma_wait3A_177 = arith.constant 0 : i32
          %dma_wait3A_178 = tpu.memref_slice %arg3[%add3A, %mul3A_165, %dma_wait3A_177] : memref<32x80x128xi32, #tpu.memory_space<hbm>> -> memref<1x16x128xi32, #tpu.memory_space<hbm>>
          %dma_wait3A_179 = tpu.memref_squeeze %dma_wait3A_178 : memref<1x16x128xi32, #tpu.memory_space<hbm>> -> memref<16x128xi32, #tpu.memory_space<hbm>>
          tpu.wait_dma2 semaphore(%arg13 : memref<!tpu.dma_semaphore, #tpu.memory_space<semaphore_mem>>) src(%dma_wait3A_179 : memref<16x128xi32, #tpu.memory_space<hbm>>) dst(%dma_wait3A_176 : memref<16x128xi32, #tpu.memory_space<vmem>>)
          %dma_wait3A_180 = arith.constant 0 : i32
          %dma_wait3A_181 = arith.constant 0 : i32
          %dma_wait3A_182 = tpu.memref_slice %arg9[%rem3A_146, %dma_wait3A_180, %dma_wait3A_181] : memref<2x16x128xi32, #tpu.memory_space<vmem>> -> memref<1x16x128xi32, #tpu.memory_space<vmem>>
          %dma_wait3A_183 = tpu.memref_squeeze %dma_wait3A_182 : memref<1x16x128xi32, #tpu.memory_space<vmem>> -> memref<16x128xi32, #tpu.memory_space<vmem>>
          %dma_wait3A_184 = arith.constant 0 : i32
          %dma_wait3A_185 = tpu.memref_slice %arg4[%add3A, %mul3A_165, %dma_wait3A_184] : memref<32x80x128xi32, #tpu.memory_space<hbm>> -> memref<1x16x128xi32, #tpu.memory_space<hbm>>
          %dma_wait3A_186 = tpu.memref_squeeze %dma_wait3A_185 : memref<1x16x128xi32, #tpu.memory_space<hbm>> -> memref<16x128xi32, #tpu.memory_space<hbm>>
          %dma_wait3A_187 = arith.constant 0 : i32
          %dma_wait3A_188 = arith.constant 0 : i32
          %dma_wait3A_189 = tpu.memref_slice %arg9[%rem3A_146, %dma_wait3A_187, %dma_wait3A_188] : memref<2x16x128xi32, #tpu.memory_space<vmem>> -> memref<1x16x128xi32, #tpu.memory_space<vmem>>
          %dma_wait3A_190 = tpu.memref_squeeze %dma_wait3A_189 : memref<1x16x128xi32, #tpu.memory_space<vmem>> -> memref<16x128xi32, #tpu.memory_space<vmem>>
          %dma_wait3A_191 = arith.constant 0 : i32
          %dma_wait3A_192 = tpu.memref_slice %arg4[%add3A, %mul3A_165, %dma_wait3A_191] : memref<32x80x128xi32, #tpu.memory_space<hbm>> -> memref<1x16x128xi32, #tpu.memory_space<hbm>>
          %dma_wait3A_193 = tpu.memref_squeeze %dma_wait3A_192 : memref<1x16x128xi32, #tpu.memory_space<hbm>> -> memref<16x128xi32, #tpu.memory_space<hbm>>
          tpu.wait_dma2 semaphore(%arg13 : memref<!tpu.dma_semaphore, #tpu.memory_space<semaphore_mem>>) src(%dma_wait3A_193 : memref<16x128xi32, #tpu.memory_space<hbm>>) dst(%dma_wait3A_190 : memref<16x128xi32, #tpu.memory_space<vmem>>)
        } else {
        }
        %sub3A_152 = arith.constant 1 : i32
        %sub3A_153 = arith.subi %sub3A_152, %rem3A_91 : i32
        %dma_start3A_154 = arith.constant 0 : i32
        %dma_start3A_155 = arith.constant 0 : i32
        %dma_start3A_156 = tpu.memref_slice %arg10[%sub3A_153, %dma_start3A_154, %dma_start3A_155] : memref<2x128x128xf32, #tpu.memory_space<vmem>> -> memref<1x128x128xf32, #tpu.memory_space<vmem>>
        %dma_start3A_157 = tpu.memref_squeeze %dma_start3A_156 : memref<1x128x128xf32, #tpu.memory_space<vmem>> -> memref<128x128xf32, #tpu.memory_space<vmem>>
        %dma_start3A_158 = arith.constant 0 : i32
        %dma_start3A_159 = tpu.memref_slice %arg8[%rem3A_146, %sub3A_144, %dma_start3A_158] : memref<2x16x128xi32, #tpu.memory_space<vmem>> -> memref<1x1x128xi32, #tpu.memory_space<vmem>>
        %dma_start3A_160 = tpu.memref_squeeze %dma_start3A_159 : memref<1x1x128xi32, #tpu.memory_space<vmem>> -> memref<128xi32, #tpu.memory_space<vmem>>
        %dma_start3A_161 = arith.constant 0 : i32
        %dma_start3A_162 = arith.constant 0 : i32
        %dma_start3A_163 = tpu.memref_slice %arg2[%dma_start3A_161, %dma_start3A_162] : memref<10000x128xf32, #tpu.memory_space<hbm>> -> memref<10000x128xf32, #tpu.memory_space<hbm>>
        tpu.enqueue_indirect_dma source(%dma_start3A_163 : memref<10000x128xf32, #tpu.memory_space<hbm>>) target(%dma_start3A_157 : memref<128x128xf32, #tpu.memory_space<vmem>>) offsets(%dma_start3A_160 : memref<128xi32, #tpu.memory_space<vmem>>) semaphore(%arg12 : memref<!tpu.dma_semaphore, #tpu.memory_space<semaphore_mem>>)
      } else {
      }
      "tpu.region"() ({
        %run_scoped3A_116 = tpu.sem_alloc : memref<!tpu.dma_semaphore, #tpu.memory_space<semaphore_mem>>
        %dma_start3A_117 = arith.constant 0 : i32
        %dma_start3A_118 = arith.constant 0 : i32
        %dma_start3A_119 = tpu.memref_slice %arg10[%rem3A_91, %dma_start3A_117, %dma_start3A_118] : memref<2x128x128xf32, #tpu.memory_space<vmem>> -> memref<1x128x128xf32, #tpu.memory_space<vmem>>
        %dma_start3A_120 = tpu.memref_squeeze %dma_start3A_119 : memref<1x128x128xf32, #tpu.memory_space<vmem>> -> memref<128x128xf32, #tpu.memory_space<vmem>>
        %dma_start3A_121 = arith.constant 0 : i32
        %dma_start3A_122 = tpu.memref_slice %arg9[%rem3A_89, %sub3A_87, %dma_start3A_121] : memref<2x16x128xi32, #tpu.memory_space<vmem>> -> memref<1x1x128xi32, #tpu.memory_space<vmem>>
        %dma_start3A_123 = tpu.memref_squeeze %dma_start3A_122 : memref<1x1x128xi32, #tpu.memory_space<vmem>> -> memref<128xi32, #tpu.memory_space<vmem>>
        %dma_start3A_124 = arith.constant 0 : i32
        %dma_start3A_125 = arith.constant 0 : i32
        %dma_start3A_126 = tpu.memref_slice %arg11[%dma_start3A_124, %dma_start3A_125] : memref<10240x128xf32, #tpu.memory_space<vmem_shared>> -> memref<10240x128xf32, #tpu.memory_space<vmem_shared>>
        tpu.enqueue_indirect_dma source(%dma_start3A_120 : memref<128x128xf32, #tpu.memory_space<vmem>>) target(%dma_start3A_126 : memref<10240x128xf32, #tpu.memory_space<vmem_shared>>) offsets(%dma_start3A_123 : memref<128xi32, #tpu.memory_space<vmem>>) semaphore(%run_scoped3A_116 : memref<!tpu.dma_semaphore, #tpu.memory_space<semaphore_mem>>) {add = true}
        %dma_wait3A_127 = arith.constant 0 : i32
        %dma_wait3A_128 = arith.constant 0 : i32
        %dma_wait3A_129 = tpu.memref_slice %arg10[%rem3A_91, %dma_wait3A_127, %dma_wait3A_128] : memref<2x128x128xf32, #tpu.memory_space<vmem>> -> memref<1x128x128xf32, #tpu.memory_space<vmem>>
        %dma_wait3A_130 = tpu.memref_squeeze %dma_wait3A_129 : memref<1x128x128xf32, #tpu.memory_space<vmem>> -> memref<128x128xf32, #tpu.memory_space<vmem>>
        %dma_wait3A_131 = arith.constant 0 : i32
        %dma_wait3A_132 = tpu.memref_slice %arg9[%rem3A_89, %sub3A_87, %dma_wait3A_131] : memref<2x16x128xi32, #tpu.memory_space<vmem>> -> memref<1x1x128xi32, #tpu.memory_space<vmem>>
        %dma_wait3A_133 = tpu.memref_squeeze %dma_wait3A_132 : memref<1x1x128xi32, #tpu.memory_space<vmem>> -> memref<128xi32, #tpu.memory_space<vmem>>
        %dma_wait3A_134 = arith.constant 0 : i32
        %dma_wait3A_135 = arith.constant 0 : i32
        %dma_wait3A_136 = tpu.memref_slice %arg11[%dma_wait3A_134, %dma_wait3A_135] : memref<10240x128xf32, #tpu.memory_space<vmem_shared>> -> memref<10240x128xf32, #tpu.memory_space<vmem_shared>>
        tpu.wait_indirect_dma semaphore(%run_scoped3A_116 : memref<!tpu.dma_semaphore, #tpu.memory_space<semaphore_mem>>) src(%dma_wait3A_130 : memref<128x128xf32, #tpu.memory_space<vmem>>) dst(%dma_wait3A_136 : memref<10240x128xf32, #tpu.memory_space<vmem_shared>>)
        tpu.yield
      }) : () -> ()
    }
    %scan3A_59 = arith.constant 80 : i32
    %barrier3A_60 = arith.constant 0 : index
    tpu.barrier barrier_id(%barrier3A_60)
    %eq3A = arith.constant 0 : i32
    %eq3A_61 = arith.cmpi eq, %arg0, %eq3A : i32
    %convert_element_type3A = arith.extui %eq3A_61 : i1 to i32
    %cond3A = arith.constant 0 : i32
    %cond3A_62 = arith.cmpi ne, %convert_element_type3A, %cond3A : i32
    scf.if %cond3A_62 {
      %mul3A_68 = arith.constant 640 : i32
      %mul3A_69 = arith.muli %arg1, %mul3A_68 : i32
      %mul3A_70 = arith.constant 640 : i32
      %mul3A_71 = arith.muli %arg1, %mul3A_70 : i32
      "tpu.region"() ({
        %run_scoped3A_72 = tpu.sem_alloc : memref<!tpu.dma_semaphore, #tpu.memory_space<semaphore_mem>>
        %dma_start3A_73 = arith.constant 0 : i32
        %dma_start3A_74 = tpu.memref_slice %arg6[%mul3A_71, %dma_start3A_73] : memref<10240x128xf32, #tpu.memory_space<hbm>> -> memref<640x128xf32, #tpu.memory_space<hbm>>
        %dma_start3A_75 = arith.constant 0 : i32
        %dma_start3A_76 = tpu.memref_slice %arg11[%mul3A_69, %dma_start3A_75] : memref<10240x128xf32, #tpu.memory_space<vmem_shared>> -> memref<640x128xf32, #tpu.memory_space<vmem_shared>>
        tpu.enqueue_dma source(%dma_start3A_76 : memref<640x128xf32, #tpu.memory_space<vmem_shared>>) target(%dma_start3A_74 : memref<640x128xf32, #tpu.memory_space<hbm>>) target_semaphore(%run_scoped3A_72 : memref<!tpu.dma_semaphore, #tpu.memory_space<semaphore_mem>>)
        %dma_wait3A_77 = arith.constant 0 : i32
        %dma_wait3A_78 = tpu.memref_slice %arg6[%mul3A_71, %dma_wait3A_77] : memref<10240x128xf32, #tpu.memory_space<hbm>> -> memref<640x128xf32, #tpu.memory_space<hbm>>
        %dma_wait3A_79 = arith.constant 0 : i32
        %dma_wait3A_80 = tpu.memref_slice %arg11[%mul3A_69, %dma_wait3A_79] : memref<10240x128xf32, #tpu.memory_space<vmem_shared>> -> memref<640x128xf32, #tpu.memory_space<vmem_shared>>
        tpu.wait_dma2 semaphore(%run_scoped3A_72 : memref<!tpu.dma_semaphore, #tpu.memory_space<semaphore_mem>>) src(%dma_wait3A_80 : memref<640x128xf32, #tpu.memory_space<vmem_shared>>) dst(%dma_wait3A_78 : memref<640x128xf32, #tpu.memory_space<hbm>>)
        tpu.yield
      }) : () -> ()
    } else {
    }
    %eq3A_63 = arith.constant 1 : i32
    %eq3A_64 = arith.cmpi eq, %arg0, %eq3A_63 : i32
    %convert_element_type3A_65 = arith.extui %eq3A_64 : i1 to i32
    %cond3A_66 = arith.constant 0 : i32
    %cond3A_67 = arith.cmpi ne, %convert_element_type3A_65, %cond3A_66 : i32
    scf.if %cond3A_67 {
      %mul3A_68 = arith.constant 640 : i32
      %mul3A_69 = arith.muli %arg1, %mul3A_68 : i32
      %mul3A_70 = arith.constant 640 : i32
      %mul3A_71 = arith.muli %arg1, %mul3A_70 : i32
      "tpu.region"() ({
        %run_scoped3A_72 = tpu.sem_alloc : memref<!tpu.dma_semaphore, #tpu.memory_space<semaphore_mem>>
        %dma_start3A_73 = arith.constant 0 : i32
        %dma_start3A_74 = tpu.memref_slice %arg7[%mul3A_71, %dma_start3A_73] : memref<10240x128xf32, #tpu.memory_space<hbm>> -> memref<640x128xf32, #tpu.memory_space<hbm>>
        %dma_start3A_75 = arith.constant 0 : i32
        %dma_start3A_76 = tpu.memref_slice %arg11[%mul3A_69, %dma_start3A_75] : memref<10240x128xf32, #tpu.memory_space<vmem_shared>> -> memref<640x128xf32, #tpu.memory_space<vmem_shared>>
        tpu.enqueue_dma source(%dma_start3A_76 : memref<640x128xf32, #tpu.memory_space<vmem_shared>>) target(%dma_start3A_74 : memref<640x128xf32, #tpu.memory_space<hbm>>) target_semaphore(%run_scoped3A_72 : memref<!tpu.dma_semaphore, #tpu.memory_space<semaphore_mem>>)
        %dma_wait3A_77 = arith.constant 0 : i32
        %dma_wait3A_78 = tpu.memref_slice %arg7[%mul3A_71, %dma_wait3A_77] : memref<10240x128xf32, #tpu.memory_space<hbm>> -> memref<640x128xf32, #tpu.memory_space<hbm>>
        %dma_wait3A_79 = arith.constant 0 : i32
        %dma_wait3A_80 = tpu.memref_slice %arg11[%mul3A_69, %dma_wait3A_79] : memref<10240x128xf32, #tpu.memory_space<vmem_shared>> -> memref<640x128xf32, #tpu.memory_space<vmem_shared>>
        tpu.wait_dma2 semaphore(%run_scoped3A_72 : memref<!tpu.dma_semaphore, #tpu.memory_space<semaphore_mem>>) src(%dma_wait3A_80 : memref<640x128xf32, #tpu.memory_space<vmem_shared>>) dst(%dma_wait3A_78 : memref<640x128xf32, #tpu.memory_space<hbm>>)
        tpu.yield
      }) : () -> ()
    } else {
    }
    return
  }
}

#map = affine_map<(d0, d1) -> (0, 0)>
#map1 = affine_map<(d0, d1) -> (0)>
module attributes {stable_mosaic.version = 14 : i64} {
  func.func @deg_kernel(%arg0: i32, %arg1: i32, %arg2: memref<2x320000xi32, #tpu.memory_space<hbm>>, %arg3: memref<640xf32, #tpu.memory_space<hbm>>, %arg4: memref<128xf32, #tpu.memory_space<hbm>>, %arg5: memref<2x10240xf32, #tpu.memory_space<hbm>>, %arg6: memref<10240xi32, #tpu.memory_space<vmem>>, %arg7: memref<128xf32, #tpu.memory_space<vmem>>, %arg8: memref<10240xf32, #tpu.memory_space<vmem_shared>>, %arg9: memref<!tpu.dma_semaphore, #tpu.memory_space<semaphore_mem>>) attributes {dimension_semantics = [#tpu.dimension_semantics<core_parallel>, #tpu.dimension_semantics<subcore_parallel>], iteration_bounds = array<i64: 2, 16>, scalar_prefetch = 0 : i64, scratch_operands = 4 : i64, tpu.core_type = #tpu.core_type<sc_vector_subcore>, window_params = [{transform_indices = #map}, {transform_indices = #map1}, {transform_indices = #map1}, {transform_indices = #map}]} {
    %mul3A = arith.constant 16 : i32
    %mul3A_0 = arith.muli %arg0, %mul3A : i32
    %add3A = arith.addi %mul3A_0, %arg1 : i32
    %lt3A = arith.constant 31 : i32
    %lt3A_1 = arith.cmpi slt, %add3A, %lt3A : i32
    %jit3A = arith.constant 79 : i32
    %jit3A_2 = arith.constant 51 : i32
    %select_n3A = arith.select %lt3A_1, %jit3A, %jit3A_2 : i32
    %mul3A_3 = arith.constant 10112 : i32
    %mul3A_4 = arith.muli %add3A, %mul3A_3 : i32
    %mul3A_5 = arith.constant 640 : i32
    %mul3A_6 = arith.muli %arg1, %mul3A_5 : i32
    "tpu.region"() ({
      %run_scoped3A = tpu.sem_alloc : memref<!tpu.dma_semaphore, #tpu.memory_space<semaphore_mem>>
      %dma_start3A = tpu.memref_slice %arg8[%mul3A_6] : memref<10240xf32, #tpu.memory_space<vmem_shared>> -> memref<640xf32, #tpu.memory_space<vmem_shared>>
      tpu.enqueue_dma source(%arg3 : memref<640xf32, #tpu.memory_space<hbm>>) target(%dma_start3A : memref<640xf32, #tpu.memory_space<vmem_shared>>) target_semaphore(%run_scoped3A : memref<!tpu.dma_semaphore, #tpu.memory_space<semaphore_mem>>)
      %dma_wait3A = tpu.memref_slice %arg8[%mul3A_6] : memref<10240xf32, #tpu.memory_space<vmem_shared>> -> memref<640xf32, #tpu.memory_space<vmem_shared>>
      tpu.wait_dma2 semaphore(%run_scoped3A : memref<!tpu.dma_semaphore, #tpu.memory_space<semaphore_mem>>) src(%arg3 : memref<640xf32, #tpu.memory_space<hbm>>) dst(%dma_wait3A : memref<640xf32, #tpu.memory_space<vmem_shared>>)
      tpu.yield
    }) : () -> ()
    "tpu.region"() ({
      %run_scoped3A = tpu.sem_alloc : memref<!tpu.dma_semaphore, #tpu.memory_space<semaphore_mem>>
      tpu.enqueue_dma source(%arg4 : memref<128xf32, #tpu.memory_space<hbm>>) target(%arg7 : memref<128xf32, #tpu.memory_space<vmem>>) target_semaphore(%run_scoped3A : memref<!tpu.dma_semaphore, #tpu.memory_space<semaphore_mem>>)
      tpu.wait_dma2 semaphore(%run_scoped3A : memref<!tpu.dma_semaphore, #tpu.memory_space<semaphore_mem>>) src(%arg4 : memref<128xf32, #tpu.memory_space<hbm>>) dst(%arg7 : memref<128xf32, #tpu.memory_space<vmem>>)
      tpu.yield
    }) : () -> ()
    %lt3A_7 = arith.constant 31 : i32
    %lt3A_8 = arith.cmpi slt, %add3A, %lt3A_7 : i32
    %convert_element_type3A = arith.extui %lt3A_8 : i1 to i32
    %cond3A = arith.constant 0 : i32
    %cond3A_9 = arith.cmpi ne, %convert_element_type3A, %cond3A : i32
    scf.if %cond3A_9 {
      %run_scoped3A = arith.constant 0 : i32
      "tpu.region"() ({
        %run_scoped3A_38 = tpu.sem_alloc : memref<!tpu.dma_semaphore, #tpu.memory_space<semaphore_mem>>
        %dma_start3A = arith.constant 0 : i32
        %dma_start3A_39 = tpu.memref_slice %arg6[%dma_start3A] : memref<10240xi32, #tpu.memory_space<vmem>> -> memref<10112xi32, #tpu.memory_space<vmem>>
        %dma_start3A_40 = tpu.memref_slice %arg2[%run_scoped3A, %mul3A_4] : memref<2x320000xi32, #tpu.memory_space<hbm>> -> memref<1x10112xi32, #tpu.memory_space<hbm>>
        %dma_start3A_41 = tpu.memref_squeeze %dma_start3A_40 : memref<1x10112xi32, #tpu.memory_space<hbm>> -> memref<10112xi32, #tpu.memory_space<hbm>>
        %dma_start3A_42 = arith.constant 0 : i32
        %dma_start3A_43 = tpu.memref_slice %arg6[%dma_start3A_42] : memref<10240xi32, #tpu.memory_space<vmem>> -> memref<10112xi32, #tpu.memory_space<vmem>>
        %dma_start3A_44 = tpu.memref_slice %arg2[%run_scoped3A, %mul3A_4] : memref<2x320000xi32, #tpu.memory_space<hbm>> -> memref<1x10112xi32, #tpu.memory_space<hbm>>
        %dma_start3A_45 = tpu.memref_squeeze %dma_start3A_44 : memref<1x10112xi32, #tpu.memory_space<hbm>> -> memref<10112xi32, #tpu.memory_space<hbm>>
        tpu.enqueue_dma source(%dma_start3A_45 : memref<10112xi32, #tpu.memory_space<hbm>>) target(%dma_start3A_43 : memref<10112xi32, #tpu.memory_space<vmem>>) target_semaphore(%run_scoped3A_38 : memref<!tpu.dma_semaphore, #tpu.memory_space<semaphore_mem>>)
        %dma_wait3A = arith.constant 0 : i32
        %dma_wait3A_46 = tpu.memref_slice %arg6[%dma_wait3A] : memref<10240xi32, #tpu.memory_space<vmem>> -> memref<10112xi32, #tpu.memory_space<vmem>>
        %dma_wait3A_47 = tpu.memref_slice %arg2[%run_scoped3A, %mul3A_4] : memref<2x320000xi32, #tpu.memory_space<hbm>> -> memref<1x10112xi32, #tpu.memory_space<hbm>>
        %dma_wait3A_48 = tpu.memref_squeeze %dma_wait3A_47 : memref<1x10112xi32, #tpu.memory_space<hbm>> -> memref<10112xi32, #tpu.memory_space<hbm>>
        %dma_wait3A_49 = arith.constant 0 : i32
        %dma_wait3A_50 = tpu.memref_slice %arg6[%dma_wait3A_49] : memref<10240xi32, #tpu.memory_space<vmem>> -> memref<10112xi32, #tpu.memory_space<vmem>>
        %dma_wait3A_51 = tpu.memref_slice %arg2[%run_scoped3A, %mul3A_4] : memref<2x320000xi32, #tpu.memory_space<hbm>> -> memref<1x10112xi32, #tpu.memory_space<hbm>>
        %dma_wait3A_52 = tpu.memref_squeeze %dma_wait3A_51 : memref<1x10112xi32, #tpu.memory_space<hbm>> -> memref<10112xi32, #tpu.memory_space<hbm>>
        tpu.wait_dma2 semaphore(%run_scoped3A_38 : memref<!tpu.dma_semaphore, #tpu.memory_space<semaphore_mem>>) src(%dma_wait3A_52 : memref<10112xi32, #tpu.memory_space<hbm>>) dst(%dma_wait3A_50 : memref<10112xi32, #tpu.memory_space<vmem>>)
        tpu.yield
      }) : () -> ()
    } else {
    }
    %ge3A = arith.constant 31 : i32
    %ge3A_10 = arith.cmpi sge, %add3A, %ge3A : i32
    %convert_element_type3A_11 = arith.extui %ge3A_10 : i1 to i32
    %cond3A_12 = arith.constant 0 : i32
    %cond3A_13 = arith.cmpi ne, %convert_element_type3A_11, %cond3A_12 : i32
    scf.if %cond3A_13 {
      %run_scoped3A = arith.constant 0 : i32
      "tpu.region"() ({
        %run_scoped3A_38 = tpu.sem_alloc : memref<!tpu.dma_semaphore, #tpu.memory_space<semaphore_mem>>
        %dma_start3A = arith.constant 0 : i32
        %dma_start3A_39 = tpu.memref_slice %arg6[%dma_start3A] : memref<10240xi32, #tpu.memory_space<vmem>> -> memref<6528xi32, #tpu.memory_space<vmem>>
        %dma_start3A_40 = tpu.memref_slice %arg2[%run_scoped3A, %mul3A_4] : memref<2x320000xi32, #tpu.memory_space<hbm>> -> memref<1x6528xi32, #tpu.memory_space<hbm>>
        %dma_start3A_41 = tpu.memref_squeeze %dma_start3A_40 : memref<1x6528xi32, #tpu.memory_space<hbm>> -> memref<6528xi32, #tpu.memory_space<hbm>>
        %dma_start3A_42 = arith.constant 0 : i32
        %dma_start3A_43 = tpu.memref_slice %arg6[%dma_start3A_42] : memref<10240xi32, #tpu.memory_space<vmem>> -> memref<6528xi32, #tpu.memory_space<vmem>>
        %dma_start3A_44 = tpu.memref_slice %arg2[%run_scoped3A, %mul3A_4] : memref<2x320000xi32, #tpu.memory_space<hbm>> -> memref<1x6528xi32, #tpu.memory_space<hbm>>
        %dma_start3A_45 = tpu.memref_squeeze %dma_start3A_44 : memref<1x6528xi32, #tpu.memory_space<hbm>> -> memref<6528xi32, #tpu.memory_space<hbm>>
        tpu.enqueue_dma source(%dma_start3A_45 : memref<6528xi32, #tpu.memory_space<hbm>>) target(%dma_start3A_43 : memref<6528xi32, #tpu.memory_space<vmem>>) target_semaphore(%run_scoped3A_38 : memref<!tpu.dma_semaphore, #tpu.memory_space<semaphore_mem>>)
        %dma_wait3A = arith.constant 0 : i32
        %dma_wait3A_46 = tpu.memref_slice %arg6[%dma_wait3A] : memref<10240xi32, #tpu.memory_space<vmem>> -> memref<6528xi32, #tpu.memory_space<vmem>>
        %dma_wait3A_47 = tpu.memref_slice %arg2[%run_scoped3A, %mul3A_4] : memref<2x320000xi32, #tpu.memory_space<hbm>> -> memref<1x6528xi32, #tpu.memory_space<hbm>>
        %dma_wait3A_48 = tpu.memref_squeeze %dma_wait3A_47 : memref<1x6528xi32, #tpu.memory_space<hbm>> -> memref<6528xi32, #tpu.memory_space<hbm>>
        %dma_wait3A_49 = arith.constant 0 : i32
        %dma_wait3A_50 = tpu.memref_slice %arg6[%dma_wait3A_49] : memref<10240xi32, #tpu.memory_space<vmem>> -> memref<6528xi32, #tpu.memory_space<vmem>>
        %dma_wait3A_51 = tpu.memref_slice %arg2[%run_scoped3A, %mul3A_4] : memref<2x320000xi32, #tpu.memory_space<hbm>> -> memref<1x6528xi32, #tpu.memory_space<hbm>>
        %dma_wait3A_52 = tpu.memref_squeeze %dma_wait3A_51 : memref<1x6528xi32, #tpu.memory_space<hbm>> -> memref<6528xi32, #tpu.memory_space<hbm>>
        tpu.wait_dma2 semaphore(%run_scoped3A_38 : memref<!tpu.dma_semaphore, #tpu.memory_space<semaphore_mem>>) src(%dma_wait3A_52 : memref<6528xi32, #tpu.memory_space<hbm>>) dst(%dma_wait3A_50 : memref<6528xi32, #tpu.memory_space<vmem>>)
        tpu.yield
      }) : () -> ()
    } else {
    }
    %barrier3A = arith.constant 0 : index
    tpu.barrier barrier_id(%barrier3A)
    %while3A = arith.constant 0 : i32
    %while3A_14 = arith.constant 0 : i32
    %while3A_15 = arith.subi %select_n3A, %while3A_14 : i32
    %while3A_16 = arith.addi %while3A_14, %while3A_15 : i32
    %while3A_17 = arith.constant 1 : i32
    %while3A_18 = arith.divsi %while3A_15, %while3A_17 : i32
    %while3A_19 = arith.muli %while3A_18, %while3A_17 : i32
    %while3A_20 = arith.addi %while3A_14, %while3A_19 : i32
    %while3A_21 = arith.constant 1 : i32
    scf.for %while3A_38 = %while3A_14 to %while3A_20 step %while3A_21  : i32 {
      %mul3A_39 = arith.constant 128 : i32
      %mul3A_40 = arith.muli %while3A_38, %mul3A_39 : i32
      %dma_start3A = tpu.memref_slice %arg6[%mul3A_40] : memref<10240xi32, #tpu.memory_space<vmem>> -> memref<128xi32, #tpu.memory_space<vmem>>
      %dma_start3A_41 = arith.constant 0 : i32
      %dma_start3A_42 = tpu.memref_slice %arg8[%dma_start3A_41] : memref<10240xf32, #tpu.memory_space<vmem_shared>> -> memref<10240xf32, #tpu.memory_space<vmem_shared>>
      tpu.enqueue_indirect_dma source(%arg7 : memref<128xf32, #tpu.memory_space<vmem>>) target(%dma_start3A_42 : memref<10240xf32, #tpu.memory_space<vmem_shared>>) offsets(%dma_start3A : memref<128xi32, #tpu.memory_space<vmem>>) semaphore(%arg9 : memref<!tpu.dma_semaphore, #tpu.memory_space<semaphore_mem>>) {add = true}
    }
    %while3A_22 = arith.constant 1 : i32
    scf.for %while3A_38 = %while3A_20 to %while3A_16 step %while3A_22  : i32 {
      %mul3A_39 = arith.constant 128 : i32
      %mul3A_40 = arith.muli %while3A_38, %mul3A_39 : i32
      %dma_start3A = tpu.memref_slice %arg6[%mul3A_40] : memref<10240xi32, #tpu.memory_space<vmem>> -> memref<128xi32, #tpu.memory_space<vmem>>
      %dma_start3A_41 = arith.constant 0 : i32
      %dma_start3A_42 = tpu.memref_slice %arg8[%dma_start3A_41] : memref<10240xf32, #tpu.memory_space<vmem_shared>> -> memref<10240xf32, #tpu.memory_space<vmem_shared>>
      tpu.enqueue_indirect_dma source(%arg7 : memref<128xf32, #tpu.memory_space<vmem>>) target(%dma_start3A_42 : memref<10240xf32, #tpu.memory_space<vmem_shared>>) offsets(%dma_start3A : memref<128xi32, #tpu.memory_space<vmem>>) semaphore(%arg9 : memref<!tpu.dma_semaphore, #tpu.memory_space<semaphore_mem>>) {add = true}
    }
    %while3A_23 = arith.constant 0 : i32
    %while3A_24 = arith.constant 0 : i32
    %while3A_25 = arith.subi %select_n3A, %while3A_24 : i32
    %while3A_26 = arith.addi %while3A_24, %while3A_25 : i32
    %while3A_27 = arith.constant 1 : i32
    %while3A_28 = arith.divsi %while3A_25, %while3A_27 : i32
    %while3A_29 = arith.muli %while3A_28, %while3A_27 : i32
    %while3A_30 = arith.addi %while3A_24, %while3A_29 : i32
    %while3A_31 = arith.constant 1 : i32
    scf.for %while3A_38 = %while3A_24 to %while3A_30 step %while3A_31  : i32 {
      %mul3A_39 = arith.constant 128 : i32
      %mul3A_40 = arith.muli %while3A_38, %mul3A_39 : i32
      %dma_wait3A = tpu.memref_slice %arg6[%mul3A_40] : memref<10240xi32, #tpu.memory_space<vmem>> -> memref<128xi32, #tpu.memory_space<vmem>>
      %dma_wait3A_41 = arith.constant 0 : i32
      %dma_wait3A_42 = tpu.memref_slice %arg8[%dma_wait3A_41] : memref<10240xf32, #tpu.memory_space<vmem_shared>> -> memref<10240xf32, #tpu.memory_space<vmem_shared>>
      tpu.wait_indirect_dma semaphore(%arg9 : memref<!tpu.dma_semaphore, #tpu.memory_space<semaphore_mem>>) src(%arg7 : memref<128xf32, #tpu.memory_space<vmem>>) dst(%dma_wait3A_42 : memref<10240xf32, #tpu.memory_space<vmem_shared>>)
    }
    %while3A_32 = arith.constant 1 : i32
    scf.for %while3A_38 = %while3A_30 to %while3A_26 step %while3A_32  : i32 {
      %mul3A_39 = arith.constant 128 : i32
      %mul3A_40 = arith.muli %while3A_38, %mul3A_39 : i32
      %dma_wait3A = tpu.memref_slice %arg6[%mul3A_40] : memref<10240xi32, #tpu.memory_space<vmem>> -> memref<128xi32, #tpu.memory_space<vmem>>
      %dma_wait3A_41 = arith.constant 0 : i32
      %dma_wait3A_42 = tpu.memref_slice %arg8[%dma_wait3A_41] : memref<10240xf32, #tpu.memory_space<vmem_shared>> -> memref<10240xf32, #tpu.memory_space<vmem_shared>>
      tpu.wait_indirect_dma semaphore(%arg9 : memref<!tpu.dma_semaphore, #tpu.memory_space<semaphore_mem>>) src(%arg7 : memref<128xf32, #tpu.memory_space<vmem>>) dst(%dma_wait3A_42 : memref<10240xf32, #tpu.memory_space<vmem_shared>>)
    }
    %barrier3A_33 = arith.constant 0 : index
    tpu.barrier barrier_id(%barrier3A_33)
    %mul3A_34 = arith.constant 640 : i32
    %mul3A_35 = arith.muli %arg1, %mul3A_34 : i32
    %mul3A_36 = arith.constant 640 : i32
    %mul3A_37 = arith.muli %arg1, %mul3A_36 : i32
    "tpu.region"() ({
      %run_scoped3A = tpu.sem_alloc : memref<!tpu.dma_semaphore, #tpu.memory_space<semaphore_mem>>
      %dma_start3A = arith.constant 0 : i32
      %dma_start3A_38 = tpu.memref_slice %arg5[%arg0, %dma_start3A] : memref<2x10240xf32, #tpu.memory_space<hbm>> -> memref<1x10240xf32, #tpu.memory_space<hbm>>
      %dma_start3A_39 = tpu.memref_squeeze %dma_start3A_38 : memref<1x10240xf32, #tpu.memory_space<hbm>> -> memref<10240xf32, #tpu.memory_space<hbm>>
      %dma_start3A_40 = tpu.memref_slice %dma_start3A_39[%mul3A_37] : memref<10240xf32, #tpu.memory_space<hbm>> -> memref<640xf32, #tpu.memory_space<hbm>>
      %dma_start3A_41 = tpu.memref_slice %arg8[%mul3A_35] : memref<10240xf32, #tpu.memory_space<vmem_shared>> -> memref<640xf32, #tpu.memory_space<vmem_shared>>
      tpu.enqueue_dma source(%dma_start3A_41 : memref<640xf32, #tpu.memory_space<vmem_shared>>) target(%dma_start3A_40 : memref<640xf32, #tpu.memory_space<hbm>>) target_semaphore(%run_scoped3A : memref<!tpu.dma_semaphore, #tpu.memory_space<semaphore_mem>>)
      %dma_wait3A = arith.constant 0 : i32
      %dma_wait3A_42 = tpu.memref_slice %arg5[%arg0, %dma_wait3A] : memref<2x10240xf32, #tpu.memory_space<hbm>> -> memref<1x10240xf32, #tpu.memory_space<hbm>>
      %dma_wait3A_43 = tpu.memref_squeeze %dma_wait3A_42 : memref<1x10240xf32, #tpu.memory_space<hbm>> -> memref<10240xf32, #tpu.memory_space<hbm>>
      %dma_wait3A_44 = tpu.memref_slice %dma_wait3A_43[%mul3A_37] : memref<10240xf32, #tpu.memory_space<hbm>> -> memref<640xf32, #tpu.memory_space<hbm>>
      %dma_wait3A_45 = tpu.memref_slice %arg8[%mul3A_35] : memref<10240xf32, #tpu.memory_space<vmem_shared>> -> memref<640xf32, #tpu.memory_space<vmem_shared>>
      tpu.wait_dma2 semaphore(%run_scoped3A : memref<!tpu.dma_semaphore, #tpu.memory_space<semaphore_mem>>) src(%dma_wait3A_45 : memref<640xf32, #tpu.memory_space<vmem_shared>>) dst(%dma_wait3A_44 : memref<640xf32, #tpu.memory_space<hbm>>)
      tpu.yield
    }) : () -> ()
    return
  }
}

#map = affine_map<(d0, d1) -> (0, 0)>
#map1 = affine_map<(d0, d1) -> (0, 0, 0)>
module attributes {stable_mosaic.version = 14 : i64} {
  func.func @spmm_kernel(%arg0: i32, %arg1: i32, %arg2: memref<10000x128xf32, #tpu.memory_space<hbm>>, %arg3: memref<32x80x128xi32, #tpu.memory_space<hbm>>, %arg4: memref<32x80x128xi32, #tpu.memory_space<hbm>>, %arg5: memref<640x128xf32, #tpu.memory_space<hbm>>, %arg6: memref<10240x128xf32, #tpu.memory_space<hbm>>, %arg7: memref<10240x128xf32, #tpu.memory_space<hbm>>, %arg8: memref<2x16x128xi32, #tpu.memory_space<vmem>>, %arg9: memref<2x16x128xi32, #tpu.memory_space<vmem>>, %arg10: memref<2x128x128xf32, #tpu.memory_space<vmem>>, %arg11: memref<10240x128xf32, #tpu.memory_space<vmem_shared>>, %arg12: memref<!tpu.dma_semaphore, #tpu.memory_space<semaphore_mem>>, %arg13: memref<!tpu.dma_semaphore, #tpu.memory_space<semaphore_mem>>, %arg14: memref<!tpu.dma_semaphore, #tpu.memory_space<semaphore_mem>>) attributes {dimension_semantics = [#tpu.dimension_semantics<core_parallel>, #tpu.dimension_semantics<subcore_parallel>], iteration_bounds = array<i64: 2, 16>, scalar_prefetch = 0 : i64, scratch_operands = 7 : i64, tpu.core_type = #tpu.core_type<sc_vector_subcore>, window_params = [{transform_indices = #map}, {transform_indices = #map1}, {transform_indices = #map1}, {transform_indices = #map}, {transform_indices = #map}, {transform_indices = #map}]} {
    %mul3A = arith.constant 16 : i32
    %mul3A_0 = arith.muli %arg0, %mul3A : i32
    %add3A = arith.addi %mul3A_0, %arg1 : i32
    %mul3A_1 = arith.constant 640 : i32
    %mul3A_2 = arith.muli %arg1, %mul3A_1 : i32
    %dma_start3A = arith.constant 0 : i32
    %dma_start3A_3 = tpu.memref_slice %arg11[%mul3A_2, %dma_start3A] : memref<10240x128xf32, #tpu.memory_space<vmem_shared>> -> memref<640x128xf32, #tpu.memory_space<vmem_shared>>
    tpu.enqueue_dma source(%arg5 : memref<640x128xf32, #tpu.memory_space<hbm>>) target(%dma_start3A_3 : memref<640x128xf32, #tpu.memory_space<vmem_shared>>) target_semaphore(%arg14 : memref<!tpu.dma_semaphore, #tpu.memory_space<semaphore_mem>>)
    %run_scoped3A = arith.constant 0 : i32
    "tpu.region"() ({
      %run_scoped3A_68 = tpu.sem_alloc : memref<!tpu.dma_semaphore, #tpu.memory_space<semaphore_mem>>
      %dma_start3A_69 = arith.constant 0 : i32
      %dma_start3A_70 = arith.constant 0 : i32
      %dma_start3A_71 = tpu.memref_slice %arg8[%run_scoped3A, %dma_start3A_69, %dma_start3A_70] : memref<2x16x128xi32, #tpu.memory_space<vmem>> -> memref<1x16x128xi32, #tpu.memory_space<vmem>>
      %dma_start3A_72 = tpu.memref_squeeze %dma_start3A_71 : memref<1x16x128xi32, #tpu.memory_space<vmem>> -> memref<16x128xi32, #tpu.memory_space<vmem>>
      %dma_start3A_73 = arith.constant 0 : i32
      %dma_start3A_74 = arith.constant 0 : i32
      %dma_start3A_75 = tpu.memref_slice %arg3[%add3A, %dma_start3A_73, %dma_start3A_74] : memref<32x80x128xi32, #tpu.memory_space<hbm>> -> memref<1x16x128xi32, #tpu.memory_space<hbm>>
      %dma_start3A_76 = tpu.memref_squeeze %dma_start3A_75 : memref<1x16x128xi32, #tpu.memory_space<hbm>> -> memref<16x128xi32, #tpu.memory_space<hbm>>
      %dma_start3A_77 = arith.constant 0 : i32
      %dma_start3A_78 = arith.constant 0 : i32
      %dma_start3A_79 = tpu.memref_slice %arg8[%run_scoped3A, %dma_start3A_77, %dma_start3A_78] : memref<2x16x128xi32, #tpu.memory_space<vmem>> -> memref<1x16x128xi32, #tpu.memory_space<vmem>>
      %dma_start3A_80 = tpu.memref_squeeze %dma_start3A_79 : memref<1x16x128xi32, #tpu.memory_space<vmem>> -> memref<16x128xi32, #tpu.memory_space<vmem>>
      %dma_start3A_81 = arith.constant 0 : i32
      %dma_start3A_82 = arith.constant 0 : i32
      %dma_start3A_83 = tpu.memref_slice %arg3[%add3A, %dma_start3A_81, %dma_start3A_82] : memref<32x80x128xi32, #tpu.memory_space<hbm>> -> memref<1x16x128xi32, #tpu.memory_space<hbm>>
      %dma_start3A_84 = tpu.memref_squeeze %dma_start3A_83 : memref<1x16x128xi32, #tpu.memory_space<hbm>> -> memref<16x128xi32, #tpu.memory_space<hbm>>
      tpu.enqueue_dma source(%dma_start3A_84 : memref<16x128xi32, #tpu.memory_space<hbm>>) target(%dma_start3A_80 : memref<16x128xi32, #tpu.memory_space<vmem>>) target_semaphore(%run_scoped3A_68 : memref<!tpu.dma_semaphore, #tpu.memory_space<semaphore_mem>>)
      %dma_wait3A_85 = arith.constant 0 : i32
      %dma_wait3A_86 = arith.constant 0 : i32
      %dma_wait3A_87 = tpu.memref_slice %arg8[%run_scoped3A, %dma_wait3A_85, %dma_wait3A_86] : memref<2x16x128xi32, #tpu.memory_space<vmem>> -> memref<1x16x128xi32, #tpu.memory_space<vmem>>
      %dma_wait3A_88 = tpu.memref_squeeze %dma_wait3A_87 : memref<1x16x128xi32, #tpu.memory_space<vmem>> -> memref<16x128xi32, #tpu.memory_space<vmem>>
      %dma_wait3A_89 = arith.constant 0 : i32
      %dma_wait3A_90 = arith.constant 0 : i32
      %dma_wait3A_91 = tpu.memref_slice %arg3[%add3A, %dma_wait3A_89, %dma_wait3A_90] : memref<32x80x128xi32, #tpu.memory_space<hbm>> -> memref<1x16x128xi32, #tpu.memory_space<hbm>>
      %dma_wait3A_92 = tpu.memref_squeeze %dma_wait3A_91 : memref<1x16x128xi32, #tpu.memory_space<hbm>> -> memref<16x128xi32, #tpu.memory_space<hbm>>
      %dma_wait3A_93 = arith.constant 0 : i32
      %dma_wait3A_94 = arith.constant 0 : i32
      %dma_wait3A_95 = tpu.memref_slice %arg8[%run_scoped3A, %dma_wait3A_93, %dma_wait3A_94] : memref<2x16x128xi32, #tpu.memory_space<vmem>> -> memref<1x16x128xi32, #tpu.memory_space<vmem>>
      %dma_wait3A_96 = tpu.memref_squeeze %dma_wait3A_95 : memref<1x16x128xi32, #tpu.memory_space<vmem>> -> memref<16x128xi32, #tpu.memory_space<vmem>>
      %dma_wait3A_97 = arith.constant 0 : i32
      %dma_wait3A_98 = arith.constant 0 : i32
      %dma_wait3A_99 = tpu.memref_slice %arg3[%add3A, %dma_wait3A_97, %dma_wait3A_98] : memref<32x80x128xi32, #tpu.memory_space<hbm>> -> memref<1x16x128xi32, #tpu.memory_space<hbm>>
      %dma_wait3A_100 = tpu.memref_squeeze %dma_wait3A_99 : memref<1x16x128xi32, #tpu.memory_space<hbm>> -> memref<16x128xi32, #tpu.memory_space<hbm>>
      tpu.wait_dma2 semaphore(%run_scoped3A_68 : memref<!tpu.dma_semaphore, #tpu.memory_space<semaphore_mem>>) src(%dma_wait3A_100 : memref<16x128xi32, #tpu.memory_space<hbm>>) dst(%dma_wait3A_96 : memref<16x128xi32, #tpu.memory_space<vmem>>)
      tpu.yield
    }) : () -> ()
    %run_scoped3A_4 = arith.constant 0 : i32
    "tpu.region"() ({
      %run_scoped3A_68 = tpu.sem_alloc : memref<!tpu.dma_semaphore, #tpu.memory_space<semaphore_mem>>
      %dma_start3A_69 = arith.constant 0 : i32
      %dma_start3A_70 = arith.constant 0 : i32
      %dma_start3A_71 = tpu.memref_slice %arg9[%run_scoped3A_4, %dma_start3A_69, %dma_start3A_70] : memref<2x16x128xi32, #tpu.memory_space<vmem>> -> memref<1x16x128xi32, #tpu.memory_space<vmem>>
      %dma_start3A_72 = tpu.memref_squeeze %dma_start3A_71 : memref<1x16x128xi32, #tpu.memory_space<vmem>> -> memref<16x128xi32, #tpu.memory_space<vmem>>
      %dma_start3A_73 = arith.constant 0 : i32
      %dma_start3A_74 = arith.constant 0 : i32
      %dma_start3A_75 = tpu.memref_slice %arg4[%add3A, %dma_start3A_73, %dma_start3A_74] : memref<32x80x128xi32, #tpu.memory_space<hbm>> -> memref<1x16x128xi32, #tpu.memory_space<hbm>>
      %dma_start3A_76 = tpu.memref_squeeze %dma_start3A_75 : memref<1x16x128xi32, #tpu.memory_space<hbm>> -> memref<16x128xi32, #tpu.memory_space<hbm>>
      %dma_start3A_77 = arith.constant 0 : i32
      %dma_start3A_78 = arith.constant 0 : i32
      %dma_start3A_79 = tpu.memref_slice %arg9[%run_scoped3A_4, %dma_start3A_77, %dma_start3A_78] : memref<2x16x128xi32, #tpu.memory_space<vmem>> -> memref<1x16x128xi32, #tpu.memory_space<vmem>>
      %dma_start3A_80 = tpu.memref_squeeze %dma_start3A_79 : memref<1x16x128xi32, #tpu.memory_space<vmem>> -> memref<16x128xi32, #tpu.memory_space<vmem>>
      %dma_start3A_81 = arith.constant 0 : i32
      %dma_start3A_82 = arith.constant 0 : i32
      %dma_start3A_83 = tpu.memref_slice %arg4[%add3A, %dma_start3A_81, %dma_start3A_82] : memref<32x80x128xi32, #tpu.memory_space<hbm>> -> memref<1x16x128xi32, #tpu.memory_space<hbm>>
      %dma_start3A_84 = tpu.memref_squeeze %dma_start3A_83 : memref<1x16x128xi32, #tpu.memory_space<hbm>> -> memref<16x128xi32, #tpu.memory_space<hbm>>
      tpu.enqueue_dma source(%dma_start3A_84 : memref<16x128xi32, #tpu.memory_space<hbm>>) target(%dma_start3A_80 : memref<16x128xi32, #tpu.memory_space<vmem>>) target_semaphore(%run_scoped3A_68 : memref<!tpu.dma_semaphore, #tpu.memory_space<semaphore_mem>>)
      %dma_wait3A_85 = arith.constant 0 : i32
      %dma_wait3A_86 = arith.constant 0 : i32
      %dma_wait3A_87 = tpu.memref_slice %arg9[%run_scoped3A_4, %dma_wait3A_85, %dma_wait3A_86] : memref<2x16x128xi32, #tpu.memory_space<vmem>> -> memref<1x16x128xi32, #tpu.memory_space<vmem>>
      %dma_wait3A_88 = tpu.memref_squeeze %dma_wait3A_87 : memref<1x16x128xi32, #tpu.memory_space<vmem>> -> memref<16x128xi32, #tpu.memory_space<vmem>>
      %dma_wait3A_89 = arith.constant 0 : i32
      %dma_wait3A_90 = arith.constant 0 : i32
      %dma_wait3A_91 = tpu.memref_slice %arg4[%add3A, %dma_wait3A_89, %dma_wait3A_90] : memref<32x80x128xi32, #tpu.memory_space<hbm>> -> memref<1x16x128xi32, #tpu.memory_space<hbm>>
      %dma_wait3A_92 = tpu.memref_squeeze %dma_wait3A_91 : memref<1x16x128xi32, #tpu.memory_space<hbm>> -> memref<16x128xi32, #tpu.memory_space<hbm>>
      %dma_wait3A_93 = arith.constant 0 : i32
      %dma_wait3A_94 = arith.constant 0 : i32
      %dma_wait3A_95 = tpu.memref_slice %arg9[%run_scoped3A_4, %dma_wait3A_93, %dma_wait3A_94] : memref<2x16x128xi32, #tpu.memory_space<vmem>> -> memref<1x16x128xi32, #tpu.memory_space<vmem>>
      %dma_wait3A_96 = tpu.memref_squeeze %dma_wait3A_95 : memref<1x16x128xi32, #tpu.memory_space<vmem>> -> memref<16x128xi32, #tpu.memory_space<vmem>>
      %dma_wait3A_97 = arith.constant 0 : i32
      %dma_wait3A_98 = arith.constant 0 : i32
      %dma_wait3A_99 = tpu.memref_slice %arg4[%add3A, %dma_wait3A_97, %dma_wait3A_98] : memref<32x80x128xi32, #tpu.memory_space<hbm>> -> memref<1x16x128xi32, #tpu.memory_space<hbm>>
      %dma_wait3A_100 = tpu.memref_squeeze %dma_wait3A_99 : memref<1x16x128xi32, #tpu.memory_space<hbm>> -> memref<16x128xi32, #tpu.memory_space<hbm>>
      tpu.wait_dma2 semaphore(%run_scoped3A_68 : memref<!tpu.dma_semaphore, #tpu.memory_space<semaphore_mem>>) src(%dma_wait3A_100 : memref<16x128xi32, #tpu.memory_space<hbm>>) dst(%dma_wait3A_96 : memref<16x128xi32, #tpu.memory_space<vmem>>)
      tpu.yield
    }) : () -> ()
    %dma_start3A_5 = arith.constant 1 : i32
    %dma_start3A_6 = arith.constant 0 : i32
    %dma_start3A_7 = arith.constant 0 : i32
    %dma_start3A_8 = tpu.memref_slice %arg8[%dma_start3A_5, %dma_start3A_6, %dma_start3A_7] : memref<2x16x128xi32, #tpu.memory_space<vmem>> -> memref<1x16x128xi32, #tpu.memory_space<vmem>>
    %dma_start3A_9 = tpu.memref_squeeze %dma_start3A_8 : memref<1x16x128xi32, #tpu.memory_space<vmem>> -> memref<16x128xi32, #tpu.memory_space<vmem>>
    %dma_start3A_10 = arith.constant 16 : i32
    %dma_start3A_11 = arith.constant 0 : i32
    %dma_start3A_12 = tpu.memref_slice %arg3[%add3A, %dma_start3A_10, %dma_start3A_11] : memref<32x80x128xi32, #tpu.memory_space<hbm>> -> memref<1x16x128xi32, #tpu.memory_space<hbm>>
    %dma_start3A_13 = tpu.memref_squeeze %dma_start3A_12 : memref<1x16x128xi32, #tpu.memory_space<hbm>> -> memref<16x128xi32, #tpu.memory_space<hbm>>
    %dma_start3A_14 = arith.constant 0 : i32
    %dma_start3A_15 = arith.constant 0 : i32
    %dma_start3A_16 = tpu.memref_slice %arg8[%dma_start3A_5, %dma_start3A_14, %dma_start3A_15] : memref<2x16x128xi32, #tpu.memory_space<vmem>> -> memref<1x16x128xi32, #tpu.memory_space<vmem>>
    %dma_start3A_17 = tpu.memref_squeeze %dma_start3A_16 : memref<1x16x128xi32, #tpu.memory_space<vmem>> -> memref<16x128xi32, #tpu.memory_space<vmem>>
    %dma_start3A_18 = arith.constant 16 : i32
    %dma_start3A_19 = arith.constant 0 : i32
    %dma_start3A_20 = tpu.memref_slice %arg3[%add3A, %dma_start3A_18, %dma_start3A_19] : memref<32x80x128xi32, #tpu.memory_space<hbm>> -> memref<1x16x128xi32, #tpu.memory_space<hbm>>
    %dma_start3A_21 = tpu.memref_squeeze %dma_start3A_20 : memref<1x16x128xi32, #tpu.memory_space<hbm>> -> memref<16x128xi32, #tpu.memory_space<hbm>>
    tpu.enqueue_dma source(%dma_start3A_21 : memref<16x128xi32, #tpu.memory_space<hbm>>) target(%dma_start3A_17 : memref<16x128xi32, #tpu.memory_space<vmem>>) target_semaphore(%arg13 : memref<!tpu.dma_semaphore, #tpu.memory_space<semaphore_mem>>)
    %dma_start3A_22 = arith.constant 1 : i32
    %dma_start3A_23 = arith.constant 0 : i32
    %dma_start3A_24 = arith.constant 0 : i32
    %dma_start3A_25 = tpu.memref_slice %arg9[%dma_start3A_22, %dma_start3A_23, %dma_start3A_24] : memref<2x16x128xi32, #tpu.memory_space<vmem>> -> memref<1x16x128xi32, #tpu.memory_space<vmem>>
    %dma_start3A_26 = tpu.memref_squeeze %dma_start3A_25 : memref<1x16x128xi32, #tpu.memory_space<vmem>> -> memref<16x128xi32, #tpu.memory_space<vmem>>
    %dma_start3A_27 = arith.constant 16 : i32
    %dma_start3A_28 = arith.constant 0 : i32
    %dma_start3A_29 = tpu.memref_slice %arg4[%add3A, %dma_start3A_27, %dma_start3A_28] : memref<32x80x128xi32, #tpu.memory_space<hbm>> -> memref<1x16x128xi32, #tpu.memory_space<hbm>>
    %dma_start3A_30 = tpu.memref_squeeze %dma_start3A_29 : memref<1x16x128xi32, #tpu.memory_space<hbm>> -> memref<16x128xi32, #tpu.memory_space<hbm>>
    %dma_start3A_31 = arith.constant 0 : i32
    %dma_start3A_32 = arith.constant 0 : i32
    %dma_start3A_33 = tpu.memref_slice %arg9[%dma_start3A_22, %dma_start3A_31, %dma_start3A_32] : memref<2x16x128xi32, #tpu.memory_space<vmem>> -> memref<1x16x128xi32, #tpu.memory_space<vmem>>
    %dma_start3A_34 = tpu.memref_squeeze %dma_start3A_33 : memref<1x16x128xi32, #tpu.memory_space<vmem>> -> memref<16x128xi32, #tpu.memory_space<vmem>>
    %dma_start3A_35 = arith.constant 16 : i32
    %dma_start3A_36 = arith.constant 0 : i32
    %dma_start3A_37 = tpu.memref_slice %arg4[%add3A, %dma_start3A_35, %dma_start3A_36] : memref<32x80x128xi32, #tpu.memory_space<hbm>> -> memref<1x16x128xi32, #tpu.memory_space<hbm>>
    %dma_start3A_38 = tpu.memref_squeeze %dma_start3A_37 : memref<1x16x128xi32, #tpu.memory_space<hbm>> -> memref<16x128xi32, #tpu.memory_space<hbm>>
    tpu.enqueue_dma source(%dma_start3A_38 : memref<16x128xi32, #tpu.memory_space<hbm>>) target(%dma_start3A_34 : memref<16x128xi32, #tpu.memory_space<vmem>>) target_semaphore(%arg13 : memref<!tpu.dma_semaphore, #tpu.memory_space<semaphore_mem>>)
    %mul3A_39 = arith.constant 640 : i32
    %mul3A_40 = arith.muli %arg1, %mul3A_39 : i32
    %dma_wait3A = arith.constant 0 : i32
    %dma_wait3A_41 = tpu.memref_slice %arg11[%mul3A_40, %dma_wait3A] : memref<10240x128xf32, #tpu.memory_space<vmem_shared>> -> memref<640x128xf32, #tpu.memory_space<vmem_shared>>
    tpu.wait_dma2 semaphore(%arg14 : memref<!tpu.dma_semaphore, #tpu.memory_space<semaphore_mem>>) src(%arg5 : memref<640x128xf32, #tpu.memory_space<hbm>>) dst(%dma_wait3A_41 : memref<640x128xf32, #tpu.memory_space<vmem_shared>>)
    %barrier3A = arith.constant 0 : index
    tpu.barrier barrier_id(%barrier3A)
    %dma_start3A_42 = arith.constant 0 : i32
    %dma_start3A_43 = arith.constant 0 : i32
    %dma_start3A_44 = arith.constant 0 : i32
    %dma_start3A_45 = arith.constant 0 : i32
    %dma_start3A_46 = arith.constant 0 : i32
    %dma_start3A_47 = tpu.memref_slice %arg10[%dma_start3A_44, %dma_start3A_45, %dma_start3A_46] : memref<2x128x128xf32, #tpu.memory_space<vmem>> -> memref<1x128x128xf32, #tpu.memory_space<vmem>>
    %dma_start3A_48 = tpu.memref_squeeze %dma_start3A_47 : memref<1x128x128xf32, #tpu.memory_space<vmem>> -> memref<128x128xf32, #tpu.memory_space<vmem>>
    %dma_start3A_49 = arith.constant 0 : i32
    %dma_start3A_50 = tpu.memref_slice %arg8[%dma_start3A_42, %dma_start3A_43, %dma_start3A_49] : memref<2x16x128xi32, #tpu.memory_space<vmem>> -> memref<1x1x128xi32, #tpu.memory_space<vmem>>
    %dma_start3A_51 = tpu.memref_squeeze %dma_start3A_50 : memref<1x1x128xi32, #tpu.memory_space<vmem>> -> memref<128xi32, #tpu.memory_space<vmem>>
    %dma_start3A_52 = arith.constant 0 : i32
    %dma_start3A_53 = arith.constant 0 : i32
    %dma_start3A_54 = tpu.memref_slice %arg2[%dma_start3A_52, %dma_start3A_53] : memref<10000x128xf32, #tpu.memory_space<hbm>> -> memref<10000x128xf32, #tpu.memory_space<hbm>>
    tpu.enqueue_indirect_dma source(%dma_start3A_54 : memref<10000x128xf32, #tpu.memory_space<hbm>>) target(%dma_start3A_48 : memref<128x128xf32, #tpu.memory_space<vmem>>) offsets(%dma_start3A_51 : memref<128xi32, #tpu.memory_space<vmem>>) semaphore(%arg12 : memref<!tpu.dma_semaphore, #tpu.memory_space<semaphore_mem>>)
    %scan3A = arith.constant 0 : i32
    %scan3A_55 = arith.constant 0 : i32
    %scan3A_56 = arith.constant 80 : i32
    %scan3A_57 = arith.addi %scan3A_55, %scan3A_56 : i32
    %scan3A_58 = arith.constant 1 : i32
    scf.for %scan3A_68 = %scan3A_55 to %scan3A_57 step %scan3A_58  : i32 {
      %jit3A = arith.constant 16 : i32
      %div3A = arith.divsi %scan3A_68, %jit3A : i32
      %sign3A = arith.constant 0 : i32
      %sign3A_69 = arith.cmpi sgt, %scan3A_68, %sign3A : i32
      %sign3A_70 = arith.extui %sign3A_69 : i1 to i32
      %sign3A_71 = arith.constant 0 : i32
      %sign3A_72 = arith.cmpi slt, %scan3A_68, %sign3A_71 : i32
      %sign3A_73 = arith.extui %sign3A_72 : i1 to i32
      %sign3A_74 = arith.subi %sign3A_70, %sign3A_73 : i32
      %sign3A_75 = arith.constant 0 : i32
      %sign3A_76 = arith.cmpi sgt, %jit3A, %sign3A_75 : i32
      %sign3A_77 = arith.extui %sign3A_76 : i1 to i32
      %sign3A_78 = arith.constant 0 : i32
      %sign3A_79 = arith.cmpi slt, %jit3A, %sign3A_78 : i32
      %sign3A_80 = arith.extui %sign3A_79 : i1 to i32
      %sign3A_81 = arith.subi %sign3A_77, %sign3A_80 : i32
      %ne3A = arith.cmpi ne, %sign3A_74, %sign3A_81 : i32
      %rem3A = arith.remsi %scan3A_68, %jit3A : i32
      %ne3A_82 = arith.constant 0 : i32
      %ne3A_83 = arith.cmpi ne, %rem3A, %ne3A_82 : i32
      %and3A = arith.andi %ne3A, %ne3A_83 : i1
      %sub3A = arith.constant 1 : i32
      %sub3A_84 = arith.subi %div3A, %sub3A : i32
      %select_n3A = arith.select %and3A, %sub3A_84, %div3A : i32
      %mul3A_85 = arith.constant 16 : i32
      %mul3A_86 = arith.muli %select_n3A, %mul3A_85 : i32
      %sub3A_87 = arith.subi %scan3A_68, %mul3A_86 : i32
      %rem3A_88 = arith.constant 2 : i32
      %rem3A_89 = arith.remsi %select_n3A, %rem3A_88 : i32
      %rem3A_90 = arith.constant 2 : i32
      %rem3A_91 = arith.remsi %scan3A_68, %rem3A_90 : i32
      %eq3A_92 = arith.constant 0 : i32
      %eq3A_93 = arith.cmpi eq, %sub3A_87, %eq3A_92 : i32
      %ge3A = arith.constant 1 : i32
      %ge3A_94 = arith.cmpi sge, %select_n3A, %ge3A : i32
      %lt3A = arith.constant 4 : i32
      %lt3A_95 = arith.cmpi slt, %select_n3A, %lt3A : i32
      %and3A_96 = arith.andi %ge3A_94, %lt3A_95 : i1
      %and3A_97 = arith.andi %eq3A_93, %and3A_96 : i1
      %convert_element_type3A_98 = arith.extui %and3A_97 : i1 to i32
      %cond3A_99 = arith.constant 0 : i32
      %cond3A_100 = arith.cmpi ne, %convert_element_type3A_98, %cond3A_99 : i32
      scf.if %cond3A_100 {
        %sub3A_116 = arith.constant 1 : i32
        %sub3A_117 = arith.subi %sub3A_116, %rem3A_89 : i32
        %add3A_118 = arith.constant 1 : i32
        %add3A_119 = arith.addi %select_n3A, %add3A_118 : i32
        %mul3A_120 = arith.constant 16 : i32
        %mul3A_121 = arith.muli %add3A_119, %mul3A_120 : i32
        %dma_start3A_122 = arith.constant 0 : i32
        %dma_start3A_123 = arith.constant 0 : i32
        %dma_start3A_124 = tpu.memref_slice %arg8[%sub3A_117, %dma_start3A_122, %dma_start3A_123] : memref<2x16x128xi32, #tpu.memory_space<vmem>> -> memref<1x16x128xi32, #tpu.memory_space<vmem>>
        %dma_start3A_125 = tpu.memref_squeeze %dma_start3A_124 : memref<1x16x128xi32, #tpu.memory_space<vmem>> -> memref<16x128xi32, #tpu.memory_space<vmem>>
        %dma_start3A_126 = arith.constant 0 : i32
        %dma_start3A_127 = tpu.memref_slice %arg3[%add3A, %mul3A_121, %dma_start3A_126] : memref<32x80x128xi32, #tpu.memory_space<hbm>> -> memref<1x16x128xi32, #tpu.memory_space<hbm>>
        %dma_start3A_128 = tpu.memref_squeeze %dma_start3A_127 : memref<1x16x128xi32, #tpu.memory_space<hbm>> -> memref<16x128xi32, #tpu.memory_space<hbm>>
        %dma_start3A_129 = arith.constant 0 : i32
        %dma_start3A_130 = arith.constant 0 : i32
        %dma_start3A_131 = tpu.memref_slice %arg8[%sub3A_117, %dma_start3A_129, %dma_start3A_130] : memref<2x16x128xi32, #tpu.memory_space<vmem>> -> memref<1x16x128xi32, #tpu.memory_space<vmem>>
        %dma_start3A_132 = tpu.memref_squeeze %dma_start3A_131 : memref<1x16x128xi32, #tpu.memory_space<vmem>> -> memref<16x128xi32, #tpu.memory_space<vmem>>
        %dma_start3A_133 = arith.constant 0 : i32
        %dma_start3A_134 = tpu.memref_slice %arg3[%add3A, %mul3A_121, %dma_start3A_133] : memref<32x80x128xi32, #tpu.memory_space<hbm>> -> memref<1x16x128xi32, #tpu.memory_space<hbm>>
        %dma_start3A_135 = tpu.memref_squeeze %dma_start3A_134 : memref<1x16x128xi32, #tpu.memory_space<hbm>> -> memref<16x128xi32, #tpu.memory_space<hbm>>
        tpu.enqueue_dma source(%dma_start3A_135 : memref<16x128xi32, #tpu.memory_space<hbm>>) target(%dma_start3A_132 : memref<16x128xi32, #tpu.memory_space<vmem>>) target_semaphore(%arg13 : memref<!tpu.dma_semaphore, #tpu.memory_space<semaphore_mem>>)
        %dma_start3A_136 = arith.constant 0 : i32
        %dma_start3A_137 = arith.constant 0 : i32
        %dma_start3A_138 = tpu.memref_slice %arg9[%sub3A_117, %dma_start3A_136, %dma_start3A_137] : memref<2x16x128xi32, #tpu.memory_space<vmem>> -> memref<1x16x128xi32, #tpu.memory_space<vmem>>
        %dma_start3A_139 = tpu.memref_squeeze %dma_start3A_138 : memref<1x16x128xi32, #tpu.memory_space<vmem>> -> memref<16x128xi32, #tpu.memory_space<vmem>>
        %dma_start3A_140 = arith.constant 0 : i32
        %dma_start3A_141 = tpu.memref_slice %arg4[%add3A, %mul3A_121, %dma_start3A_140] : memref<32x80x128xi32, #tpu.memory_space<hbm>> -> memref<1x16x128xi32, #tpu.memory_space<hbm>>
        %dma_start3A_142 = tpu.memref_squeeze %dma_start3A_141 : memref<1x16x128xi32, #tpu.memory_space<hbm>> -> memref<16x128xi32, #tpu.memory_space<hbm>>
        %dma_start3A_143 = arith.constant 0 : i32
        %dma_start3A_144 = arith.constant 0 : i32
        %dma_start3A_145 = tpu.memref_slice %arg9[%sub3A_117, %dma_start3A_143, %dma_start3A_144] : memref<2x16x128xi32, #tpu.memory_space<vmem>> -> memref<1x16x128xi32, #tpu.memory_space<vmem>>
        %dma_start3A_146 = tpu.memref_squeeze %dma_start3A_145 : memref<1x16x128xi32, #tpu.memory_space<vmem>> -> memref<16x128xi32, #tpu.memory_space<vmem>>
        %dma_start3A_147 = arith.constant 0 : i32
        %dma_start3A_148 = tpu.memref_slice %arg4[%add3A, %mul3A_121, %dma_start3A_147] : memref<32x80x128xi32, #tpu.memory_space<hbm>> -> memref<1x16x128xi32, #tpu.memory_space<hbm>>
        %dma_start3A_149 = tpu.memref_squeeze %dma_start3A_148 : memref<1x16x128xi32, #tpu.memory_space<hbm>> -> memref<16x128xi32, #tpu.memory_space<hbm>>
        tpu.enqueue_dma source(%dma_start3A_149 : memref<16x128xi32, #tpu.memory_space<hbm>>) target(%dma_start3A_146 : memref<16x128xi32, #tpu.memory_space<vmem>>) target_semaphore(%arg13 : memref<!tpu.dma_semaphore, #tpu.memory_space<semaphore_mem>>)
      } else {
      }
      %dma_wait3A_101 = arith.constant 0 : i32
      %dma_wait3A_102 = arith.constant 0 : i32
      %dma_wait3A_103 = tpu.memref_slice %arg10[%rem3A_91, %dma_wait3A_101, %dma_wait3A_102] : memref<2x128x128xf32, #tpu.memory_space<vmem>> -> memref<1x128x128xf32, #tpu.memory_space<vmem>>
      %dma_wait3A_104 = tpu.memref_squeeze %dma_wait3A_103 : memref<1x128x128xf32, #tpu.memory_space<vmem>> -> memref<128x128xf32, #tpu.memory_space<vmem>>
      %dma_wait3A_105 = arith.constant 0 : i32
      %dma_wait3A_106 = tpu.memref_slice %arg8[%rem3A_89, %sub3A_87, %dma_wait3A_105] : memref<2x16x128xi32, #tpu.memory_space<vmem>> -> memref<1x1x128xi32, #tpu.memory_space<vmem>>
      %dma_wait3A_107 = tpu.memref_squeeze %dma_wait3A_106 : memref<1x1x128xi32, #tpu.memory_space<vmem>> -> memref<128xi32, #tpu.memory_space<vmem>>
      %dma_wait3A_108 = arith.constant 0 : i32
      %dma_wait3A_109 = arith.constant 0 : i32
      %dma_wait3A_110 = tpu.memref_slice %arg2[%dma_wait3A_108, %dma_wait3A_109] : memref<10000x128xf32, #tpu.memory_space<hbm>> -> memref<10000x128xf32, #tpu.memory_space<hbm>>
      tpu.wait_indirect_dma semaphore(%arg12 : memref<!tpu.dma_semaphore, #tpu.memory_space<semaphore_mem>>) src(%dma_wait3A_110 : memref<10000x128xf32, #tpu.memory_space<hbm>>) dst(%dma_wait3A_104 : memref<128x128xf32, #tpu.memory_space<vmem>>)
      %lt3A_111 = arith.constant 79 : i32
      %lt3A_112 = arith.cmpi slt, %scan3A_68, %lt3A_111 : i32
      %convert_element_type3A_113 = arith.extui %lt3A_112 : i1 to i32
      %cond3A_114 = arith.constant 0 : i32
      %cond3A_115 = arith.cmpi ne, %convert_element_type3A_113, %cond3A_114 : i32
      scf.if %cond3A_115 {
        %add3A_116 = arith.constant 1 : i32
        %add3A_117 = arith.addi %scan3A_68, %add3A_116 : i32
        %jit3A_118 = arith.constant 16 : i32
        %div3A_119 = arith.divsi %add3A_117, %jit3A_118 : i32
        %sign3A_120 = arith.constant 0 : i32
        %sign3A_121 = arith.cmpi sgt, %add3A_117, %sign3A_120 : i32
        %sign3A_122 = arith.extui %sign3A_121 : i1 to i32
        %sign3A_123 = arith.constant 0 : i32
        %sign3A_124 = arith.cmpi slt, %add3A_117, %sign3A_123 : i32
        %sign3A_125 = arith.extui %sign3A_124 : i1 to i32
        %sign3A_126 = arith.subi %sign3A_122, %sign3A_125 : i32
        %sign3A_127 = arith.constant 0 : i32
        %sign3A_128 = arith.cmpi sgt, %jit3A_118, %sign3A_127 : i32
        %sign3A_129 = arith.extui %sign3A_128 : i1 to i32
        %sign3A_130 = arith.constant 0 : i32
        %sign3A_131 = arith.cmpi slt, %jit3A_118, %sign3A_130 : i32
        %sign3A_132 = arith.extui %sign3A_131 : i1 to i32
        %sign3A_133 = arith.subi %sign3A_129, %sign3A_132 : i32
        %ne3A_134 = arith.cmpi ne, %sign3A_126, %sign3A_133 : i32
        %rem3A_135 = arith.remsi %add3A_117, %jit3A_118 : i32
        %ne3A_136 = arith.constant 0 : i32
        %ne3A_137 = arith.cmpi ne, %rem3A_135, %ne3A_136 : i32
        %and3A_138 = arith.andi %ne3A_134, %ne3A_137 : i1
        %sub3A_139 = arith.constant 1 : i32
        %sub3A_140 = arith.subi %div3A_119, %sub3A_139 : i32
        %select_n3A_141 = arith.select %and3A_138, %sub3A_140, %div3A_119 : i32
        %mul3A_142 = arith.constant 16 : i32
        %mul3A_143 = arith.muli %select_n3A_141, %mul3A_142 : i32
        %sub3A_144 = arith.subi %add3A_117, %mul3A_143 : i32
        %rem3A_145 = arith.constant 2 : i32
        %rem3A_146 = arith.remsi %select_n3A_141, %rem3A_145 : i32
        %eq3A_147 = arith.constant 0 : i32
        %eq3A_148 = arith.cmpi eq, %sub3A_144, %eq3A_147 : i32
        %convert_element_type3A_149 = arith.extui %eq3A_148 : i1 to i32
        %cond3A_150 = arith.constant 0 : i32
        %cond3A_151 = arith.cmpi ne, %convert_element_type3A_149, %cond3A_150 : i32
        scf.if %cond3A_151 {
          %mul3A_164 = arith.constant 16 : i32
          %mul3A_165 = arith.muli %select_n3A_141, %mul3A_164 : i32
          %dma_wait3A_166 = arith.constant 0 : i32
          %dma_wait3A_167 = arith.constant 0 : i32
          %dma_wait3A_168 = tpu.memref_slice %arg8[%rem3A_146, %dma_wait3A_166, %dma_wait3A_167] : memref<2x16x128xi32, #tpu.memory_space<vmem>> -> memref<1x16x128xi32, #tpu.memory_space<vmem>>
          %dma_wait3A_169 = tpu.memref_squeeze %dma_wait3A_168 : memref<1x16x128xi32, #tpu.memory_space<vmem>> -> memref<16x128xi32, #tpu.memory_space<vmem>>
          %dma_wait3A_170 = arith.constant 0 : i32
          %dma_wait3A_171 = tpu.memref_slice %arg3[%add3A, %mul3A_165, %dma_wait3A_170] : memref<32x80x128xi32, #tpu.memory_space<hbm>> -> memref<1x16x128xi32, #tpu.memory_space<hbm>>
          %dma_wait3A_172 = tpu.memref_squeeze %dma_wait3A_171 : memref<1x16x128xi32, #tpu.memory_space<hbm>> -> memref<16x128xi32, #tpu.memory_space<hbm>>
          %dma_wait3A_173 = arith.constant 0 : i32
          %dma_wait3A_174 = arith.constant 0 : i32
          %dma_wait3A_175 = tpu.memref_slice %arg8[%rem3A_146, %dma_wait3A_173, %dma_wait3A_174] : memref<2x16x128xi32, #tpu.memory_space<vmem>> -> memref<1x16x128xi32, #tpu.memory_space<vmem>>
          %dma_wait3A_176 = tpu.memref_squeeze %dma_wait3A_175 : memref<1x16x128xi32, #tpu.memory_space<vmem>> -> memref<16x128xi32, #tpu.memory_space<vmem>>
          %dma_wait3A_177 = arith.constant 0 : i32
          %dma_wait3A_178 = tpu.memref_slice %arg3[%add3A, %mul3A_165, %dma_wait3A_177] : memref<32x80x128xi32, #tpu.memory_space<hbm>> -> memref<1x16x128xi32, #tpu.memory_space<hbm>>
          %dma_wait3A_179 = tpu.memref_squeeze %dma_wait3A_178 : memref<1x16x128xi32, #tpu.memory_space<hbm>> -> memref<16x128xi32, #tpu.memory_space<hbm>>
          tpu.wait_dma2 semaphore(%arg13 : memref<!tpu.dma_semaphore, #tpu.memory_space<semaphore_mem>>) src(%dma_wait3A_179 : memref<16x128xi32, #tpu.memory_space<hbm>>) dst(%dma_wait3A_176 : memref<16x128xi32, #tpu.memory_space<vmem>>)
          %dma_wait3A_180 = arith.constant 0 : i32
          %dma_wait3A_181 = arith.constant 0 : i32
          %dma_wait3A_182 = tpu.memref_slice %arg9[%rem3A_146, %dma_wait3A_180, %dma_wait3A_181] : memref<2x16x128xi32, #tpu.memory_space<vmem>> -> memref<1x16x128xi32, #tpu.memory_space<vmem>>
          %dma_wait3A_183 = tpu.memref_squeeze %dma_wait3A_182 : memref<1x16x128xi32, #tpu.memory_space<vmem>> -> memref<16x128xi32, #tpu.memory_space<vmem>>
          %dma_wait3A_184 = arith.constant 0 : i32
          %dma_wait3A_185 = tpu.memref_slice %arg4[%add3A, %mul3A_165, %dma_wait3A_184] : memref<32x80x128xi32, #tpu.memory_space<hbm>> -> memref<1x16x128xi32, #tpu.memory_space<hbm>>
          %dma_wait3A_186 = tpu.memref_squeeze %dma_wait3A_185 : memref<1x16x128xi32, #tpu.memory_space<hbm>> -> memref<16x128xi32, #tpu.memory_space<hbm>>
          %dma_wait3A_187 = arith.constant 0 : i32
          %dma_wait3A_188 = arith.constant 0 : i32
          %dma_wait3A_189 = tpu.memref_slice %arg9[%rem3A_146, %dma_wait3A_187, %dma_wait3A_188] : memref<2x16x128xi32, #tpu.memory_space<vmem>> -> memref<1x16x128xi32, #tpu.memory_space<vmem>>
          %dma_wait3A_190 = tpu.memref_squeeze %dma_wait3A_189 : memref<1x16x128xi32, #tpu.memory_space<vmem>> -> memref<16x128xi32, #tpu.memory_space<vmem>>
          %dma_wait3A_191 = arith.constant 0 : i32
          %dma_wait3A_192 = tpu.memref_slice %arg4[%add3A, %mul3A_165, %dma_wait3A_191] : memref<32x80x128xi32, #tpu.memory_space<hbm>> -> memref<1x16x128xi32, #tpu.memory_space<hbm>>
          %dma_wait3A_193 = tpu.memref_squeeze %dma_wait3A_192 : memref<1x16x128xi32, #tpu.memory_space<hbm>> -> memref<16x128xi32, #tpu.memory_space<hbm>>
          tpu.wait_dma2 semaphore(%arg13 : memref<!tpu.dma_semaphore, #tpu.memory_space<semaphore_mem>>) src(%dma_wait3A_193 : memref<16x128xi32, #tpu.memory_space<hbm>>) dst(%dma_wait3A_190 : memref<16x128xi32, #tpu.memory_space<vmem>>)
        } else {
        }
        %sub3A_152 = arith.constant 1 : i32
        %sub3A_153 = arith.subi %sub3A_152, %rem3A_91 : i32
        %dma_start3A_154 = arith.constant 0 : i32
        %dma_start3A_155 = arith.constant 0 : i32
        %dma_start3A_156 = tpu.memref_slice %arg10[%sub3A_153, %dma_start3A_154, %dma_start3A_155] : memref<2x128x128xf32, #tpu.memory_space<vmem>> -> memref<1x128x128xf32, #tpu.memory_space<vmem>>
        %dma_start3A_157 = tpu.memref_squeeze %dma_start3A_156 : memref<1x128x128xf32, #tpu.memory_space<vmem>> -> memref<128x128xf32, #tpu.memory_space<vmem>>
        %dma_start3A_158 = arith.constant 0 : i32
        %dma_start3A_159 = tpu.memref_slice %arg8[%rem3A_146, %sub3A_144, %dma_start3A_158] : memref<2x16x128xi32, #tpu.memory_space<vmem>> -> memref<1x1x128xi32, #tpu.memory_space<vmem>>
        %dma_start3A_160 = tpu.memref_squeeze %dma_start3A_159 : memref<1x1x128xi32, #tpu.memory_space<vmem>> -> memref<128xi32, #tpu.memory_space<vmem>>
        %dma_start3A_161 = arith.constant 0 : i32
        %dma_start3A_162 = arith.constant 0 : i32
        %dma_start3A_163 = tpu.memref_slice %arg2[%dma_start3A_161, %dma_start3A_162] : memref<10000x128xf32, #tpu.memory_space<hbm>> -> memref<10000x128xf32, #tpu.memory_space<hbm>>
        tpu.enqueue_indirect_dma source(%dma_start3A_163 : memref<10000x128xf32, #tpu.memory_space<hbm>>) target(%dma_start3A_157 : memref<128x128xf32, #tpu.memory_space<vmem>>) offsets(%dma_start3A_160 : memref<128xi32, #tpu.memory_space<vmem>>) semaphore(%arg12 : memref<!tpu.dma_semaphore, #tpu.memory_space<semaphore_mem>>)
      } else {
      }
      "tpu.region"() ({
        %run_scoped3A_116 = tpu.sem_alloc : memref<!tpu.dma_semaphore, #tpu.memory_space<semaphore_mem>>
        %dma_start3A_117 = arith.constant 0 : i32
        %dma_start3A_118 = arith.constant 0 : i32
        %dma_start3A_119 = tpu.memref_slice %arg10[%rem3A_91, %dma_start3A_117, %dma_start3A_118] : memref<2x128x128xf32, #tpu.memory_space<vmem>> -> memref<1x128x128xf32, #tpu.memory_space<vmem>>
        %dma_start3A_120 = tpu.memref_squeeze %dma_start3A_119 : memref<1x128x128xf32, #tpu.memory_space<vmem>> -> memref<128x128xf32, #tpu.memory_space<vmem>>
        %dma_start3A_121 = arith.constant 0 : i32
        %dma_start3A_122 = tpu.memref_slice %arg9[%rem3A_89, %sub3A_87, %dma_start3A_121] : memref<2x16x128xi32, #tpu.memory_space<vmem>> -> memref<1x1x128xi32, #tpu.memory_space<vmem>>
        %dma_start3A_123 = tpu.memref_squeeze %dma_start3A_122 : memref<1x1x128xi32, #tpu.memory_space<vmem>> -> memref<128xi32, #tpu.memory_space<vmem>>
        %dma_start3A_124 = arith.constant 0 : i32
        %dma_start3A_125 = arith.constant 0 : i32
        %dma_start3A_126 = tpu.memref_slice %arg11[%dma_start3A_124, %dma_start3A_125] : memref<10240x128xf32, #tpu.memory_space<vmem_shared>> -> memref<10240x128xf32, #tpu.memory_space<vmem_shared>>
        tpu.enqueue_indirect_dma source(%dma_start3A_120 : memref<128x128xf32, #tpu.memory_space<vmem>>) target(%dma_start3A_126 : memref<10240x128xf32, #tpu.memory_space<vmem_shared>>) offsets(%dma_start3A_123 : memref<128xi32, #tpu.memory_space<vmem>>) semaphore(%run_scoped3A_116 : memref<!tpu.dma_semaphore, #tpu.memory_space<semaphore_mem>>) {add = true}
        %dma_wait3A_127 = arith.constant 0 : i32
        %dma_wait3A_128 = arith.constant 0 : i32
        %dma_wait3A_129 = tpu.memref_slice %arg10[%rem3A_91, %dma_wait3A_127, %dma_wait3A_128] : memref<2x128x128xf32, #tpu.memory_space<vmem>> -> memref<1x128x128xf32, #tpu.memory_space<vmem>>
        %dma_wait3A_130 = tpu.memref_squeeze %dma_wait3A_129 : memref<1x128x128xf32, #tpu.memory_space<vmem>> -> memref<128x128xf32, #tpu.memory_space<vmem>>
        %dma_wait3A_131 = arith.constant 0 : i32
        %dma_wait3A_132 = tpu.memref_slice %arg9[%rem3A_89, %sub3A_87, %dma_wait3A_131] : memref<2x16x128xi32, #tpu.memory_space<vmem>> -> memref<1x1x128xi32, #tpu.memory_space<vmem>>
        %dma_wait3A_133 = tpu.memref_squeeze %dma_wait3A_132 : memref<1x1x128xi32, #tpu.memory_space<vmem>> -> memref<128xi32, #tpu.memory_space<vmem>>
        %dma_wait3A_134 = arith.constant 0 : i32
        %dma_wait3A_135 = arith.constant 0 : i32
        %dma_wait3A_136 = tpu.memref_slice %arg11[%dma_wait3A_134, %dma_wait3A_135] : memref<10240x128xf32, #tpu.memory_space<vmem_shared>> -> memref<10240x128xf32, #tpu.memory_space<vmem_shared>>
        tpu.wait_indirect_dma semaphore(%run_scoped3A_116 : memref<!tpu.dma_semaphore, #tpu.memory_space<semaphore_mem>>) src(%dma_wait3A_130 : memref<128x128xf32, #tpu.memory_space<vmem>>) dst(%dma_wait3A_136 : memref<10240x128xf32, #tpu.memory_space<vmem_shared>>)
        tpu.yield
      }) : () -> ()
    }
    %scan3A_59 = arith.constant 80 : i32
    %barrier3A_60 = arith.constant 0 : index
    tpu.barrier barrier_id(%barrier3A_60)
    %eq3A = arith.constant 0 : i32
    %eq3A_61 = arith.cmpi eq, %arg0, %eq3A : i32
    %convert_element_type3A = arith.extui %eq3A_61 : i1 to i32
    %cond3A = arith.constant 0 : i32
    %cond3A_62 = arith.cmpi ne, %convert_element_type3A, %cond3A : i32
    scf.if %cond3A_62 {
      %mul3A_68 = arith.constant 640 : i32
      %mul3A_69 = arith.muli %arg1, %mul3A_68 : i32
      %mul3A_70 = arith.constant 640 : i32
      %mul3A_71 = arith.muli %arg1, %mul3A_70 : i32
      "tpu.region"() ({
        %run_scoped3A_72 = tpu.sem_alloc : memref<!tpu.dma_semaphore, #tpu.memory_space<semaphore_mem>>
        %dma_start3A_73 = arith.constant 0 : i32
        %dma_start3A_74 = tpu.memref_slice %arg6[%mul3A_71, %dma_start3A_73] : memref<10240x128xf32, #tpu.memory_space<hbm>> -> memref<640x128xf32, #tpu.memory_space<hbm>>
        %dma_start3A_75 = arith.constant 0 : i32
        %dma_start3A_76 = tpu.memref_slice %arg11[%mul3A_69, %dma_start3A_75] : memref<10240x128xf32, #tpu.memory_space<vmem_shared>> -> memref<640x128xf32, #tpu.memory_space<vmem_shared>>
        tpu.enqueue_dma source(%dma_start3A_76 : memref<640x128xf32, #tpu.memory_space<vmem_shared>>) target(%dma_start3A_74 : memref<640x128xf32, #tpu.memory_space<hbm>>) target_semaphore(%run_scoped3A_72 : memref<!tpu.dma_semaphore, #tpu.memory_space<semaphore_mem>>)
        %dma_wait3A_77 = arith.constant 0 : i32
        %dma_wait3A_78 = tpu.memref_slice %arg6[%mul3A_71, %dma_wait3A_77] : memref<10240x128xf32, #tpu.memory_space<hbm>> -> memref<640x128xf32, #tpu.memory_space<hbm>>
        %dma_wait3A_79 = arith.constant 0 : i32
        %dma_wait3A_80 = tpu.memref_slice %arg11[%mul3A_69, %dma_wait3A_79] : memref<10240x128xf32, #tpu.memory_space<vmem_shared>> -> memref<640x128xf32, #tpu.memory_space<vmem_shared>>
        tpu.wait_dma2 semaphore(%run_scoped3A_72 : memref<!tpu.dma_semaphore, #tpu.memory_space<semaphore_mem>>) src(%dma_wait3A_80 : memref<640x128xf32, #tpu.memory_space<vmem_shared>>) dst(%dma_wait3A_78 : memref<640x128xf32, #tpu.memory_space<hbm>>)
        tpu.yield
      }) : () -> ()
    } else {
    }
    %eq3A_63 = arith.constant 1 : i32
    %eq3A_64 = arith.cmpi eq, %arg0, %eq3A_63 : i32
    %convert_element_type3A_65 = arith.extui %eq3A_64 : i1 to i32
    %cond3A_66 = arith.constant 0 : i32
    %cond3A_67 = arith.cmpi ne, %convert_element_type3A_65, %cond3A_66 : i32
    scf.if %cond3A_67 {
      %mul3A_68 = arith.constant 640 : i32
      %mul3A_69 = arith.muli %arg1, %mul3A_68 : i32
      %mul3A_70 = arith.constant 640 : i32
      %mul3A_71 = arith.muli %arg1, %mul3A_70 : i32
      "tpu.region"() ({
        %run_scoped3A_72 = tpu.sem_alloc : memref<!tpu.dma_semaphore, #tpu.memory_space<semaphore_mem>>
        %dma_start3A_73 = arith.constant 0 : i32
        %dma_start3A_74 = tpu.memref_slice %arg7[%mul3A_71, %dma_start3A_73] : memref<10240x128xf32, #tpu.memory_space<hbm>> -> memref<640x128xf32, #tpu.memory_space<hbm>>
        %dma_start3A_75 = arith.constant 0 : i32
        %dma_start3A_76 = tpu.memref_slice %arg11[%mul3A_69, %dma_start3A_75] : memref<10240x128xf32, #tpu.memory_space<vmem_shared>> -> memref<640x128xf32, #tpu.memory_space<vmem_shared>>
        tpu.enqueue_dma source(%dma_start3A_76 : memref<640x128xf32, #tpu.memory_space<vmem_shared>>) target(%dma_start3A_74 : memref<640x128xf32, #tpu.memory_space<hbm>>) target_semaphore(%run_scoped3A_72 : memref<!tpu.dma_semaphore, #tpu.memory_space<semaphore_mem>>)
        %dma_wait3A_77 = arith.constant 0 : i32
        %dma_wait3A_78 = tpu.memref_slice %arg7[%mul3A_71, %dma_wait3A_77] : memref<10240x128xf32, #tpu.memory_space<hbm>> -> memref<640x128xf32, #tpu.memory_space<hbm>>
        %dma_wait3A_79 = arith.constant 0 : i32
        %dma_wait3A_80 = tpu.memref_slice %arg11[%mul3A_69, %dma_wait3A_79] : memref<10240x128xf32, #tpu.memory_space<vmem_shared>> -> memref<640x128xf32, #tpu.memory_space<vmem_shared>>
        tpu.wait_dma2 semaphore(%run_scoped3A_72 : memref<!tpu.dma_semaphore, #tpu.memory_space<semaphore_mem>>) src(%dma_wait3A_80 : memref<640x128xf32, #tpu.memory_space<vmem_shared>>) dst(%dma_wait3A_78 : memref<640x128xf32, #tpu.memory_space<hbm>>)
        tpu.yield
      }) : () -> ()
    } else {
    }
    return
  }
}

#map = affine_map<(d0, d1) -> (0, 0)>
#map1 = affine_map<(d0, d1) -> (0, 0, 0)>
module attributes {stable_mosaic.version = 14 : i64} {
  func.func @spmm_kernel(%arg0: i32, %arg1: i32, %arg2: memref<10000x128xf32, #tpu.memory_space<hbm>>, %arg3: memref<32x80x128xi32, #tpu.memory_space<hbm>>, %arg4: memref<32x80x128xi32, #tpu.memory_space<hbm>>, %arg5: memref<640x128xf32, #tpu.memory_space<hbm>>, %arg6: memref<10240x128xf32, #tpu.memory_space<hbm>>, %arg7: memref<10240x128xf32, #tpu.memory_space<hbm>>, %arg8: memref<2x16x128xi32, #tpu.memory_space<vmem>>, %arg9: memref<2x16x128xi32, #tpu.memory_space<vmem>>, %arg10: memref<2x128x128xf32, #tpu.memory_space<vmem>>, %arg11: memref<10240x128xf32, #tpu.memory_space<vmem_shared>>, %arg12: memref<!tpu.dma_semaphore, #tpu.memory_space<semaphore_mem>>, %arg13: memref<!tpu.dma_semaphore, #tpu.memory_space<semaphore_mem>>, %arg14: memref<!tpu.dma_semaphore, #tpu.memory_space<semaphore_mem>>) attributes {dimension_semantics = [#tpu.dimension_semantics<core_parallel>, #tpu.dimension_semantics<subcore_parallel>], iteration_bounds = array<i64: 2, 16>, scalar_prefetch = 0 : i64, scratch_operands = 7 : i64, tpu.core_type = #tpu.core_type<sc_vector_subcore>, window_params = [{transform_indices = #map}, {transform_indices = #map1}, {transform_indices = #map1}, {transform_indices = #map}, {transform_indices = #map}, {transform_indices = #map}]} {
    %mul3A = arith.constant 16 : i32
    %mul3A_0 = arith.muli %arg0, %mul3A : i32
    %add3A = arith.addi %mul3A_0, %arg1 : i32
    %mul3A_1 = arith.constant 640 : i32
    %mul3A_2 = arith.muli %arg1, %mul3A_1 : i32
    %dma_start3A = arith.constant 0 : i32
    %dma_start3A_3 = tpu.memref_slice %arg11[%mul3A_2, %dma_start3A] : memref<10240x128xf32, #tpu.memory_space<vmem_shared>> -> memref<640x128xf32, #tpu.memory_space<vmem_shared>>
    tpu.enqueue_dma source(%arg5 : memref<640x128xf32, #tpu.memory_space<hbm>>) target(%dma_start3A_3 : memref<640x128xf32, #tpu.memory_space<vmem_shared>>) target_semaphore(%arg14 : memref<!tpu.dma_semaphore, #tpu.memory_space<semaphore_mem>>)
    %run_scoped3A = arith.constant 0 : i32
    "tpu.region"() ({
      %run_scoped3A_68 = tpu.sem_alloc : memref<!tpu.dma_semaphore, #tpu.memory_space<semaphore_mem>>
      %dma_start3A_69 = arith.constant 0 : i32
      %dma_start3A_70 = arith.constant 0 : i32
      %dma_start3A_71 = tpu.memref_slice %arg8[%run_scoped3A, %dma_start3A_69, %dma_start3A_70] : memref<2x16x128xi32, #tpu.memory_space<vmem>> -> memref<1x16x128xi32, #tpu.memory_space<vmem>>
      %dma_start3A_72 = tpu.memref_squeeze %dma_start3A_71 : memref<1x16x128xi32, #tpu.memory_space<vmem>> -> memref<16x128xi32, #tpu.memory_space<vmem>>
      %dma_start3A_73 = arith.constant 0 : i32
      %dma_start3A_74 = arith.constant 0 : i32
      %dma_start3A_75 = tpu.memref_slice %arg3[%add3A, %dma_start3A_73, %dma_start3A_74] : memref<32x80x128xi32, #tpu.memory_space<hbm>> -> memref<1x16x128xi32, #tpu.memory_space<hbm>>
      %dma_start3A_76 = tpu.memref_squeeze %dma_start3A_75 : memref<1x16x128xi32, #tpu.memory_space<hbm>> -> memref<16x128xi32, #tpu.memory_space<hbm>>
      %dma_start3A_77 = arith.constant 0 : i32
      %dma_start3A_78 = arith.constant 0 : i32
      %dma_start3A_79 = tpu.memref_slice %arg8[%run_scoped3A, %dma_start3A_77, %dma_start3A_78] : memref<2x16x128xi32, #tpu.memory_space<vmem>> -> memref<1x16x128xi32, #tpu.memory_space<vmem>>
      %dma_start3A_80 = tpu.memref_squeeze %dma_start3A_79 : memref<1x16x128xi32, #tpu.memory_space<vmem>> -> memref<16x128xi32, #tpu.memory_space<vmem>>
      %dma_start3A_81 = arith.constant 0 : i32
      %dma_start3A_82 = arith.constant 0 : i32
      %dma_start3A_83 = tpu.memref_slice %arg3[%add3A, %dma_start3A_81, %dma_start3A_82] : memref<32x80x128xi32, #tpu.memory_space<hbm>> -> memref<1x16x128xi32, #tpu.memory_space<hbm>>
      %dma_start3A_84 = tpu.memref_squeeze %dma_start3A_83 : memref<1x16x128xi32, #tpu.memory_space<hbm>> -> memref<16x128xi32, #tpu.memory_space<hbm>>
      tpu.enqueue_dma source(%dma_start3A_84 : memref<16x128xi32, #tpu.memory_space<hbm>>) target(%dma_start3A_80 : memref<16x128xi32, #tpu.memory_space<vmem>>) target_semaphore(%run_scoped3A_68 : memref<!tpu.dma_semaphore, #tpu.memory_space<semaphore_mem>>)
      %dma_wait3A_85 = arith.constant 0 : i32
      %dma_wait3A_86 = arith.constant 0 : i32
      %dma_wait3A_87 = tpu.memref_slice %arg8[%run_scoped3A, %dma_wait3A_85, %dma_wait3A_86] : memref<2x16x128xi32, #tpu.memory_space<vmem>> -> memref<1x16x128xi32, #tpu.memory_space<vmem>>
      %dma_wait3A_88 = tpu.memref_squeeze %dma_wait3A_87 : memref<1x16x128xi32, #tpu.memory_space<vmem>> -> memref<16x128xi32, #tpu.memory_space<vmem>>
      %dma_wait3A_89 = arith.constant 0 : i32
      %dma_wait3A_90 = arith.constant 0 : i32
      %dma_wait3A_91 = tpu.memref_slice %arg3[%add3A, %dma_wait3A_89, %dma_wait3A_90] : memref<32x80x128xi32, #tpu.memory_space<hbm>> -> memref<1x16x128xi32, #tpu.memory_space<hbm>>
      %dma_wait3A_92 = tpu.memref_squeeze %dma_wait3A_91 : memref<1x16x128xi32, #tpu.memory_space<hbm>> -> memref<16x128xi32, #tpu.memory_space<hbm>>
      %dma_wait3A_93 = arith.constant 0 : i32
      %dma_wait3A_94 = arith.constant 0 : i32
      %dma_wait3A_95 = tpu.memref_slice %arg8[%run_scoped3A, %dma_wait3A_93, %dma_wait3A_94] : memref<2x16x128xi32, #tpu.memory_space<vmem>> -> memref<1x16x128xi32, #tpu.memory_space<vmem>>
      %dma_wait3A_96 = tpu.memref_squeeze %dma_wait3A_95 : memref<1x16x128xi32, #tpu.memory_space<vmem>> -> memref<16x128xi32, #tpu.memory_space<vmem>>
      %dma_wait3A_97 = arith.constant 0 : i32
      %dma_wait3A_98 = arith.constant 0 : i32
      %dma_wait3A_99 = tpu.memref_slice %arg3[%add3A, %dma_wait3A_97, %dma_wait3A_98] : memref<32x80x128xi32, #tpu.memory_space<hbm>> -> memref<1x16x128xi32, #tpu.memory_space<hbm>>
      %dma_wait3A_100 = tpu.memref_squeeze %dma_wait3A_99 : memref<1x16x128xi32, #tpu.memory_space<hbm>> -> memref<16x128xi32, #tpu.memory_space<hbm>>
      tpu.wait_dma2 semaphore(%run_scoped3A_68 : memref<!tpu.dma_semaphore, #tpu.memory_space<semaphore_mem>>) src(%dma_wait3A_100 : memref<16x128xi32, #tpu.memory_space<hbm>>) dst(%dma_wait3A_96 : memref<16x128xi32, #tpu.memory_space<vmem>>)
      tpu.yield
    }) : () -> ()
    %run_scoped3A_4 = arith.constant 0 : i32
    "tpu.region"() ({
      %run_scoped3A_68 = tpu.sem_alloc : memref<!tpu.dma_semaphore, #tpu.memory_space<semaphore_mem>>
      %dma_start3A_69 = arith.constant 0 : i32
      %dma_start3A_70 = arith.constant 0 : i32
      %dma_start3A_71 = tpu.memref_slice %arg9[%run_scoped3A_4, %dma_start3A_69, %dma_start3A_70] : memref<2x16x128xi32, #tpu.memory_space<vmem>> -> memref<1x16x128xi32, #tpu.memory_space<vmem>>
      %dma_start3A_72 = tpu.memref_squeeze %dma_start3A_71 : memref<1x16x128xi32, #tpu.memory_space<vmem>> -> memref<16x128xi32, #tpu.memory_space<vmem>>
      %dma_start3A_73 = arith.constant 0 : i32
      %dma_start3A_74 = arith.constant 0 : i32
      %dma_start3A_75 = tpu.memref_slice %arg4[%add3A, %dma_start3A_73, %dma_start3A_74] : memref<32x80x128xi32, #tpu.memory_space<hbm>> -> memref<1x16x128xi32, #tpu.memory_space<hbm>>
      %dma_start3A_76 = tpu.memref_squeeze %dma_start3A_75 : memref<1x16x128xi32, #tpu.memory_space<hbm>> -> memref<16x128xi32, #tpu.memory_space<hbm>>
      %dma_start3A_77 = arith.constant 0 : i32
      %dma_start3A_78 = arith.constant 0 : i32
      %dma_start3A_79 = tpu.memref_slice %arg9[%run_scoped3A_4, %dma_start3A_77, %dma_start3A_78] : memref<2x16x128xi32, #tpu.memory_space<vmem>> -> memref<1x16x128xi32, #tpu.memory_space<vmem>>
      %dma_start3A_80 = tpu.memref_squeeze %dma_start3A_79 : memref<1x16x128xi32, #tpu.memory_space<vmem>> -> memref<16x128xi32, #tpu.memory_space<vmem>>
      %dma_start3A_81 = arith.constant 0 : i32
      %dma_start3A_82 = arith.constant 0 : i32
      %dma_start3A_83 = tpu.memref_slice %arg4[%add3A, %dma_start3A_81, %dma_start3A_82] : memref<32x80x128xi32, #tpu.memory_space<hbm>> -> memref<1x16x128xi32, #tpu.memory_space<hbm>>
      %dma_start3A_84 = tpu.memref_squeeze %dma_start3A_83 : memref<1x16x128xi32, #tpu.memory_space<hbm>> -> memref<16x128xi32, #tpu.memory_space<hbm>>
      tpu.enqueue_dma source(%dma_start3A_84 : memref<16x128xi32, #tpu.memory_space<hbm>>) target(%dma_start3A_80 : memref<16x128xi32, #tpu.memory_space<vmem>>) target_semaphore(%run_scoped3A_68 : memref<!tpu.dma_semaphore, #tpu.memory_space<semaphore_mem>>)
      %dma_wait3A_85 = arith.constant 0 : i32
      %dma_wait3A_86 = arith.constant 0 : i32
      %dma_wait3A_87 = tpu.memref_slice %arg9[%run_scoped3A_4, %dma_wait3A_85, %dma_wait3A_86] : memref<2x16x128xi32, #tpu.memory_space<vmem>> -> memref<1x16x128xi32, #tpu.memory_space<vmem>>
      %dma_wait3A_88 = tpu.memref_squeeze %dma_wait3A_87 : memref<1x16x128xi32, #tpu.memory_space<vmem>> -> memref<16x128xi32, #tpu.memory_space<vmem>>
      %dma_wait3A_89 = arith.constant 0 : i32
      %dma_wait3A_90 = arith.constant 0 : i32
      %dma_wait3A_91 = tpu.memref_slice %arg4[%add3A, %dma_wait3A_89, %dma_wait3A_90] : memref<32x80x128xi32, #tpu.memory_space<hbm>> -> memref<1x16x128xi32, #tpu.memory_space<hbm>>
      %dma_wait3A_92 = tpu.memref_squeeze %dma_wait3A_91 : memref<1x16x128xi32, #tpu.memory_space<hbm>> -> memref<16x128xi32, #tpu.memory_space<hbm>>
      %dma_wait3A_93 = arith.constant 0 : i32
      %dma_wait3A_94 = arith.constant 0 : i32
      %dma_wait3A_95 = tpu.memref_slice %arg9[%run_scoped3A_4, %dma_wait3A_93, %dma_wait3A_94] : memref<2x16x128xi32, #tpu.memory_space<vmem>> -> memref<1x16x128xi32, #tpu.memory_space<vmem>>
      %dma_wait3A_96 = tpu.memref_squeeze %dma_wait3A_95 : memref<1x16x128xi32, #tpu.memory_space<vmem>> -> memref<16x128xi32, #tpu.memory_space<vmem>>
      %dma_wait3A_97 = arith.constant 0 : i32
      %dma_wait3A_98 = arith.constant 0 : i32
      %dma_wait3A_99 = tpu.memref_slice %arg4[%add3A, %dma_wait3A_97, %dma_wait3A_98] : memref<32x80x128xi32, #tpu.memory_space<hbm>> -> memref<1x16x128xi32, #tpu.memory_space<hbm>>
      %dma_wait3A_100 = tpu.memref_squeeze %dma_wait3A_99 : memref<1x16x128xi32, #tpu.memory_space<hbm>> -> memref<16x128xi32, #tpu.memory_space<hbm>>
      tpu.wait_dma2 semaphore(%run_scoped3A_68 : memref<!tpu.dma_semaphore, #tpu.memory_space<semaphore_mem>>) src(%dma_wait3A_100 : memref<16x128xi32, #tpu.memory_space<hbm>>) dst(%dma_wait3A_96 : memref<16x128xi32, #tpu.memory_space<vmem>>)
      tpu.yield
    }) : () -> ()
    %dma_start3A_5 = arith.constant 1 : i32
    %dma_start3A_6 = arith.constant 0 : i32
    %dma_start3A_7 = arith.constant 0 : i32
    %dma_start3A_8 = tpu.memref_slice %arg8[%dma_start3A_5, %dma_start3A_6, %dma_start3A_7] : memref<2x16x128xi32, #tpu.memory_space<vmem>> -> memref<1x16x128xi32, #tpu.memory_space<vmem>>
    %dma_start3A_9 = tpu.memref_squeeze %dma_start3A_8 : memref<1x16x128xi32, #tpu.memory_space<vmem>> -> memref<16x128xi32, #tpu.memory_space<vmem>>
    %dma_start3A_10 = arith.constant 16 : i32
    %dma_start3A_11 = arith.constant 0 : i32
    %dma_start3A_12 = tpu.memref_slice %arg3[%add3A, %dma_start3A_10, %dma_start3A_11] : memref<32x80x128xi32, #tpu.memory_space<hbm>> -> memref<1x16x128xi32, #tpu.memory_space<hbm>>
    %dma_start3A_13 = tpu.memref_squeeze %dma_start3A_12 : memref<1x16x128xi32, #tpu.memory_space<hbm>> -> memref<16x128xi32, #tpu.memory_space<hbm>>
    %dma_start3A_14 = arith.constant 0 : i32
    %dma_start3A_15 = arith.constant 0 : i32
    %dma_start3A_16 = tpu.memref_slice %arg8[%dma_start3A_5, %dma_start3A_14, %dma_start3A_15] : memref<2x16x128xi32, #tpu.memory_space<vmem>> -> memref<1x16x128xi32, #tpu.memory_space<vmem>>
    %dma_start3A_17 = tpu.memref_squeeze %dma_start3A_16 : memref<1x16x128xi32, #tpu.memory_space<vmem>> -> memref<16x128xi32, #tpu.memory_space<vmem>>
    %dma_start3A_18 = arith.constant 16 : i32
    %dma_start3A_19 = arith.constant 0 : i32
    %dma_start3A_20 = tpu.memref_slice %arg3[%add3A, %dma_start3A_18, %dma_start3A_19] : memref<32x80x128xi32, #tpu.memory_space<hbm>> -> memref<1x16x128xi32, #tpu.memory_space<hbm>>
    %dma_start3A_21 = tpu.memref_squeeze %dma_start3A_20 : memref<1x16x128xi32, #tpu.memory_space<hbm>> -> memref<16x128xi32, #tpu.memory_space<hbm>>
    tpu.enqueue_dma source(%dma_start3A_21 : memref<16x128xi32, #tpu.memory_space<hbm>>) target(%dma_start3A_17 : memref<16x128xi32, #tpu.memory_space<vmem>>) target_semaphore(%arg13 : memref<!tpu.dma_semaphore, #tpu.memory_space<semaphore_mem>>)
    %dma_start3A_22 = arith.constant 1 : i32
    %dma_start3A_23 = arith.constant 0 : i32
    %dma_start3A_24 = arith.constant 0 : i32
    %dma_start3A_25 = tpu.memref_slice %arg9[%dma_start3A_22, %dma_start3A_23, %dma_start3A_24] : memref<2x16x128xi32, #tpu.memory_space<vmem>> -> memref<1x16x128xi32, #tpu.memory_space<vmem>>
    %dma_start3A_26 = tpu.memref_squeeze %dma_start3A_25 : memref<1x16x128xi32, #tpu.memory_space<vmem>> -> memref<16x128xi32, #tpu.memory_space<vmem>>
    %dma_start3A_27 = arith.constant 16 : i32
    %dma_start3A_28 = arith.constant 0 : i32
    %dma_start3A_29 = tpu.memref_slice %arg4[%add3A, %dma_start3A_27, %dma_start3A_28] : memref<32x80x128xi32, #tpu.memory_space<hbm>> -> memref<1x16x128xi32, #tpu.memory_space<hbm>>
    %dma_start3A_30 = tpu.memref_squeeze %dma_start3A_29 : memref<1x16x128xi32, #tpu.memory_space<hbm>> -> memref<16x128xi32, #tpu.memory_space<hbm>>
    %dma_start3A_31 = arith.constant 0 : i32
    %dma_start3A_32 = arith.constant 0 : i32
    %dma_start3A_33 = tpu.memref_slice %arg9[%dma_start3A_22, %dma_start3A_31, %dma_start3A_32] : memref<2x16x128xi32, #tpu.memory_space<vmem>> -> memref<1x16x128xi32, #tpu.memory_space<vmem>>
    %dma_start3A_34 = tpu.memref_squeeze %dma_start3A_33 : memref<1x16x128xi32, #tpu.memory_space<vmem>> -> memref<16x128xi32, #tpu.memory_space<vmem>>
    %dma_start3A_35 = arith.constant 16 : i32
    %dma_start3A_36 = arith.constant 0 : i32
    %dma_start3A_37 = tpu.memref_slice %arg4[%add3A, %dma_start3A_35, %dma_start3A_36] : memref<32x80x128xi32, #tpu.memory_space<hbm>> -> memref<1x16x128xi32, #tpu.memory_space<hbm>>
    %dma_start3A_38 = tpu.memref_squeeze %dma_start3A_37 : memref<1x16x128xi32, #tpu.memory_space<hbm>> -> memref<16x128xi32, #tpu.memory_space<hbm>>
    tpu.enqueue_dma source(%dma_start3A_38 : memref<16x128xi32, #tpu.memory_space<hbm>>) target(%dma_start3A_34 : memref<16x128xi32, #tpu.memory_space<vmem>>) target_semaphore(%arg13 : memref<!tpu.dma_semaphore, #tpu.memory_space<semaphore_mem>>)
    %mul3A_39 = arith.constant 640 : i32
    %mul3A_40 = arith.muli %arg1, %mul3A_39 : i32
    %dma_wait3A = arith.constant 0 : i32
    %dma_wait3A_41 = tpu.memref_slice %arg11[%mul3A_40, %dma_wait3A] : memref<10240x128xf32, #tpu.memory_space<vmem_shared>> -> memref<640x128xf32, #tpu.memory_space<vmem_shared>>
    tpu.wait_dma2 semaphore(%arg14 : memref<!tpu.dma_semaphore, #tpu.memory_space<semaphore_mem>>) src(%arg5 : memref<640x128xf32, #tpu.memory_space<hbm>>) dst(%dma_wait3A_41 : memref<640x128xf32, #tpu.memory_space<vmem_shared>>)
    %barrier3A = arith.constant 0 : index
    tpu.barrier barrier_id(%barrier3A)
    %dma_start3A_42 = arith.constant 0 : i32
    %dma_start3A_43 = arith.constant 0 : i32
    %dma_start3A_44 = arith.constant 0 : i32
    %dma_start3A_45 = arith.constant 0 : i32
    %dma_start3A_46 = arith.constant 0 : i32
    %dma_start3A_47 = tpu.memref_slice %arg10[%dma_start3A_44, %dma_start3A_45, %dma_start3A_46] : memref<2x128x128xf32, #tpu.memory_space<vmem>> -> memref<1x128x128xf32, #tpu.memory_space<vmem>>
    %dma_start3A_48 = tpu.memref_squeeze %dma_start3A_47 : memref<1x128x128xf32, #tpu.memory_space<vmem>> -> memref<128x128xf32, #tpu.memory_space<vmem>>
    %dma_start3A_49 = arith.constant 0 : i32
    %dma_start3A_50 = tpu.memref_slice %arg8[%dma_start3A_42, %dma_start3A_43, %dma_start3A_49] : memref<2x16x128xi32, #tpu.memory_space<vmem>> -> memref<1x1x128xi32, #tpu.memory_space<vmem>>
    %dma_start3A_51 = tpu.memref_squeeze %dma_start3A_50 : memref<1x1x128xi32, #tpu.memory_space<vmem>> -> memref<128xi32, #tpu.memory_space<vmem>>
    %dma_start3A_52 = arith.constant 0 : i32
    %dma_start3A_53 = arith.constant 0 : i32
    %dma_start3A_54 = tpu.memref_slice %arg2[%dma_start3A_52, %dma_start3A_53] : memref<10000x128xf32, #tpu.memory_space<hbm>> -> memref<10000x128xf32, #tpu.memory_space<hbm>>
    tpu.enqueue_indirect_dma source(%dma_start3A_54 : memref<10000x128xf32, #tpu.memory_space<hbm>>) target(%dma_start3A_48 : memref<128x128xf32, #tpu.memory_space<vmem>>) offsets(%dma_start3A_51 : memref<128xi32, #tpu.memory_space<vmem>>) semaphore(%arg12 : memref<!tpu.dma_semaphore, #tpu.memory_space<semaphore_mem>>)
    %scan3A = arith.constant 0 : i32
    %scan3A_55 = arith.constant 0 : i32
    %scan3A_56 = arith.constant 80 : i32
    %scan3A_57 = arith.addi %scan3A_55, %scan3A_56 : i32
    %scan3A_58 = arith.constant 1 : i32
    scf.for %scan3A_68 = %scan3A_55 to %scan3A_57 step %scan3A_58  : i32 {
      %jit3A = arith.constant 16 : i32
      %div3A = arith.divsi %scan3A_68, %jit3A : i32
      %sign3A = arith.constant 0 : i32
      %sign3A_69 = arith.cmpi sgt, %scan3A_68, %sign3A : i32
      %sign3A_70 = arith.extui %sign3A_69 : i1 to i32
      %sign3A_71 = arith.constant 0 : i32
      %sign3A_72 = arith.cmpi slt, %scan3A_68, %sign3A_71 : i32
      %sign3A_73 = arith.extui %sign3A_72 : i1 to i32
      %sign3A_74 = arith.subi %sign3A_70, %sign3A_73 : i32
      %sign3A_75 = arith.constant 0 : i32
      %sign3A_76 = arith.cmpi sgt, %jit3A, %sign3A_75 : i32
      %sign3A_77 = arith.extui %sign3A_76 : i1 to i32
      %sign3A_78 = arith.constant 0 : i32
      %sign3A_79 = arith.cmpi slt, %jit3A, %sign3A_78 : i32
      %sign3A_80 = arith.extui %sign3A_79 : i1 to i32
      %sign3A_81 = arith.subi %sign3A_77, %sign3A_80 : i32
      %ne3A = arith.cmpi ne, %sign3A_74, %sign3A_81 : i32
      %rem3A = arith.remsi %scan3A_68, %jit3A : i32
      %ne3A_82 = arith.constant 0 : i32
      %ne3A_83 = arith.cmpi ne, %rem3A, %ne3A_82 : i32
      %and3A = arith.andi %ne3A, %ne3A_83 : i1
      %sub3A = arith.constant 1 : i32
      %sub3A_84 = arith.subi %div3A, %sub3A : i32
      %select_n3A = arith.select %and3A, %sub3A_84, %div3A : i32
      %mul3A_85 = arith.constant 16 : i32
      %mul3A_86 = arith.muli %select_n3A, %mul3A_85 : i32
      %sub3A_87 = arith.subi %scan3A_68, %mul3A_86 : i32
      %rem3A_88 = arith.constant 2 : i32
      %rem3A_89 = arith.remsi %select_n3A, %rem3A_88 : i32
      %rem3A_90 = arith.constant 2 : i32
      %rem3A_91 = arith.remsi %scan3A_68, %rem3A_90 : i32
      %eq3A_92 = arith.constant 0 : i32
      %eq3A_93 = arith.cmpi eq, %sub3A_87, %eq3A_92 : i32
      %ge3A = arith.constant 1 : i32
      %ge3A_94 = arith.cmpi sge, %select_n3A, %ge3A : i32
      %lt3A = arith.constant 4 : i32
      %lt3A_95 = arith.cmpi slt, %select_n3A, %lt3A : i32
      %and3A_96 = arith.andi %ge3A_94, %lt3A_95 : i1
      %and3A_97 = arith.andi %eq3A_93, %and3A_96 : i1
      %convert_element_type3A_98 = arith.extui %and3A_97 : i1 to i32
      %cond3A_99 = arith.constant 0 : i32
      %cond3A_100 = arith.cmpi ne, %convert_element_type3A_98, %cond3A_99 : i32
      scf.if %cond3A_100 {
        %sub3A_116 = arith.constant 1 : i32
        %sub3A_117 = arith.subi %sub3A_116, %rem3A_89 : i32
        %add3A_118 = arith.constant 1 : i32
        %add3A_119 = arith.addi %select_n3A, %add3A_118 : i32
        %mul3A_120 = arith.constant 16 : i32
        %mul3A_121 = arith.muli %add3A_119, %mul3A_120 : i32
        %dma_start3A_122 = arith.constant 0 : i32
        %dma_start3A_123 = arith.constant 0 : i32
        %dma_start3A_124 = tpu.memref_slice %arg8[%sub3A_117, %dma_start3A_122, %dma_start3A_123] : memref<2x16x128xi32, #tpu.memory_space<vmem>> -> memref<1x16x128xi32, #tpu.memory_space<vmem>>
        %dma_start3A_125 = tpu.memref_squeeze %dma_start3A_124 : memref<1x16x128xi32, #tpu.memory_space<vmem>> -> memref<16x128xi32, #tpu.memory_space<vmem>>
        %dma_start3A_126 = arith.constant 0 : i32
        %dma_start3A_127 = tpu.memref_slice %arg3[%add3A, %mul3A_121, %dma_start3A_126] : memref<32x80x128xi32, #tpu.memory_space<hbm>> -> memref<1x16x128xi32, #tpu.memory_space<hbm>>
        %dma_start3A_128 = tpu.memref_squeeze %dma_start3A_127 : memref<1x16x128xi32, #tpu.memory_space<hbm>> -> memref<16x128xi32, #tpu.memory_space<hbm>>
        %dma_start3A_129 = arith.constant 0 : i32
        %dma_start3A_130 = arith.constant 0 : i32
        %dma_start3A_131 = tpu.memref_slice %arg8[%sub3A_117, %dma_start3A_129, %dma_start3A_130] : memref<2x16x128xi32, #tpu.memory_space<vmem>> -> memref<1x16x128xi32, #tpu.memory_space<vmem>>
        %dma_start3A_132 = tpu.memref_squeeze %dma_start3A_131 : memref<1x16x128xi32, #tpu.memory_space<vmem>> -> memref<16x128xi32, #tpu.memory_space<vmem>>
        %dma_start3A_133 = arith.constant 0 : i32
        %dma_start3A_134 = tpu.memref_slice %arg3[%add3A, %mul3A_121, %dma_start3A_133] : memref<32x80x128xi32, #tpu.memory_space<hbm>> -> memref<1x16x128xi32, #tpu.memory_space<hbm>>
        %dma_start3A_135 = tpu.memref_squeeze %dma_start3A_134 : memref<1x16x128xi32, #tpu.memory_space<hbm>> -> memref<16x128xi32, #tpu.memory_space<hbm>>
        tpu.enqueue_dma source(%dma_start3A_135 : memref<16x128xi32, #tpu.memory_space<hbm>>) target(%dma_start3A_132 : memref<16x128xi32, #tpu.memory_space<vmem>>) target_semaphore(%arg13 : memref<!tpu.dma_semaphore, #tpu.memory_space<semaphore_mem>>)
        %dma_start3A_136 = arith.constant 0 : i32
        %dma_start3A_137 = arith.constant 0 : i32
        %dma_start3A_138 = tpu.memref_slice %arg9[%sub3A_117, %dma_start3A_136, %dma_start3A_137] : memref<2x16x128xi32, #tpu.memory_space<vmem>> -> memref<1x16x128xi32, #tpu.memory_space<vmem>>
        %dma_start3A_139 = tpu.memref_squeeze %dma_start3A_138 : memref<1x16x128xi32, #tpu.memory_space<vmem>> -> memref<16x128xi32, #tpu.memory_space<vmem>>
        %dma_start3A_140 = arith.constant 0 : i32
        %dma_start3A_141 = tpu.memref_slice %arg4[%add3A, %mul3A_121, %dma_start3A_140] : memref<32x80x128xi32, #tpu.memory_space<hbm>> -> memref<1x16x128xi32, #tpu.memory_space<hbm>>
        %dma_start3A_142 = tpu.memref_squeeze %dma_start3A_141 : memref<1x16x128xi32, #tpu.memory_space<hbm>> -> memref<16x128xi32, #tpu.memory_space<hbm>>
        %dma_start3A_143 = arith.constant 0 : i32
        %dma_start3A_144 = arith.constant 0 : i32
        %dma_start3A_145 = tpu.memref_slice %arg9[%sub3A_117, %dma_start3A_143, %dma_start3A_144] : memref<2x16x128xi32, #tpu.memory_space<vmem>> -> memref<1x16x128xi32, #tpu.memory_space<vmem>>
        %dma_start3A_146 = tpu.memref_squeeze %dma_start3A_145 : memref<1x16x128xi32, #tpu.memory_space<vmem>> -> memref<16x128xi32, #tpu.memory_space<vmem>>
        %dma_start3A_147 = arith.constant 0 : i32
        %dma_start3A_148 = tpu.memref_slice %arg4[%add3A, %mul3A_121, %dma_start3A_147] : memref<32x80x128xi32, #tpu.memory_space<hbm>> -> memref<1x16x128xi32, #tpu.memory_space<hbm>>
        %dma_start3A_149 = tpu.memref_squeeze %dma_start3A_148 : memref<1x16x128xi32, #tpu.memory_space<hbm>> -> memref<16x128xi32, #tpu.memory_space<hbm>>
        tpu.enqueue_dma source(%dma_start3A_149 : memref<16x128xi32, #tpu.memory_space<hbm>>) target(%dma_start3A_146 : memref<16x128xi32, #tpu.memory_space<vmem>>) target_semaphore(%arg13 : memref<!tpu.dma_semaphore, #tpu.memory_space<semaphore_mem>>)
      } else {
      }
      %dma_wait3A_101 = arith.constant 0 : i32
      %dma_wait3A_102 = arith.constant 0 : i32
      %dma_wait3A_103 = tpu.memref_slice %arg10[%rem3A_91, %dma_wait3A_101, %dma_wait3A_102] : memref<2x128x128xf32, #tpu.memory_space<vmem>> -> memref<1x128x128xf32, #tpu.memory_space<vmem>>
      %dma_wait3A_104 = tpu.memref_squeeze %dma_wait3A_103 : memref<1x128x128xf32, #tpu.memory_space<vmem>> -> memref<128x128xf32, #tpu.memory_space<vmem>>
      %dma_wait3A_105 = arith.constant 0 : i32
      %dma_wait3A_106 = tpu.memref_slice %arg8[%rem3A_89, %sub3A_87, %dma_wait3A_105] : memref<2x16x128xi32, #tpu.memory_space<vmem>> -> memref<1x1x128xi32, #tpu.memory_space<vmem>>
      %dma_wait3A_107 = tpu.memref_squeeze %dma_wait3A_106 : memref<1x1x128xi32, #tpu.memory_space<vmem>> -> memref<128xi32, #tpu.memory_space<vmem>>
      %dma_wait3A_108 = arith.constant 0 : i32
      %dma_wait3A_109 = arith.constant 0 : i32
      %dma_wait3A_110 = tpu.memref_slice %arg2[%dma_wait3A_108, %dma_wait3A_109] : memref<10000x128xf32, #tpu.memory_space<hbm>> -> memref<10000x128xf32, #tpu.memory_space<hbm>>
      tpu.wait_indirect_dma semaphore(%arg12 : memref<!tpu.dma_semaphore, #tpu.memory_space<semaphore_mem>>) src(%dma_wait3A_110 : memref<10000x128xf32, #tpu.memory_space<hbm>>) dst(%dma_wait3A_104 : memref<128x128xf32, #tpu.memory_space<vmem>>)
      %lt3A_111 = arith.constant 79 : i32
      %lt3A_112 = arith.cmpi slt, %scan3A_68, %lt3A_111 : i32
      %convert_element_type3A_113 = arith.extui %lt3A_112 : i1 to i32
      %cond3A_114 = arith.constant 0 : i32
      %cond3A_115 = arith.cmpi ne, %convert_element_type3A_113, %cond3A_114 : i32
      scf.if %cond3A_115 {
        %add3A_116 = arith.constant 1 : i32
        %add3A_117 = arith.addi %scan3A_68, %add3A_116 : i32
        %jit3A_118 = arith.constant 16 : i32
        %div3A_119 = arith.divsi %add3A_117, %jit3A_118 : i32
        %sign3A_120 = arith.constant 0 : i32
        %sign3A_121 = arith.cmpi sgt, %add3A_117, %sign3A_120 : i32
        %sign3A_122 = arith.extui %sign3A_121 : i1 to i32
        %sign3A_123 = arith.constant 0 : i32
        %sign3A_124 = arith.cmpi slt, %add3A_117, %sign3A_123 : i32
        %sign3A_125 = arith.extui %sign3A_124 : i1 to i32
        %sign3A_126 = arith.subi %sign3A_122, %sign3A_125 : i32
        %sign3A_127 = arith.constant 0 : i32
        %sign3A_128 = arith.cmpi sgt, %jit3A_118, %sign3A_127 : i32
        %sign3A_129 = arith.extui %sign3A_128 : i1 to i32
        %sign3A_130 = arith.constant 0 : i32
        %sign3A_131 = arith.cmpi slt, %jit3A_118, %sign3A_130 : i32
        %sign3A_132 = arith.extui %sign3A_131 : i1 to i32
        %sign3A_133 = arith.subi %sign3A_129, %sign3A_132 : i32
        %ne3A_134 = arith.cmpi ne, %sign3A_126, %sign3A_133 : i32
        %rem3A_135 = arith.remsi %add3A_117, %jit3A_118 : i32
        %ne3A_136 = arith.constant 0 : i32
        %ne3A_137 = arith.cmpi ne, %rem3A_135, %ne3A_136 : i32
        %and3A_138 = arith.andi %ne3A_134, %ne3A_137 : i1
        %sub3A_139 = arith.constant 1 : i32
        %sub3A_140 = arith.subi %div3A_119, %sub3A_139 : i32
        %select_n3A_141 = arith.select %and3A_138, %sub3A_140, %div3A_119 : i32
        %mul3A_142 = arith.constant 16 : i32
        %mul3A_143 = arith.muli %select_n3A_141, %mul3A_142 : i32
        %sub3A_144 = arith.subi %add3A_117, %mul3A_143 : i32
        %rem3A_145 = arith.constant 2 : i32
        %rem3A_146 = arith.remsi %select_n3A_141, %rem3A_145 : i32
        %eq3A_147 = arith.constant 0 : i32
        %eq3A_148 = arith.cmpi eq, %sub3A_144, %eq3A_147 : i32
        %convert_element_type3A_149 = arith.extui %eq3A_148 : i1 to i32
        %cond3A_150 = arith.constant 0 : i32
        %cond3A_151 = arith.cmpi ne, %convert_element_type3A_149, %cond3A_150 : i32
        scf.if %cond3A_151 {
          %mul3A_164 = arith.constant 16 : i32
          %mul3A_165 = arith.muli %select_n3A_141, %mul3A_164 : i32
          %dma_wait3A_166 = arith.constant 0 : i32
          %dma_wait3A_167 = arith.constant 0 : i32
          %dma_wait3A_168 = tpu.memref_slice %arg8[%rem3A_146, %dma_wait3A_166, %dma_wait3A_167] : memref<2x16x128xi32, #tpu.memory_space<vmem>> -> memref<1x16x128xi32, #tpu.memory_space<vmem>>
          %dma_wait3A_169 = tpu.memref_squeeze %dma_wait3A_168 : memref<1x16x128xi32, #tpu.memory_space<vmem>> -> memref<16x128xi32, #tpu.memory_space<vmem>>
          %dma_wait3A_170 = arith.constant 0 : i32
          %dma_wait3A_171 = tpu.memref_slice %arg3[%add3A, %mul3A_165, %dma_wait3A_170] : memref<32x80x128xi32, #tpu.memory_space<hbm>> -> memref<1x16x128xi32, #tpu.memory_space<hbm>>
          %dma_wait3A_172 = tpu.memref_squeeze %dma_wait3A_171 : memref<1x16x128xi32, #tpu.memory_space<hbm>> -> memref<16x128xi32, #tpu.memory_space<hbm>>
          %dma_wait3A_173 = arith.constant 0 : i32
          %dma_wait3A_174 = arith.constant 0 : i32
          %dma_wait3A_175 = tpu.memref_slice %arg8[%rem3A_146, %dma_wait3A_173, %dma_wait3A_174] : memref<2x16x128xi32, #tpu.memory_space<vmem>> -> memref<1x16x128xi32, #tpu.memory_space<vmem>>
          %dma_wait3A_176 = tpu.memref_squeeze %dma_wait3A_175 : memref<1x16x128xi32, #tpu.memory_space<vmem>> -> memref<16x128xi32, #tpu.memory_space<vmem>>
          %dma_wait3A_177 = arith.constant 0 : i32
          %dma_wait3A_178 = tpu.memref_slice %arg3[%add3A, %mul3A_165, %dma_wait3A_177] : memref<32x80x128xi32, #tpu.memory_space<hbm>> -> memref<1x16x128xi32, #tpu.memory_space<hbm>>
          %dma_wait3A_179 = tpu.memref_squeeze %dma_wait3A_178 : memref<1x16x128xi32, #tpu.memory_space<hbm>> -> memref<16x128xi32, #tpu.memory_space<hbm>>
          tpu.wait_dma2 semaphore(%arg13 : memref<!tpu.dma_semaphore, #tpu.memory_space<semaphore_mem>>) src(%dma_wait3A_179 : memref<16x128xi32, #tpu.memory_space<hbm>>) dst(%dma_wait3A_176 : memref<16x128xi32, #tpu.memory_space<vmem>>)
          %dma_wait3A_180 = arith.constant 0 : i32
          %dma_wait3A_181 = arith.constant 0 : i32
          %dma_wait3A_182 = tpu.memref_slice %arg9[%rem3A_146, %dma_wait3A_180, %dma_wait3A_181] : memref<2x16x128xi32, #tpu.memory_space<vmem>> -> memref<1x16x128xi32, #tpu.memory_space<vmem>>
          %dma_wait3A_183 = tpu.memref_squeeze %dma_wait3A_182 : memref<1x16x128xi32, #tpu.memory_space<vmem>> -> memref<16x128xi32, #tpu.memory_space<vmem>>
          %dma_wait3A_184 = arith.constant 0 : i32
          %dma_wait3A_185 = tpu.memref_slice %arg4[%add3A, %mul3A_165, %dma_wait3A_184] : memref<32x80x128xi32, #tpu.memory_space<hbm>> -> memref<1x16x128xi32, #tpu.memory_space<hbm>>
          %dma_wait3A_186 = tpu.memref_squeeze %dma_wait3A_185 : memref<1x16x128xi32, #tpu.memory_space<hbm>> -> memref<16x128xi32, #tpu.memory_space<hbm>>
          %dma_wait3A_187 = arith.constant 0 : i32
          %dma_wait3A_188 = arith.constant 0 : i32
          %dma_wait3A_189 = tpu.memref_slice %arg9[%rem3A_146, %dma_wait3A_187, %dma_wait3A_188] : memref<2x16x128xi32, #tpu.memory_space<vmem>> -> memref<1x16x128xi32, #tpu.memory_space<vmem>>
          %dma_wait3A_190 = tpu.memref_squeeze %dma_wait3A_189 : memref<1x16x128xi32, #tpu.memory_space<vmem>> -> memref<16x128xi32, #tpu.memory_space<vmem>>
          %dma_wait3A_191 = arith.constant 0 : i32
          %dma_wait3A_192 = tpu.memref_slice %arg4[%add3A, %mul3A_165, %dma_wait3A_191] : memref<32x80x128xi32, #tpu.memory_space<hbm>> -> memref<1x16x128xi32, #tpu.memory_space<hbm>>
          %dma_wait3A_193 = tpu.memref_squeeze %dma_wait3A_192 : memref<1x16x128xi32, #tpu.memory_space<hbm>> -> memref<16x128xi32, #tpu.memory_space<hbm>>
          tpu.wait_dma2 semaphore(%arg13 : memref<!tpu.dma_semaphore, #tpu.memory_space<semaphore_mem>>) src(%dma_wait3A_193 : memref<16x128xi32, #tpu.memory_space<hbm>>) dst(%dma_wait3A_190 : memref<16x128xi32, #tpu.memory_space<vmem>>)
        } else {
        }
        %sub3A_152 = arith.constant 1 : i32
        %sub3A_153 = arith.subi %sub3A_152, %rem3A_91 : i32
        %dma_start3A_154 = arith.constant 0 : i32
        %dma_start3A_155 = arith.constant 0 : i32
        %dma_start3A_156 = tpu.memref_slice %arg10[%sub3A_153, %dma_start3A_154, %dma_start3A_155] : memref<2x128x128xf32, #tpu.memory_space<vmem>> -> memref<1x128x128xf32, #tpu.memory_space<vmem>>
        %dma_start3A_157 = tpu.memref_squeeze %dma_start3A_156 : memref<1x128x128xf32, #tpu.memory_space<vmem>> -> memref<128x128xf32, #tpu.memory_space<vmem>>
        %dma_start3A_158 = arith.constant 0 : i32
        %dma_start3A_159 = tpu.memref_slice %arg8[%rem3A_146, %sub3A_144, %dma_start3A_158] : memref<2x16x128xi32, #tpu.memory_space<vmem>> -> memref<1x1x128xi32, #tpu.memory_space<vmem>>
        %dma_start3A_160 = tpu.memref_squeeze %dma_start3A_159 : memref<1x1x128xi32, #tpu.memory_space<vmem>> -> memref<128xi32, #tpu.memory_space<vmem>>
        %dma_start3A_161 = arith.constant 0 : i32
        %dma_start3A_162 = arith.constant 0 : i32
        %dma_start3A_163 = tpu.memref_slice %arg2[%dma_start3A_161, %dma_start3A_162] : memref<10000x128xf32, #tpu.memory_space<hbm>> -> memref<10000x128xf32, #tpu.memory_space<hbm>>
        tpu.enqueue_indirect_dma source(%dma_start3A_163 : memref<10000x128xf32, #tpu.memory_space<hbm>>) target(%dma_start3A_157 : memref<128x128xf32, #tpu.memory_space<vmem>>) offsets(%dma_start3A_160 : memref<128xi32, #tpu.memory_space<vmem>>) semaphore(%arg12 : memref<!tpu.dma_semaphore, #tpu.memory_space<semaphore_mem>>)
      } else {
      }
      "tpu.region"() ({
        %run_scoped3A_116 = tpu.sem_alloc : memref<!tpu.dma_semaphore, #tpu.memory_space<semaphore_mem>>
        %dma_start3A_117 = arith.constant 0 : i32
        %dma_start3A_118 = arith.constant 0 : i32
        %dma_start3A_119 = tpu.memref_slice %arg10[%rem3A_91, %dma_start3A_117, %dma_start3A_118] : memref<2x128x128xf32, #tpu.memory_space<vmem>> -> memref<1x128x128xf32, #tpu.memory_space<vmem>>
        %dma_start3A_120 = tpu.memref_squeeze %dma_start3A_119 : memref<1x128x128xf32, #tpu.memory_space<vmem>> -> memref<128x128xf32, #tpu.memory_space<vmem>>
        %dma_start3A_121 = arith.constant 0 : i32
        %dma_start3A_122 = tpu.memref_slice %arg9[%rem3A_89, %sub3A_87, %dma_start3A_121] : memref<2x16x128xi32, #tpu.memory_space<vmem>> -> memref<1x1x128xi32, #tpu.memory_space<vmem>>
        %dma_start3A_123 = tpu.memref_squeeze %dma_start3A_122 : memref<1x1x128xi32, #tpu.memory_space<vmem>> -> memref<128xi32, #tpu.memory_space<vmem>>
        %dma_start3A_124 = arith.constant 0 : i32
        %dma_start3A_125 = arith.constant 0 : i32
        %dma_start3A_126 = tpu.memref_slice %arg11[%dma_start3A_124, %dma_start3A_125] : memref<10240x128xf32, #tpu.memory_space<vmem_shared>> -> memref<10240x128xf32, #tpu.memory_space<vmem_shared>>
        tpu.enqueue_indirect_dma source(%dma_start3A_120 : memref<128x128xf32, #tpu.memory_space<vmem>>) target(%dma_start3A_126 : memref<10240x128xf32, #tpu.memory_space<vmem_shared>>) offsets(%dma_start3A_123 : memref<128xi32, #tpu.memory_space<vmem>>) semaphore(%run_scoped3A_116 : memref<!tpu.dma_semaphore, #tpu.memory_space<semaphore_mem>>) {add = true}
        %dma_wait3A_127 = arith.constant 0 : i32
        %dma_wait3A_128 = arith.constant 0 : i32
        %dma_wait3A_129 = tpu.memref_slice %arg10[%rem3A_91, %dma_wait3A_127, %dma_wait3A_128] : memref<2x128x128xf32, #tpu.memory_space<vmem>> -> memref<1x128x128xf32, #tpu.memory_space<vmem>>
        %dma_wait3A_130 = tpu.memref_squeeze %dma_wait3A_129 : memref<1x128x128xf32, #tpu.memory_space<vmem>> -> memref<128x128xf32, #tpu.memory_space<vmem>>
        %dma_wait3A_131 = arith.constant 0 : i32
        %dma_wait3A_132 = tpu.memref_slice %arg9[%rem3A_89, %sub3A_87, %dma_wait3A_131] : memref<2x16x128xi32, #tpu.memory_space<vmem>> -> memref<1x1x128xi32, #tpu.memory_space<vmem>>
        %dma_wait3A_133 = tpu.memref_squeeze %dma_wait3A_132 : memref<1x1x128xi32, #tpu.memory_space<vmem>> -> memref<128xi32, #tpu.memory_space<vmem>>
        %dma_wait3A_134 = arith.constant 0 : i32
        %dma_wait3A_135 = arith.constant 0 : i32
        %dma_wait3A_136 = tpu.memref_slice %arg11[%dma_wait3A_134, %dma_wait3A_135] : memref<10240x128xf32, #tpu.memory_space<vmem_shared>> -> memref<10240x128xf32, #tpu.memory_space<vmem_shared>>
        tpu.wait_indirect_dma semaphore(%run_scoped3A_116 : memref<!tpu.dma_semaphore, #tpu.memory_space<semaphore_mem>>) src(%dma_wait3A_130 : memref<128x128xf32, #tpu.memory_space<vmem>>) dst(%dma_wait3A_136 : memref<10240x128xf32, #tpu.memory_space<vmem_shared>>)
        tpu.yield
      }) : () -> ()
    }
    %scan3A_59 = arith.constant 80 : i32
    %barrier3A_60 = arith.constant 0 : index
    tpu.barrier barrier_id(%barrier3A_60)
    %eq3A = arith.constant 0 : i32
    %eq3A_61 = arith.cmpi eq, %arg0, %eq3A : i32
    %convert_element_type3A = arith.extui %eq3A_61 : i1 to i32
    %cond3A = arith.constant 0 : i32
    %cond3A_62 = arith.cmpi ne, %convert_element_type3A, %cond3A : i32
    scf.if %cond3A_62 {
      %mul3A_68 = arith.constant 640 : i32
      %mul3A_69 = arith.muli %arg1, %mul3A_68 : i32
      %mul3A_70 = arith.constant 640 : i32
      %mul3A_71 = arith.muli %arg1, %mul3A_70 : i32
      "tpu.region"() ({
        %run_scoped3A_72 = tpu.sem_alloc : memref<!tpu.dma_semaphore, #tpu.memory_space<semaphore_mem>>
        %dma_start3A_73 = arith.constant 0 : i32
        %dma_start3A_74 = tpu.memref_slice %arg6[%mul3A_71, %dma_start3A_73] : memref<10240x128xf32, #tpu.memory_space<hbm>> -> memref<640x128xf32, #tpu.memory_space<hbm>>
        %dma_start3A_75 = arith.constant 0 : i32
        %dma_start3A_76 = tpu.memref_slice %arg11[%mul3A_69, %dma_start3A_75] : memref<10240x128xf32, #tpu.memory_space<vmem_shared>> -> memref<640x128xf32, #tpu.memory_space<vmem_shared>>
        tpu.enqueue_dma source(%dma_start3A_76 : memref<640x128xf32, #tpu.memory_space<vmem_shared>>) target(%dma_start3A_74 : memref<640x128xf32, #tpu.memory_space<hbm>>) target_semaphore(%run_scoped3A_72 : memref<!tpu.dma_semaphore, #tpu.memory_space<semaphore_mem>>)
        %dma_wait3A_77 = arith.constant 0 : i32
        %dma_wait3A_78 = tpu.memref_slice %arg6[%mul3A_71, %dma_wait3A_77] : memref<10240x128xf32, #tpu.memory_space<hbm>> -> memref<640x128xf32, #tpu.memory_space<hbm>>
        %dma_wait3A_79 = arith.constant 0 : i32
        %dma_wait3A_80 = tpu.memref_slice %arg11[%mul3A_69, %dma_wait3A_79] : memref<10240x128xf32, #tpu.memory_space<vmem_shared>> -> memref<640x128xf32, #tpu.memory_space<vmem_shared>>
        tpu.wait_dma2 semaphore(%run_scoped3A_72 : memref<!tpu.dma_semaphore, #tpu.memory_space<semaphore_mem>>) src(%dma_wait3A_80 : memref<640x128xf32, #tpu.memory_space<vmem_shared>>) dst(%dma_wait3A_78 : memref<640x128xf32, #tpu.memory_space<hbm>>)
        tpu.yield
      }) : () -> ()
    } else {
    }
    %eq3A_63 = arith.constant 1 : i32
    %eq3A_64 = arith.cmpi eq, %arg0, %eq3A_63 : i32
    %convert_element_type3A_65 = arith.extui %eq3A_64 : i1 to i32
    %cond3A_66 = arith.constant 0 : i32
    %cond3A_67 = arith.cmpi ne, %convert_element_type3A_65, %cond3A_66 : i32
    scf.if %cond3A_67 {
      %mul3A_68 = arith.constant 640 : i32
      %mul3A_69 = arith.muli %arg1, %mul3A_68 : i32
      %mul3A_70 = arith.constant 640 : i32
      %mul3A_71 = arith.muli %arg1, %mul3A_70 : i32
      "tpu.region"() ({
        %run_scoped3A_72 = tpu.sem_alloc : memref<!tpu.dma_semaphore, #tpu.memory_space<semaphore_mem>>
        %dma_start3A_73 = arith.constant 0 : i32
        %dma_start3A_74 = tpu.memref_slice %arg7[%mul3A_71, %dma_start3A_73] : memref<10240x128xf32, #tpu.memory_space<hbm>> -> memref<640x128xf32, #tpu.memory_space<hbm>>
        %dma_start3A_75 = arith.constant 0 : i32
        %dma_start3A_76 = tpu.memref_slice %arg11[%mul3A_69, %dma_start3A_75] : memref<10240x128xf32, #tpu.memory_space<vmem_shared>> -> memref<640x128xf32, #tpu.memory_space<vmem_shared>>
        tpu.enqueue_dma source(%dma_start3A_76 : memref<640x128xf32, #tpu.memory_space<vmem_shared>>) target(%dma_start3A_74 : memref<640x128xf32, #tpu.memory_space<hbm>>) target_semaphore(%run_scoped3A_72 : memref<!tpu.dma_semaphore, #tpu.memory_space<semaphore_mem>>)
        %dma_wait3A_77 = arith.constant 0 : i32
        %dma_wait3A_78 = tpu.memref_slice %arg7[%mul3A_71, %dma_wait3A_77] : memref<10240x128xf32, #tpu.memory_space<hbm>> -> memref<640x128xf32, #tpu.memory_space<hbm>>
        %dma_wait3A_79 = arith.constant 0 : i32
        %dma_wait3A_80 = tpu.memref_slice %arg11[%mul3A_69, %dma_wait3A_79] : memref<10240x128xf32, #tpu.memory_space<vmem_shared>> -> memref<640x128xf32, #tpu.memory_space<vmem_shared>>
        tpu.wait_dma2 semaphore(%run_scoped3A_72 : memref<!tpu.dma_semaphore, #tpu.memory_space<semaphore_mem>>) src(%dma_wait3A_80 : memref<640x128xf32, #tpu.memory_space<vmem_shared>>) dst(%dma_wait3A_78 : memref<640x128xf32, #tpu.memory_space<hbm>>)
        tpu.yield
      }) : () -> ()
    } else {
    }
    return
  }
}

module attributes {stable_mosaic.version = 14 : i64} {
  func.func @_repack_body(%arg0: i32, %arg1: memref<2x32768xi32, #tpu.memory_space<vmem>>, %arg2: memref<8x4096xi32, #tpu.memory_space<vmem>>, %arg3: memref<8x4096xi32, #tpu.memory_space<vmem>>) attributes {dimension_semantics = [#tpu.dimension_semantics<arbitrary>], iteration_bounds = array<i64: 10>, scalar_prefetch = 0 : i64, scratch_operands = 0 : i64, tpu.core_type = #tpu.core_type<tc>, window_params = [{transform_indices = @transform_0, window_bounds = array<i64: 2, 32768>}, {transform_indices = @transform_1, window_bounds = array<i64: 8, 4096>}, {transform_indices = @transform_2, window_bounds = array<i64: 8, 4096>}]} {
    %mul3A = arith.constant 32768 : i32
    %mul3A_0 = arith.muli %arg0, %mul3A : i32
    %iota3A = tpu.iota {dimensions = array<i32: 0>} : vector<8x4096xi32>
    %mul3A_1 = arith.constant 4096 : i32
    %mul3A_2 = vector.broadcast %mul3A_1 : i32 to vector<8x4096xi32>
    %mul3A_3 = arith.muli %iota3A, %mul3A_2 : vector<8x4096xi32>
    %add3A = vector.broadcast %mul3A_0 : i32 to vector<8x4096xi32>
    %add3A_4 = arith.addi %add3A, %mul3A_3 : vector<8x4096xi32>
    %iota3A_5 = tpu.iota {dimensions = array<i32: 1>} : vector<8x4096xi32>
    %add3A_6 = arith.addi %add3A_4, %iota3A_5 : vector<8x4096xi32>
    %sub3A = arith.constant 320000 : i32
    %sub3A_7 = vector.broadcast %sub3A : i32 to vector<8x4096xi32>
    %sub3A_8 = arith.subi %add3A_6, %sub3A_7 : vector<8x4096xi32>
    %ge3A = arith.constant 320000 : i32
    %ge3A_9 = vector.broadcast %ge3A : i32 to vector<8x4096xi32>
    %ge3A_10 = arith.cmpi sge, %add3A_6, %ge3A_9 : vector<8x4096xi32>
    %jit3A = arith.constant 240 : i32
    %div3A = vector.broadcast %jit3A : i32 to vector<8x4096xi32>
    %div3A_11 = arith.divsi %sub3A_8, %div3A : vector<8x4096xi32>
    %sign3A = arith.constant 0 : i32
    %sign3A_12 = vector.broadcast %sign3A : i32 to vector<8x4096xi32>
    %sign3A_13 = arith.cmpi sgt, %sub3A_8, %sign3A_12 : vector<8x4096xi32>
    %sign3A_14 = arith.extui %sign3A_13 : vector<8x4096xi1> to vector<8x4096xi32>
    %sign3A_15 = arith.constant 0 : i32
    %sign3A_16 = vector.broadcast %sign3A_15 : i32 to vector<8x4096xi32>
    %sign3A_17 = arith.cmpi slt, %sub3A_8, %sign3A_16 : vector<8x4096xi32>
    %sign3A_18 = arith.extui %sign3A_17 : vector<8x4096xi1> to vector<8x4096xi32>
    %sign3A_19 = arith.subi %sign3A_14, %sign3A_18 : vector<8x4096xi32>
    %sign3A_20 = arith.constant 0 : i32
    %sign3A_21 = arith.cmpi sgt, %jit3A, %sign3A_20 : i32
    %sign3A_22 = arith.extui %sign3A_21 : i1 to i32
    %sign3A_23 = arith.constant 0 : i32
    %sign3A_24 = arith.cmpi slt, %jit3A, %sign3A_23 : i32
    %sign3A_25 = arith.extui %sign3A_24 : i1 to i32
    %sign3A_26 = arith.subi %sign3A_22, %sign3A_25 : i32
    %ne3A = vector.broadcast %sign3A_26 : i32 to vector<8x4096xi32>
    %ne3A_27 = arith.cmpi ne, %sign3A_19, %ne3A : vector<8x4096xi32>
    %rem3A = vector.broadcast %jit3A : i32 to vector<8x4096xi32>
    %rem3A_28 = arith.remsi %sub3A_8, %rem3A : vector<8x4096xi32>
    %ne3A_29 = arith.constant 0 : i32
    %ne3A_30 = vector.broadcast %ne3A_29 : i32 to vector<8x4096xi32>
    %ne3A_31 = arith.cmpi ne, %rem3A_28, %ne3A_30 : vector<8x4096xi32>
    %and3A = arith.andi %ne3A_27, %ne3A_31 : vector<8x4096xi1>
    %sub3A_32 = arith.constant 1 : i32
    %sub3A_33 = vector.broadcast %sub3A_32 : i32 to vector<8x4096xi32>
    %sub3A_34 = arith.subi %div3A_11, %sub3A_33 : vector<8x4096xi32>
    %select_n3A = arith.select %and3A, %sub3A_34, %div3A_11 : vector<8x4096xi1>, vector<8x4096xi32>
    %mul3A_35 = arith.constant 240 : i32
    %mul3A_36 = vector.broadcast %mul3A_35 : i32 to vector<8x4096xi32>
    %mul3A_37 = arith.muli %select_n3A, %mul3A_36 : vector<8x4096xi32>
    %sub3A_38 = arith.subi %sub3A_8, %mul3A_37 : vector<8x4096xi32>
    %add3A_39 = arith.constant 10000 : i32
    %add3A_40 = vector.broadcast %add3A_39 : i32 to vector<8x4096xi32>
    %add3A_41 = arith.addi %add3A_40, %sub3A_38 : vector<8x4096xi32>
    %jit3A_42 = arith.constant 10000 : i32
    %div3A_43 = vector.broadcast %jit3A_42 : i32 to vector<8x4096xi32>
    %div3A_44 = arith.divsi %sub3A_8, %div3A_43 : vector<8x4096xi32>
    %sign3A_45 = arith.constant 0 : i32
    %sign3A_46 = vector.broadcast %sign3A_45 : i32 to vector<8x4096xi32>
    %sign3A_47 = arith.cmpi sgt, %sub3A_8, %sign3A_46 : vector<8x4096xi32>
    %sign3A_48 = arith.extui %sign3A_47 : vector<8x4096xi1> to vector<8x4096xi32>
    %sign3A_49 = arith.constant 0 : i32
    %sign3A_50 = vector.broadcast %sign3A_49 : i32 to vector<8x4096xi32>
    %sign3A_51 = arith.cmpi slt, %sub3A_8, %sign3A_50 : vector<8x4096xi32>
    %sign3A_52 = arith.extui %sign3A_51 : vector<8x4096xi1> to vector<8x4096xi32>
    %sign3A_53 = arith.subi %sign3A_48, %sign3A_52 : vector<8x4096xi32>
    %sign3A_54 = arith.constant 0 : i32
    %sign3A_55 = arith.cmpi sgt, %jit3A_42, %sign3A_54 : i32
    %sign3A_56 = arith.extui %sign3A_55 : i1 to i32
    %sign3A_57 = arith.constant 0 : i32
    %sign3A_58 = arith.cmpi slt, %jit3A_42, %sign3A_57 : i32
    %sign3A_59 = arith.extui %sign3A_58 : i1 to i32
    %sign3A_60 = arith.subi %sign3A_56, %sign3A_59 : i32
    %ne3A_61 = vector.broadcast %sign3A_60 : i32 to vector<8x4096xi32>
    %ne3A_62 = arith.cmpi ne, %sign3A_53, %ne3A_61 : vector<8x4096xi32>
    %rem3A_63 = vector.broadcast %jit3A_42 : i32 to vector<8x4096xi32>
    %rem3A_64 = arith.remsi %sub3A_8, %rem3A_63 : vector<8x4096xi32>
    %ne3A_65 = arith.constant 0 : i32
    %ne3A_66 = vector.broadcast %ne3A_65 : i32 to vector<8x4096xi32>
    %ne3A_67 = arith.cmpi ne, %rem3A_64, %ne3A_66 : vector<8x4096xi32>
    %and3A_68 = arith.andi %ne3A_62, %ne3A_67 : vector<8x4096xi1>
    %sub3A_69 = arith.constant 1 : i32
    %sub3A_70 = vector.broadcast %sub3A_69 : i32 to vector<8x4096xi32>
    %sub3A_71 = arith.subi %div3A_44, %sub3A_70 : vector<8x4096xi32>
    %select_n3A_72 = arith.select %and3A_68, %sub3A_71, %div3A_44 : vector<8x4096xi1>, vector<8x4096xi32>
    %mul3A_73 = arith.constant 10000 : i32
    %mul3A_74 = vector.broadcast %mul3A_73 : i32 to vector<8x4096xi32>
    %mul3A_75 = arith.muli %select_n3A_72, %mul3A_74 : vector<8x4096xi32>
    %sub3A_76 = arith.subi %sub3A_8, %mul3A_75 : vector<8x4096xi32>
    %get3A = arith.constant 0 : index
    %get3A_77 = arith.constant 0 : index
    %get3A_78 = vector.load %arg1[%get3A, %get3A_77] : memref<2x32768xi32, #tpu.memory_space<vmem>>, vector<1x32768xi32>
    %reshape3A = vector.shape_cast %get3A_78 : vector<1x32768xi32> to vector<8x4096xi32>
    %select_n3A_79 = arith.select %ge3A_10, %add3A_41, %reshape3A : vector<8x4096xi1>, vector<8x4096xi32>
    %swap3A = arith.constant 0 : index
    %swap3A_80 = arith.constant 0 : index
    %swap3A_81 = vector.load %arg2[%swap3A, %swap3A_80] : memref<8x4096xi32, #tpu.memory_space<vmem>>, vector<8x4096xi32>
    tpu.vector_store %arg2[%swap3A, %swap3A_80], %select_n3A_79 {strides = array<i32>} : memref<8x4096xi32, #tpu.memory_space<vmem>>, vector<8x4096xi32>,
    %get3A_82 = arith.constant 1 : index
    %get3A_83 = arith.constant 0 : index
    %get3A_84 = vector.load %arg1[%get3A_82, %get3A_83] : memref<2x32768xi32, #tpu.memory_space<vmem>>, vector<1x32768xi32>
    %reshape3A_85 = vector.shape_cast %get3A_84 : vector<1x32768xi32> to vector<8x4096xi32>
    %select_n3A_86 = arith.select %ge3A_10, %sub3A_76, %reshape3A_85 : vector<8x4096xi1>, vector<8x4096xi32>
    %swap3A_87 = arith.constant 0 : index
    %swap3A_88 = arith.constant 0 : index
    %swap3A_89 = vector.load %arg3[%swap3A_87, %swap3A_88] : memref<8x4096xi32, #tpu.memory_space<vmem>>, vector<8x4096xi32>
    tpu.vector_store %arg3[%swap3A_87, %swap3A_88], %select_n3A_86 {strides = array<i32>} : memref<8x4096xi32, #tpu.memory_space<vmem>>, vector<8x4096xi32>,
    return
  }
  func.func @transform_0(%arg0: i32) -> (i32, i32) {
    %c0_i32 = arith.constant 0 : i32
    %c0_i32_0 = arith.constant 0 : i32
    return %c0_i32, %arg0 : i32, i32
  }
  func.func @transform_1(%arg0: i32) -> (i32, i32) {
    %c0_i32 = arith.constant 0 : i32
    %c0_i32_0 = arith.constant 0 : i32
    return %arg0, %c0_i32 : i32, i32
  }
  func.func @transform_2(%arg0: i32) -> (i32, i32) {
    %c0_i32 = arith.constant 0 : i32
    %c0_i32_0 = arith.constant 0 : i32
    return %arg0, %c0_i32 : i32, i32
  }
}

module attributes {stable_mosaic.version = 14 : i64} {
  func.func @_disy_body(%arg0: i32, %arg1: memref<2x10240xf32, #tpu.memory_space<vmem>>, %arg2: memref<10000x128xf32, #tpu.memory_space<vmem>>, %arg3: memref<10000x128xf32, #tpu.memory_space<vmem>>, %arg4: memref<10000x1xf32, #tpu.memory_space<vmem>>) attributes {dimension_semantics = [#tpu.dimension_semantics<arbitrary>], iteration_bounds = array<i64: 1>, scalar_prefetch = 0 : i64, scratch_operands = 0 : i64, tpu.core_type = #tpu.core_type<tc>, window_params = [{pipeline_mode = #tpu.pipeline_mode<synchronous>, transform_indices = @transform_0, window_bounds = array<i64: 2, 10240>}, {pipeline_mode = #tpu.pipeline_mode<synchronous>, transform_indices = @transform_1, window_bounds = array<i64: 10000, 128>}, {pipeline_mode = #tpu.pipeline_mode<synchronous>, transform_indices = @transform_2, window_bounds = array<i64: 10000, 128>}, {pipeline_mode = #tpu.pipeline_mode<synchronous>, transform_indices = @transform_3, window_bounds = array<i64: 10000, 1>}]} {
    %get3A = arith.constant 0 : index
    %get3A_0 = arith.constant 0 : index
    %get3A_1 = vector.load %arg1[%get3A, %get3A_0] : memref<2x10240xf32, #tpu.memory_space<vmem>>, vector<2x10240xf32>
    %broadcast_in_dim3A = arith.constant 1.000000e+00 : f32
    %broadcast_in_dim3A_2 = vector.broadcast %broadcast_in_dim3A : f32 to vector<2x1xf32>
    %dot_general3A = arith.constant dense<0.000000e+00> : vector<10240x1xf32>
    %dot_general3A_3 = tpu.matmul %get3A_1, %broadcast_in_dim3A_2, %dot_general3A {dimension_numbers = #tpu.dot_dimension_numbers<[0], [0], [1], [1], [0, 1, 1, 1], [], []>, transpose_lhs_hint = false} : vector<2x10240xf32>, vector<2x1xf32>, vector<10240x1xf32> -> vector<10240x1xf32>
    %slice3A = vector.extract_strided_slice %dot_general3A_3 {offsets = [0, 0], sizes = [10000, 1], strides = [1, 1]} : vector<10240x1xf32> to vector<10000x1xf32>
    %lt3A = arith.constant 5.000000e-01 : f32
    %lt3A_4 = vector.broadcast %lt3A : f32 to vector<10000x1xf32>
    %lt3A_5 = arith.cmpf olt, %slice3A, %lt3A_4 : vector<10000x1xf32>
    %add3A = arith.constant 1.000000e+00 : f32
    %add3A_6 = vector.broadcast %add3A : f32 to vector<10000x1xf32>
    %add3A_7 = arith.addf %slice3A, %add3A_6 : vector<10000x1xf32>
    %select_n3A = arith.select %lt3A_5, %add3A_7, %slice3A : vector<10000x1xi1>, vector<10000x1xf32>
    %rsqrt3A = math.rsqrt %select_n3A : vector<10000x1xf32>
    %swap3A = arith.constant 0 : index
    %swap3A_8 = arith.constant 0 : index
    %swap3A_9 = vector.load %arg4[%swap3A, %swap3A_8] : memref<10000x1xf32, #tpu.memory_space<vmem>>, vector<10000x1xf32>
    tpu.vector_store %arg4[%swap3A, %swap3A_8], %rsqrt3A {strides = array<i32>} : memref<10000x1xf32, #tpu.memory_space<vmem>>, vector<10000x1xf32>,
    %get3A_10 = arith.constant 0 : index
    %get3A_11 = arith.constant 0 : index
    %get3A_12 = vector.load %arg2[%get3A_10, %get3A_11] : memref<10000x128xf32, #tpu.memory_space<vmem>>, vector<10000x128xf32>
    %mul3A = vector.broadcast %rsqrt3A : vector<10000x1xf32> to vector<10000x128xf32>
    %mul3A_13 = arith.mulf %mul3A, %get3A_12 : vector<10000x128xf32>
    %swap3A_14 = arith.constant 0 : index
    %swap3A_15 = arith.constant 0 : index
    %swap3A_16 = vector.load %arg3[%swap3A_14, %swap3A_15] : memref<10000x128xf32, #tpu.memory_space<vmem>>, vector<10000x128xf32>
    tpu.vector_store %arg3[%swap3A_14, %swap3A_15], %mul3A_13 {strides = array<i32>} : memref<10000x128xf32, #tpu.memory_space<vmem>>, vector<10000x128xf32>,
    return
  }
  func.func @transform_0(%arg0: i32) -> (i32, i32) {
    %c0_i32 = arith.constant 0 : i32
    %c0_i32_0 = arith.constant 0 : i32
    %c0_i32_1 = arith.constant 0 : i32
    return %c0_i32, %c0_i32_0 : i32, i32
  }
  func.func @transform_1(%arg0: i32) -> (i32, i32) {
    %c0_i32 = arith.constant 0 : i32
    %c0_i32_0 = arith.constant 0 : i32
    %c0_i32_1 = arith.constant 0 : i32
    return %c0_i32, %c0_i32_0 : i32, i32
  }
  func.func @transform_2(%arg0: i32) -> (i32, i32) {
    %c0_i32 = arith.constant 0 : i32
    %c0_i32_0 = arith.constant 0 : i32
    %c0_i32_1 = arith.constant 0 : i32
    return %c0_i32, %c0_i32_0 : i32, i32
  }
  func.func @transform_3(%arg0: i32) -> (i32, i32) {
    %c0_i32 = arith.constant 0 : i32
    %c0_i32_0 = arith.constant 0 : i32
    %c0_i32_1 = arith.constant 0 : i32
    return %c0_i32, %c0_i32_0 : i32, i32
  }
}

module attributes {stable_mosaic.version = 14 : i64} {
  func.func @_combine_first_body(%arg0: i32, %arg1: memref<2000x128xf32, #tpu.memory_space<vmem>>, %arg2: memref<2000x128xf32, #tpu.memory_space<vmem>>, %arg3: memref<2000x1xf32, #tpu.memory_space<vmem>>, %arg4: memref<2000x128xf32, #tpu.memory_space<vmem>>, %arg5: memref<1x3xf32, #tpu.memory_space<vmem>>, %arg6: memref<2000x128xf32, #tpu.memory_space<vmem>>, %arg7: memref<2000x128xf32, #tpu.memory_space<vmem>>) attributes {dimension_semantics = [#tpu.dimension_semantics<arbitrary>], iteration_bounds = array<i64: 5>, scalar_prefetch = 0 : i64, scratch_operands = 0 : i64, tpu.core_type = #tpu.core_type<tc>, window_params = [{transform_indices = @transform_0, window_bounds = array<i64: 2000, 128>}, {transform_indices = @transform_1, window_bounds = array<i64: 2000, 128>}, {transform_indices = @transform_2, window_bounds = array<i64: 2000, 1>}, {transform_indices = @transform_3, window_bounds = array<i64: 2000, 128>}, {pipeline_mode = #tpu.pipeline_mode<synchronous>, transform_indices = @transform_4, window_bounds = array<i64: 1, 3>}, {transform_indices = @transform_5, window_bounds = array<i64: 2000, 128>}, {transform_indices = @transform_6, window_bounds = array<i64: 2000, 128>}]} {
    %get3A = arith.constant 0 : index
    %get3A_0 = arith.constant 0 : index
    %get3A_1 = vector.load %arg1[%get3A, %get3A_0] : memref<2000x128xf32, #tpu.memory_space<vmem>>, vector<2000x128xf32>
    %get3A_2 = arith.constant 0 : index
    %get3A_3 = arith.constant 0 : index
    %get3A_4 = vector.load %arg2[%get3A_2, %get3A_3] : memref<2000x128xf32, #tpu.memory_space<vmem>>, vector<2000x128xf32>
    %add3A = arith.addf %get3A_1, %get3A_4 : vector<2000x128xf32>
    %get3A_5 = arith.constant 0 : index
    %get3A_6 = arith.constant 0 : index
    %get3A_7 = vector.load %arg3[%get3A_5, %get3A_6] : memref<2000x1xf32, #tpu.memory_space<vmem>>, vector<2000x1xf32>
    %get3A_8 = arith.constant 0 : index
    %get3A_9 = arith.constant 0 : index
    %get3A_10 = vector.load %arg5[%get3A_8, %get3A_9] : memref<1x3xf32, #tpu.memory_space<vmem>>, vector<1x1xf32>
    %get3A_11 = vector.extract %get3A_10[0, 0] : f32 from vector<1x1xf32>
    %mul3A = vector.broadcast %get3A_7 : vector<2000x1xf32> to vector<2000x128xf32>
    %mul3A_12 = arith.mulf %mul3A, %add3A : vector<2000x128xf32>
    %mul3A_13 = vector.broadcast %get3A_11 : f32 to vector<2000x128xf32>
    %mul3A_14 = arith.mulf %mul3A_13, %mul3A_12 : vector<2000x128xf32>
    %get3A_15 = arith.constant 0 : index
    %get3A_16 = arith.constant 1 : index
    %get3A_17 = vector.load %arg5[%get3A_15, %get3A_16] : memref<1x3xf32, #tpu.memory_space<vmem>>, vector<1x1xf32>
    %get3A_18 = vector.extract %get3A_17[0, 0] : f32 from vector<1x1xf32>
    %get3A_19 = arith.constant 0 : index
    %get3A_20 = arith.constant 0 : index
    %get3A_21 = vector.load %arg4[%get3A_19, %get3A_20] : memref<2000x128xf32, #tpu.memory_space<vmem>>, vector<2000x128xf32>
    %mul3A_22 = vector.broadcast %get3A_18 : f32 to vector<2000x128xf32>
    %mul3A_23 = arith.mulf %mul3A_22, %get3A_21 : vector<2000x128xf32>
    %add3A_24 = arith.addf %mul3A_14, %mul3A_23 : vector<2000x128xf32>
    %swap3A = arith.constant 0 : index
    %swap3A_25 = arith.constant 0 : index
    %swap3A_26 = vector.load %arg6[%swap3A, %swap3A_25] : memref<2000x128xf32, #tpu.memory_space<vmem>>, vector<2000x128xf32>
    tpu.vector_store %arg6[%swap3A, %swap3A_25], %add3A_24 {strides = array<i32>} : memref<2000x128xf32, #tpu.memory_space<vmem>>, vector<2000x128xf32>,
    %mul3A_27 = vector.broadcast %get3A_7 : vector<2000x1xf32> to vector<2000x128xf32>
    %mul3A_28 = arith.mulf %mul3A_27, %add3A_24 : vector<2000x128xf32>
    %swap3A_29 = arith.constant 0 : index
    %swap3A_30 = arith.constant 0 : index
    %swap3A_31 = vector.load %arg7[%swap3A_29, %swap3A_30] : memref<2000x128xf32, #tpu.memory_space<vmem>>, vector<2000x128xf32>
    tpu.vector_store %arg7[%swap3A_29, %swap3A_30], %mul3A_28 {strides = array<i32>} : memref<2000x128xf32, #tpu.memory_space<vmem>>, vector<2000x128xf32>,
    return
  }
  func.func @transform_0(%arg0: i32) -> (i32, i32) {
    %c0_i32 = arith.constant 0 : i32
    %c0_i32_0 = arith.constant 0 : i32
    return %arg0, %c0_i32 : i32, i32
  }
  func.func @transform_1(%arg0: i32) -> (i32, i32) {
    %c0_i32 = arith.constant 0 : i32
    %c0_i32_0 = arith.constant 0 : i32
    return %arg0, %c0_i32 : i32, i32
  }
  func.func @transform_2(%arg0: i32) -> (i32, i32) {
    %c0_i32 = arith.constant 0 : i32
    %c0_i32_0 = arith.constant 0 : i32
    return %arg0, %c0_i32 : i32, i32
  }
  func.func @transform_3(%arg0: i32) -> (i32, i32) {
    %c0_i32 = arith.constant 0 : i32
    %c0_i32_0 = arith.constant 0 : i32
    return %arg0, %c0_i32 : i32, i32
  }
  func.func @transform_4(%arg0: i32) -> (i32, i32) {
    %c0_i32 = arith.constant 0 : i32
    %c0_i32_0 = arith.constant 0 : i32
    %c0_i32_1 = arith.constant 0 : i32
    return %c0_i32, %c0_i32_0 : i32, i32
  }
  func.func @transform_5(%arg0: i32) -> (i32, i32) {
    %c0_i32 = arith.constant 0 : i32
    %c0_i32_0 = arith.constant 0 : i32
    return %arg0, %c0_i32 : i32, i32
  }
  func.func @transform_6(%arg0: i32) -> (i32, i32) {
    %c0_i32 = arith.constant 0 : i32
    %c0_i32_0 = arith.constant 0 : i32
    return %arg0, %c0_i32 : i32, i32
  }
}

module attributes {stable_mosaic.version = 14 : i64} {
  func.func @_combine_mid_body(%arg0: i32, %arg1: memref<2000x128xf32, #tpu.memory_space<vmem>>, %arg2: memref<2000x128xf32, #tpu.memory_space<vmem>>, %arg3: memref<2000x1xf32, #tpu.memory_space<vmem>>, %arg4: memref<2000x128xf32, #tpu.memory_space<vmem>>, %arg5: memref<2000x128xf32, #tpu.memory_space<vmem>>, %arg6: memref<1x3xf32, #tpu.memory_space<vmem>>, %arg7: memref<2000x128xf32, #tpu.memory_space<vmem>>, %arg8: memref<2000x128xf32, #tpu.memory_space<vmem>>) attributes {dimension_semantics = [#tpu.dimension_semantics<arbitrary>], iteration_bounds = array<i64: 5>, scalar_prefetch = 0 : i64, scratch_operands = 0 : i64, tpu.core_type = #tpu.core_type<tc>, window_params = [{transform_indices = @transform_0, window_bounds = array<i64: 2000, 128>}, {transform_indices = @transform_1, window_bounds = array<i64: 2000, 128>}, {transform_indices = @transform_2, window_bounds = array<i64: 2000, 1>}, {transform_indices = @transform_3, window_bounds = array<i64: 2000, 128>}, {transform_indices = @transform_4, window_bounds = array<i64: 2000, 128>}, {pipeline_mode = #tpu.pipeline_mode<synchronous>, transform_indices = @transform_5, window_bounds = array<i64: 1, 3>}, {transform_indices = @transform_6, window_bounds = array<i64: 2000, 128>}, {transform_indices = @transform_7, window_bounds = array<i64: 2000, 128>}]} {
    %get3A = arith.constant 0 : index
    %get3A_0 = arith.constant 0 : index
    %get3A_1 = vector.load %arg1[%get3A, %get3A_0] : memref<2000x128xf32, #tpu.memory_space<vmem>>, vector<2000x128xf32>
    %get3A_2 = arith.constant 0 : index
    %get3A_3 = arith.constant 0 : index
    %get3A_4 = vector.load %arg2[%get3A_2, %get3A_3] : memref<2000x128xf32, #tpu.memory_space<vmem>>, vector<2000x128xf32>
    %add3A = arith.addf %get3A_1, %get3A_4 : vector<2000x128xf32>
    %get3A_5 = arith.constant 0 : index
    %get3A_6 = arith.constant 0 : index
    %get3A_7 = vector.load %arg3[%get3A_5, %get3A_6] : memref<2000x1xf32, #tpu.memory_space<vmem>>, vector<2000x1xf32>
    %get3A_8 = arith.constant 0 : index
    %get3A_9 = arith.constant 0 : index
    %get3A_10 = vector.load %arg6[%get3A_8, %get3A_9] : memref<1x3xf32, #tpu.memory_space<vmem>>, vector<1x1xf32>
    %get3A_11 = vector.extract %get3A_10[0, 0] : f32 from vector<1x1xf32>
    %mul3A = vector.broadcast %get3A_7 : vector<2000x1xf32> to vector<2000x128xf32>
    %mul3A_12 = arith.mulf %mul3A, %add3A : vector<2000x128xf32>
    %mul3A_13 = vector.broadcast %get3A_11 : f32 to vector<2000x128xf32>
    %mul3A_14 = arith.mulf %mul3A_13, %mul3A_12 : vector<2000x128xf32>
    %get3A_15 = arith.constant 0 : index
    %get3A_16 = arith.constant 1 : index
    %get3A_17 = vector.load %arg6[%get3A_15, %get3A_16] : memref<1x3xf32, #tpu.memory_space<vmem>>, vector<1x1xf32>
    %get3A_18 = vector.extract %get3A_17[0, 0] : f32 from vector<1x1xf32>
    %get3A_19 = arith.constant 0 : index
    %get3A_20 = arith.constant 0 : index
    %get3A_21 = vector.load %arg4[%get3A_19, %get3A_20] : memref<2000x128xf32, #tpu.memory_space<vmem>>, vector<2000x128xf32>
    %mul3A_22 = vector.broadcast %get3A_18 : f32 to vector<2000x128xf32>
    %mul3A_23 = arith.mulf %mul3A_22, %get3A_21 : vector<2000x128xf32>
    %add3A_24 = arith.addf %mul3A_14, %mul3A_23 : vector<2000x128xf32>
    %get3A_25 = arith.constant 0 : index
    %get3A_26 = arith.constant 2 : index
    %get3A_27 = vector.load %arg6[%get3A_25, %get3A_26] : memref<1x3xf32, #tpu.memory_space<vmem>>, vector<1x1xf32>
    %get3A_28 = vector.extract %get3A_27[0, 0] : f32 from vector<1x1xf32>
    %get3A_29 = arith.constant 0 : index
    %get3A_30 = arith.constant 0 : index
    %get3A_31 = vector.load %arg5[%get3A_29, %get3A_30] : memref<2000x128xf32, #tpu.memory_space<vmem>>, vector<2000x128xf32>
    %mul3A_32 = vector.broadcast %get3A_28 : f32 to vector<2000x128xf32>
    %mul3A_33 = arith.mulf %mul3A_32, %get3A_31 : vector<2000x128xf32>
    %add3A_34 = arith.addf %add3A_24, %mul3A_33 : vector<2000x128xf32>
    %swap3A = arith.constant 0 : index
    %swap3A_35 = arith.constant 0 : index
    %swap3A_36 = vector.load %arg7[%swap3A, %swap3A_35] : memref<2000x128xf32, #tpu.memory_space<vmem>>, vector<2000x128xf32>
    tpu.vector_store %arg7[%swap3A, %swap3A_35], %add3A_34 {strides = array<i32>} : memref<2000x128xf32, #tpu.memory_space<vmem>>, vector<2000x128xf32>,
    %mul3A_37 = vector.broadcast %get3A_7 : vector<2000x1xf32> to vector<2000x128xf32>
    %mul3A_38 = arith.mulf %mul3A_37, %add3A_34 : vector<2000x128xf32>
    %swap3A_39 = arith.constant 0 : index
    %swap3A_40 = arith.constant 0 : index
    %swap3A_41 = vector.load %arg8[%swap3A_39, %swap3A_40] : memref<2000x128xf32, #tpu.memory_space<vmem>>, vector<2000x128xf32>
    tpu.vector_store %arg8[%swap3A_39, %swap3A_40], %mul3A_38 {strides = array<i32>} : memref<2000x128xf32, #tpu.memory_space<vmem>>, vector<2000x128xf32>,
    return
  }
  func.func @transform_0(%arg0: i32) -> (i32, i32) {
    %c0_i32 = arith.constant 0 : i32
    %c0_i32_0 = arith.constant 0 : i32
    return %arg0, %c0_i32 : i32, i32
  }
  func.func @transform_1(%arg0: i32) -> (i32, i32) {
    %c0_i32 = arith.constant 0 : i32
    %c0_i32_0 = arith.constant 0 : i32
    return %arg0, %c0_i32 : i32, i32
  }
  func.func @transform_2(%arg0: i32) -> (i32, i32) {
    %c0_i32 = arith.constant 0 : i32
    %c0_i32_0 = arith.constant 0 : i32
    return %arg0, %c0_i32 : i32, i32
  }
  func.func @transform_3(%arg0: i32) -> (i32, i32) {
    %c0_i32 = arith.constant 0 : i32
    %c0_i32_0 = arith.constant 0 : i32
    return %arg0, %c0_i32 : i32, i32
  }
  func.func @transform_4(%arg0: i32) -> (i32, i32) {
    %c0_i32 = arith.constant 0 : i32
    %c0_i32_0 = arith.constant 0 : i32
    return %arg0, %c0_i32 : i32, i32
  }
  func.func @transform_5(%arg0: i32) -> (i32, i32) {
    %c0_i32 = arith.constant 0 : i32
    %c0_i32_0 = arith.constant 0 : i32
    %c0_i32_1 = arith.constant 0 : i32
    return %c0_i32, %c0_i32_0 : i32, i32
  }
  func.func @transform_6(%arg0: i32) -> (i32, i32) {
    %c0_i32 = arith.constant 0 : i32
    %c0_i32_0 = arith.constant 0 : i32
    return %arg0, %c0_i32 : i32, i32
  }
  func.func @transform_7(%arg0: i32) -> (i32, i32) {
    %c0_i32 = arith.constant 0 : i32
    %c0_i32_0 = arith.constant 0 : i32
    return %arg0, %c0_i32 : i32, i32
  }
}

module attributes {stable_mosaic.version = 14 : i64} {
  func.func @_combine_mm_body(%arg0: i32, %arg1: memref<2000x128xf32, #tpu.memory_space<vmem>>, %arg2: memref<2000x128xf32, #tpu.memory_space<vmem>>, %arg3: memref<2000x1xf32, #tpu.memory_space<vmem>>, %arg4: memref<2000x128xf32, #tpu.memory_space<vmem>>, %arg5: memref<2000x128xf32, #tpu.memory_space<vmem>>, %arg6: memref<1x3xf32, #tpu.memory_space<vmem>>, %arg7: memref<2000x128xf32, #tpu.memory_space<vmem>>, %arg8: memref<4x128x128xf32, #tpu.memory_space<vmem>>, %arg9: memref<1x128xf32, #tpu.memory_space<vmem>>, %arg10: memref<2000x128xf32, #tpu.memory_space<vmem>>) attributes {dimension_semantics = [#tpu.dimension_semantics<arbitrary>], iteration_bounds = array<i64: 5>, scalar_prefetch = 0 : i64, scratch_operands = 0 : i64, tpu.core_type = #tpu.core_type<tc>, window_params = [{transform_indices = @transform_0, window_bounds = array<i64: 2000, 128>}, {transform_indices = @transform_1, window_bounds = array<i64: 2000, 128>}, {transform_indices = @transform_2, window_bounds = array<i64: 2000, 1>}, {transform_indices = @transform_3, window_bounds = array<i64: 2000, 128>}, {transform_indices = @transform_4, window_bounds = array<i64: 2000, 128>}, {pipeline_mode = #tpu.pipeline_mode<synchronous>, transform_indices = @transform_5, window_bounds = array<i64: 1, 3>}, {transform_indices = @transform_6, window_bounds = array<i64: 2000, 128>}, {pipeline_mode = #tpu.pipeline_mode<synchronous>, transform_indices = @transform_7, window_bounds = array<i64: 4, 128, 128>}, {pipeline_mode = #tpu.pipeline_mode<synchronous>, transform_indices = @transform_8, window_bounds = array<i64: 1, 128>}, {transform_indices = @transform_9, window_bounds = array<i64: 2000, 128>}]} {
    %get3A = arith.constant 0 : index
    %get3A_0 = arith.constant 0 : index
    %get3A_1 = vector.load %arg1[%get3A, %get3A_0] : memref<2000x128xf32, #tpu.memory_space<vmem>>, vector<2000x128xf32>
    %get3A_2 = arith.constant 0 : index
    %get3A_3 = arith.constant 0 : index
    %get3A_4 = vector.load %arg2[%get3A_2, %get3A_3] : memref<2000x128xf32, #tpu.memory_space<vmem>>, vector<2000x128xf32>
    %add3A = arith.addf %get3A_1, %get3A_4 : vector<2000x128xf32>
    %get3A_5 = arith.constant 0 : index
    %get3A_6 = arith.constant 0 : index
    %get3A_7 = vector.load %arg6[%get3A_5, %get3A_6] : memref<1x3xf32, #tpu.memory_space<vmem>>, vector<1x1xf32>
    %get3A_8 = vector.extract %get3A_7[0, 0] : f32 from vector<1x1xf32>
    %get3A_9 = arith.constant 0 : index
    %get3A_10 = arith.constant 0 : index
    %get3A_11 = vector.load %arg3[%get3A_9, %get3A_10] : memref<2000x1xf32, #tpu.memory_space<vmem>>, vector<2000x1xf32>
    %mul3A = vector.broadcast %get3A_11 : vector<2000x1xf32> to vector<2000x128xf32>
    %mul3A_12 = arith.mulf %mul3A, %add3A : vector<2000x128xf32>
    %mul3A_13 = vector.broadcast %get3A_8 : f32 to vector<2000x128xf32>
    %mul3A_14 = arith.mulf %mul3A_13, %mul3A_12 : vector<2000x128xf32>
    %get3A_15 = arith.constant 0 : index
    %get3A_16 = arith.constant 1 : index
    %get3A_17 = vector.load %arg6[%get3A_15, %get3A_16] : memref<1x3xf32, #tpu.memory_space<vmem>>, vector<1x1xf32>
    %get3A_18 = vector.extract %get3A_17[0, 0] : f32 from vector<1x1xf32>
    %get3A_19 = arith.constant 0 : index
    %get3A_20 = arith.constant 0 : index
    %get3A_21 = vector.load %arg4[%get3A_19, %get3A_20] : memref<2000x128xf32, #tpu.memory_space<vmem>>, vector<2000x128xf32>
    %mul3A_22 = vector.broadcast %get3A_18 : f32 to vector<2000x128xf32>
    %mul3A_23 = arith.mulf %mul3A_22, %get3A_21 : vector<2000x128xf32>
    %add3A_24 = arith.addf %mul3A_14, %mul3A_23 : vector<2000x128xf32>
    %get3A_25 = arith.constant 0 : index
    %get3A_26 = arith.constant 2 : index
    %get3A_27 = vector.load %arg6[%get3A_25, %get3A_26] : memref<1x3xf32, #tpu.memory_space<vmem>>, vector<1x1xf32>
    %get3A_28 = vector.extract %get3A_27[0, 0] : f32 from vector<1x1xf32>
    %get3A_29 = arith.constant 0 : index
    %get3A_30 = arith.constant 0 : index
    %get3A_31 = vector.load %arg5[%get3A_29, %get3A_30] : memref<2000x128xf32, #tpu.memory_space<vmem>>, vector<2000x128xf32>
    %mul3A_32 = vector.broadcast %get3A_28 : f32 to vector<2000x128xf32>
    %mul3A_33 = arith.mulf %mul3A_32, %get3A_31 : vector<2000x128xf32>
    %add3A_34 = arith.addf %add3A_24, %mul3A_33 : vector<2000x128xf32>
    %get3A_35 = arith.constant 0 : index
    %get3A_36 = arith.constant 0 : index
    %get3A_37 = vector.load %arg9[%get3A_35, %get3A_36] : memref<1x128xf32, #tpu.memory_space<vmem>>, vector<1x128xf32>
    %get3A_38 = arith.constant 0 : index
    %get3A_39 = arith.constant 0 : index
    %get3A_40 = vector.load %arg7[%get3A_38, %get3A_39] : memref<2000x128xf32, #tpu.memory_space<vmem>>, vector<2000x128xf32>
    %get3A_41 = arith.constant 0 : index
    %get3A_42 = arith.constant 0 : index
    %get3A_43 = arith.constant 0 : index
    %get3A_44 = vector.load %arg8[%get3A_41, %get3A_42, %get3A_43] : memref<4x128x128xf32, #tpu.memory_space<vmem>>, vector<1x128x128xf32>
    %get3A_45 = vector.shape_cast %get3A_44 : vector<1x128x128xf32> to vector<128x128xf32>
    %dot_general3A = arith.constant dense<0.000000e+00> : vector<2000x128xf32>
    %dot_general3A_46 = tpu.matmul %get3A_40, %get3A_45, %dot_general3A {dimension_numbers = #tpu.dot_dimension_numbers<[1], [0], [0], [1], [0, 0, 1, 1], [], []>, transpose_lhs_hint = false} : vector<2000x128xf32>, vector<128x128xf32>, vector<2000x128xf32> -> vector<2000x128xf32>
    %add3A_47 = vector.broadcast %get3A_37 : vector<1x128xf32> to vector<2000x128xf32>
    %add3A_48 = arith.addf %add3A_47, %dot_general3A_46 : vector<2000x128xf32>
    %get3A_49 = arith.constant 0 : index
    %get3A_50 = arith.constant 0 : index
    %get3A_51 = vector.load %arg5[%get3A_49, %get3A_50] : memref<2000x128xf32, #tpu.memory_space<vmem>>, vector<2000x128xf32>
    %get3A_52 = arith.constant 1 : index
    %get3A_53 = arith.constant 0 : index
    %get3A_54 = arith.constant 0 : index
    %get3A_55 = vector.load %arg8[%get3A_52, %get3A_53, %get3A_54] : memref<4x128x128xf32, #tpu.memory_space<vmem>>, vector<1x128x128xf32>
    %get3A_56 = vector.shape_cast %get3A_55 : vector<1x128x128xf32> to vector<128x128xf32>
    %dot_general3A_57 = arith.constant dense<0.000000e+00> : vector<2000x128xf32>
    %dot_general3A_58 = tpu.matmul %get3A_51, %get3A_56, %dot_general3A_57 {dimension_numbers = #tpu.dot_dimension_numbers<[1], [0], [0], [1], [0, 0, 1, 1], [], []>, transpose_lhs_hint = false} : vector<2000x128xf32>, vector<128x128xf32>, vector<2000x128xf32> -> vector<2000x128xf32>
    %add3A_59 = arith.addf %add3A_48, %dot_general3A_58 : vector<2000x128xf32>
    %get3A_60 = arith.constant 0 : index
    %get3A_61 = arith.constant 0 : index
    %get3A_62 = vector.load %arg4[%get3A_60, %get3A_61] : memref<2000x128xf32, #tpu.memory_space<vmem>>, vector<2000x128xf32>
    %get3A_63 = arith.constant 2 : index
    %get3A_64 = arith.constant 0 : index
    %get3A_65 = arith.constant 0 : index
    %get3A_66 = vector.load %arg8[%get3A_63, %get3A_64, %get3A_65] : memref<4x128x128xf32, #tpu.memory_space<vmem>>, vector<1x128x128xf32>
    %get3A_67 = vector.shape_cast %get3A_66 : vector<1x128x128xf32> to vector<128x128xf32>
    %dot_general3A_68 = arith.constant dense<0.000000e+00> : vector<2000x128xf32>
    %dot_general3A_69 = tpu.matmul %get3A_62, %get3A_67, %dot_general3A_68 {dimension_numbers = #tpu.dot_dimension_numbers<[1], [0], [0], [1], [0, 0, 1, 1], [], []>, transpose_lhs_hint = false} : vector<2000x128xf32>, vector<128x128xf32>, vector<2000x128xf32> -> vector<2000x128xf32>
    %add3A_70 = arith.addf %add3A_59, %dot_general3A_69 : vector<2000x128xf32>
    %get3A_71 = arith.constant 3 : index
    %get3A_72 = arith.constant 0 : index
    %get3A_73 = arith.constant 0 : index
    %get3A_74 = vector.load %arg8[%get3A_71, %get3A_72, %get3A_73] : memref<4x128x128xf32, #tpu.memory_space<vmem>>, vector<1x128x128xf32>
    %get3A_75 = vector.shape_cast %get3A_74 : vector<1x128x128xf32> to vector<128x128xf32>
    %dot_general3A_76 = arith.constant dense<0.000000e+00> : vector<2000x128xf32>
    %dot_general3A_77 = tpu.matmul %add3A_34, %get3A_75, %dot_general3A_76 {dimension_numbers = #tpu.dot_dimension_numbers<[1], [0], [0], [1], [0, 0, 1, 1], [], []>, transpose_lhs_hint = false} : vector<2000x128xf32>, vector<128x128xf32>, vector<2000x128xf32> -> vector<2000x128xf32>
    %add3A_78 = arith.addf %add3A_70, %dot_general3A_77 : vector<2000x128xf32>
    %swap3A = arith.constant 0 : index
    %swap3A_79 = arith.constant 0 : index
    %swap3A_80 = vector.load %arg10[%swap3A, %swap3A_79] : memref<2000x128xf32, #tpu.memory_space<vmem>>, vector<2000x128xf32>
    tpu.vector_store %arg10[%swap3A, %swap3A_79], %add3A_78 {strides = array<i32>} : memref<2000x128xf32, #tpu.memory_space<vmem>>, vector<2000x128xf32>,
    return
  }
  func.func @transform_0(%arg0: i32) -> (i32, i32) {
    %c0_i32 = arith.constant 0 : i32
    %c0_i32_0 = arith.constant 0 : i32
    return %arg0, %c0_i32 : i32, i32
  }
  func.func @transform_1(%arg0: i32) -> (i32, i32) {
    %c0_i32 = arith.constant 0 : i32
    %c0_i32_0 = arith.constant 0 : i32
    return %arg0, %c0_i32 : i32, i32
  }
  func.func @transform_2(%arg0: i32) -> (i32, i32) {
    %c0_i32 = arith.constant 0 : i32
    %c0_i32_0 = arith.constant 0 : i32
    return %arg0, %c0_i32 : i32, i32
  }
  func.func @transform_3(%arg0: i32) -> (i32, i32) {
    %c0_i32 = arith.constant 0 : i32
    %c0_i32_0 = arith.constant 0 : i32
    return %arg0, %c0_i32 : i32, i32
  }
  func.func @transform_4(%arg0: i32) -> (i32, i32) {
    %c0_i32 = arith.constant 0 : i32
    %c0_i32_0 = arith.constant 0 : i32
    return %arg0, %c0_i32 : i32, i32
  }
  func.func @transform_5(%arg0: i32) -> (i32, i32) {
    %c0_i32 = arith.constant 0 : i32
    %c0_i32_0 = arith.constant 0 : i32
    %c0_i32_1 = arith.constant 0 : i32
    return %c0_i32, %c0_i32_0 : i32, i32
  }
  func.func @transform_6(%arg0: i32) -> (i32, i32) {
    %c0_i32 = arith.constant 0 : i32
    %c0_i32_0 = arith.constant 0 : i32
    return %arg0, %c0_i32 : i32, i32
  }
  func.func @transform_7(%arg0: i32) -> (i32, i32, i32) {
    %c0_i32 = arith.constant 0 : i32
    %c0_i32_0 = arith.constant 0 : i32
    %c0_i32_1 = arith.constant 0 : i32
    %c0_i32_2 = arith.constant 0 : i32
    return %c0_i32, %c0_i32_0, %c0_i32_1 : i32, i32, i32
  }
  func.func @transform_8(%arg0: i32) -> (i32, i32) {
    %c0_i32 = arith.constant 0 : i32
    %c0_i32_0 = arith.constant 0 : i32
    %c0_i32_1 = arith.constant 0 : i32
    return %c0_i32, %c0_i32_0 : i32, i32
  }
  func.func @transform_9(%arg0: i32) -> (i32, i32) {
    %c0_i32 = arith.constant 0 : i32
    %c0_i32_0 = arith.constant 0 : i32
    return %arg0, %c0_i32 : i32, i32
  }
}

</mosaic_0001>

<sc_bundles>
// kernel: kernel.11.cloned.1.call-start
scs
__scs_entry_jumppad:
0x0: {  	(pc) =	sbr.rel $0x88, $3  }
0x1: {  	(tag) =	ssettag $0x0;
	lr =	simm.s32 $0x1  }
0x2: {  	[smem:$0x3F9C] =	sst lr;
	_ =	strace $0xD0000000  }
0x3: {  	_ = 	snop  }
0x4: {  	_ = 	snop  }
0x5: {  	_ = 	snop  }
0x6: {  	_ = 	snop  }
0x7: {  	_ = 	snop  }
__scs_overlays_trampoline_lowered:
0x8: {  	[smem:$0x3FAB] =	sst s0  }
0x9: {  	[smem:$0x3FAC] =	sst s1  }
0xa: {  	[smem:$0x3FAD] =	sst s2  }
0xb: {  	[smem:$0x3FAE] =	sst s3  }
0xc: {  	[smem:$0x3FAF] =	sst s4  }
0xd: {  	[smem:$0x3FB0] =	sst s5  }
0xe: {  	[smem:$0x3FB1] =	sst s6  }
0xf: {  	[smem:$0x3FB2] =	sst s7  }
0x10: {  	[smem:$0x3FB3] =	sst s8  }
0x11: {  	[smem:$0x3FB4] =	sst s9;
	s0 =	simm.s32 @!p0 $0x0  }
0x12: {  	s1 =	sld [smem:$0x3F9A];
	s0 =	simm.s32 @p0 $0x1  }
0x13: {  	[smem:$0x3FB5] =	sst s0;
	s0 =	simm.s32 @!p1 $0x0  }
0x14: {  	s2 =	sld [smem:$0x3F99];
	s0 =	simm.s32 @p1 $0x1  }
0x15: {  	[smem:$0x3FB6] =	sst s0;
	s0 =	simm.s32 @!p2 $0x0  }
0x16: {  	s3 =	sld [smem:$0x3FDB];
	s0 =	simm.s32 @p2 $0x1  }
0x17: {  	s4 =	simm.s32 $0x1BF5;
	[smem:$0x3FB8] =	sst s0  }
0x18: {  	s0 =	sld [smem:$0x3F9B];
	_ =	swait.ge [sflag:s4], $0x0  }
0x19: {  	s7 =	sld [smem:$0x3F9C]  }
0x1a: {  	s8 =	sadd.s32 $0xFFFFE003, lr  }
0x1b: {  	s9 =	sadd.s32 $0xFFFFFEF7, lr;
	s5 =	simm.s32 $0xFFFFFFFF;
	p2 =	slt.u32 s8, $0xFFFFF086  }
0x1c: {  	p1 =	slt.u32 s9, $0xF7A;
	s5 =	simm.s32 @!p2 $0x0  }
0x1d: {  	s5 =	simm.s32 @p1 $0x1;
	p0 =	seq.s32 s7, s2  }
0x1e: {  	s7 =	smul.u32 @!p0 $0xF7A, s2;
	p2 =	seq.s32 @!p0 s5, $0x0  }
0x1f: {  	s9 =	smul.u32 $0xF7A, s1;
	s8 =	simm.s32 @!p0 $0x1BF5;
	p2 =	por !p2, p0  }
0x20: {  	[sflag:s8] =	ssyncset.s32 @!p0 $0xFFFFF086;
	s6 =	sadd.s32 @!p0 s3, s7;
	s7 =	simm.s32 @!p0 $0x108  }
0x21: {  	s3 =	sadd.s32 s3, s9;
	s6 =	sadd.s32 @!p0 $0x88, s6;
	s7 =	simm.s32 @p2 $0x1082  }
0x22: {  	[simem:s7], [sflag:s8] =	dma.local @!p0 [hbm:s6], $0xF7A  }
0x23: {  	s9 =	sor.u32 $0xD0000000, s2;
	s6 =	simm.s32 $0x108;
	_ =	swait.ge @!p0 [sflag:s8], $0x0  }
0x24: {  	s3 =	sadd.s32 $0x88, s3;
	s6 =	simm.s32 @!p1 $0x1082;
	[sflag:s4] =	ssyncset.s32 $0xFFFFF086  }
0x25: {  	[simem:s6], [sflag:s4] =	dma.local [hbm:s3], $0xF7A  }
0x26: {  	[smem:$0x3F9C] =	sst s1;
	(tag) =	ssettag s2;
	_ =	strace s9  }
0x27: {  	s1 =	sld [smem:$0x3FAC]  }
0x28: {  	s2 =	sld [smem:$0x3FAD]  }
0x29: {  	s4 =	sld [smem:$0x3FAF]  }
0x2a: {  	p0 =	seq.s32 s5, $0x0;
	s5 =	sld [smem:$0x3FB0]  }
0x2b: {  	s6 =	sld [smem:$0x3FB1]  }
0x2c: {  	s7 =	sld [smem:$0x3FB2]  }
0x2d: {  	s3 =	simm.s32 $0x108;
	s8 =	sld [smem:$0x3FB3]  }
0x2e: {  	s3 =	simm.s32 @!p0 $0x1082;
	s9 =	sld [smem:$0x3FB4]  }
0x2f: {  	lr =	sadd.s32 s0, s3;
	s0 =	sld [smem:$0x3FAB]  }
0x30: {  	s3 =	sld [smem:$0x3FAE]  }
0x31: {  	[smem:$0x3FB7] =	sst s10  }
0x32: {  	s10 =	sld [smem:$0x3FB5];
	_ =	sdelay $0x3  }
0x33: {  	p0 =	seq.s32 s10, $0x1;
	s10 =	sld [smem:$0x3FB7];
	_ =	sdelay $0x3  }
0x34: {  	[smem:$0x3FB7] =	sst s10  }
0x35: {  	s10 =	sld [smem:$0x3FB6];
	_ =	sdelay $0x3  }
0x36: {  	p1 =	seq.s32 s10, $0x1;
	s10 =	sld [smem:$0x3FB7];
	_ =	sdelay $0x3  }
0x37: {  	[smem:$0x3FB7] =	sst s10  }
0x38: {  	s10 =	sld [smem:$0x3FB8]  }
0x39: {  	_ = 	snop;
	(pc) =	sbr.ind lr, $3  }
0x3a: {  	_ = 	snop  }
0x3b: {  	_ = 	snop  }
0x3c: {  	p2 =	seq.s32 s10, $0x1;
	s10 =	sld [smem:$0x3FB7]  }
0x3d: {  	_ =	shalt  }
0x3e: {  	_ =	shalt  }
0x3f: {  	_ =	shalt  }
0x40: {  	_ =	shalt  }
0x41: {  	_ =	shalt  }
0x42: {  	_ =	shalt  }
0x43: {  	_ =	shalt  }
0x44: {  	_ =	shalt  }
0x45: {  	_ =	shalt  }
0x46: {  	_ =	shalt  }
0x47: {  	_ =	shalt  }
0x48: {  	_ =	shalt  }
0x49: {  	_ =	shalt  }
0x4a: {  	_ =	shalt  }
0x4b: {  	_ =	shalt  }
0x4c: {  	_ =	shalt  }
0x4d: {  	_ =	shalt  }
0x4e: {  	_ =	shalt  }
0x4f: {  	_ =	shalt  }
0x50: {  	_ =	shalt  }
0x51: {  	_ =	shalt  }
0x52: {  	_ =	shalt  }
0x53: {  	_ =	shalt  }
0x54: {  	_ =	shalt  }
0x55: {  	_ =	shalt  }
0x56: {  	_ =	shalt  }
0x57: {  	_ =	shalt  }
0x58: {  	_ =	shalt  }
0x59: {  	_ =	shalt  }
0x5a: {  	_ =	shalt  }
0x5b: {  	_ =	shalt  }
0x5c: {  	_ =	shalt  }
0x5d: {  	_ =	shalt  }
0x5e: {  	_ =	shalt  }
0x5f: {  	_ =	shalt  }
0x60: {  	_ =	shalt  }
0x61: {  	_ =	shalt  }
0x62: {  	_ =	shalt  }
0x63: {  	_ =	shalt  }
0x64: {  	_ =	shalt  }
0x65: {  	_ =	shalt  }
0x66: {  	_ =	shalt  }
0x67: {  	_ =	shalt  }
0x68: {  	_ =	shalt  }
0x69: {  	_ =	shalt  }
0x6a: {  	_ =	shalt  }
0x6b: {  	_ =	shalt  }
0x6c: {  	_ =	shalt  }
0x6d: {  	_ =	shalt  }
0x6e: {  	_ =	shalt  }
0x6f: {  	_ =	shalt  }
0x70: {  	_ =	shalt  }
0x71: {  	_ =	shalt  }
0x72: {  	_ =	shalt  }
0x73: {  	_ =	shalt  }
0x74: {  	_ =	shalt  }
0x75: {  	_ =	shalt  }
0x76: {  	_ =	shalt  }
0x77: {  	_ =	shalt  }
0x78: {  	_ =	shalt  }
0x79: {  	_ =	shalt  }
0x7a: {  	_ =	shalt  }
0x7b: {  	_ =	shalt  }
0x7c: {  	_ =	shalt  }
0x7d: {  	_ =	shalt  }
0x7e: {  	_ =	shalt  }
0x7f: {  	_ =	shalt  }
0x80: {  	_ =	shalt  }
0x81: {  	_ =	shalt  }
0x82: {  	_ =	shalt  }
0x83: {  	_ =	shalt  }
0x84: {  	_ =	shalt  }
0x85: {  	_ =	shalt  }
0x86: {  	_ =	shalt  }
0x87: {  	_ =	shalt  }
.Lfunc_end0:
.L_simem_size_0:
called_computation_lowered:
.L_overlay_start_0:
0x88: {  	s2 =	sld [smem:$0x3FD9]  }
0x89: {  	s3 =	sld [smem:$0x3FFE];
	_ =	sdelay $0x1  }
0x8a: {  	s1 =	srdreg.scid  }
0x8b: {  	s0 =	sand.u32 $0x1, s1  }
0x8c: {  	s17 =	sshll.u32 s0, $0xA;
	s2 =	sadd.s32 s3, s2  }
0x8d: {  	s2 =	sadd.s32 s2, s17  }
0x8e: {  	[smem:$0x3FC3] =	sst s2  }
0x8f: {  	_ = 	snop  }
0x90: {  	s2 =	sld [smem:$0x3FC8]  }
0x91: {  	s18 =	sld [smem:$0x3FD0];
	(tm) =	ssettm $0x1  }
0x92: {  	s4 =	sld [smem:$0x3FFB];
	_ =	sdelay $0x3  }
0x93: {  	_ =	strace s4  }
0x94: {  	s4 =	sld [smem:$0x3FFC];
	_ =	sdelay $0x3  }
0x95: {  	_ =	strace s4  }
0x96: {  	s4 =	sld [smem:$0x3FFD];
	_ =	sdelay $0x3  }
0x97: {  	_ =	strace s4  }
0x98: {  	_ =	strace $0x8FFFFFFF  }
0x99: {  	s19 =	sld [smem:$0x3FDB];
	_ =	sdelay $0x1  }
0x9a: {  	s5 =	simm.s32 $_scs_section_size  }
0x9b: {  	s6 =	simm.s32 $_size__tile_overlayer_lowered;
	s7 =	simm.s32 $_tile_overlayer_lowered  }
0x9c: {  	s22 =	simm.s32 $0x1BFF;
	s21 =	sshll.u32 s7, $0x1;
	s4 =	sadd.s32 s5, s19  }
0x9d: {  	s8 =	simm.s32 $0x0;
	s20 =	sshll.u32 s6, $0x1;
	s6 =	sadd.s32 s21, s4  }
0x9e: {  	[timem:s8], [sflag:s22] =	dma.local [hbm:s6], s20  }
0x9f: {  	_ =	swait.ge [sflag:s22], s20  }
0xa0: {  	s5 =	ssub.s32 $0x0, s20;
	[sflag:s22] =	ssyncset.done $0x0  }
0xa1: {  	[sflag:s22] =	ssyncadd.s32 s5;
	_ =	sdelay $0x1  }
0xa2: {  	s23 =	simm.s32 $0x1B8B  }
0xa3: {  	_ =	swait.ge [sflag:s23], $0x1  }
0xa4: {  	[sflag:s23] =	ssyncset.done $0x0  }
0xa5: {  	s25 =	simm.s32 $0x1B8E;
	s24 =	sld [smem:$0x3FFE];
	[sflag:s23] =	ssyncadd.s32 $0xFFFFFFFF  }
0xa6: {  	s26 =	simm.s32 $execute0_lowered;
	[smem:$0x3FD2] =	sst s25  }
0xa7: {  	s6 =	sshll.u32 s26, $0x1;
	_ =	strace $0x80000046;
	[dreg:$0x1] =	wrdreg $0xFFFFFFFF  }
0xa8: {  	s28 =	simm.s32 $_size_execute0_lowered;
	s4 =	sadd.s32 s4, s6;
	[dreg:$0x0] =	wrdreg $0x0  }
0xa9: {  	s6 =	sshll.u32 s28, $0x1;
	[dreg:$0x2] =	wrdreg s4  }
0xaa: {  	[dreg:$0x3] =	wrdreg s6  }
0xab: {  	[dreg:$0x4] =	wrdreg $0xC0  }
0xac: {  	_ =	task [dreg:s8], $0x5FFFF  }
0xad: {  	[dreg:$0x1] =	wrdreg $0xFFFFFFFF  }
0xae: {  	[dreg:$0x0] =	wrdreg $0x60  }
0xaf: {  	[dreg:$0x2] =	wrdreg s2  }
0xb0: {  	[dreg:$0x3] =	wrdreg s24  }
0xb1: {  	[dreg:$0x4] =	wrdreg s18  }
0xb2: {  	[dreg:$0x5] =	wrdreg $0x28800  }
0xb3: {  	[dreg:$0x6] =	wrdreg $0x9  }
0xb4: {  	_ =	task.clear_ibuf [dreg:s8], $0x7FFFF;
	_ =	strace $0x90000046  }
0xb5: {  	s29 =	simm.s32 $0x9;
	_ =	strace $0x80000048  }
0xb6: {  	_ =	swait.ge [sflag:s29], $0x1  }
0xb7: {  	[sflag:s29] =	ssyncadd.s32 $0xFFFFFFFF  }
0xb8: {  	_ =	strace $0x90000048  }
0xb9: {  	_ =	sfence  }
0xba: {  	s30 =	sld [smem:$0x0];
	_ =	sdelay $0x2  }
0xbb: {  	s31 =	sshll.u32 s1, $0xD;
	s1 =	sshrl.u32 s1, $0x2  }
0xbc: {  	s3 =	sand.u32 $0x4000, s31;
	s1 =	sadd.s32 s1, s30  }
0xbd: {  	s0 =	sor.u32 s3, s0;
	s1 =	sshll.u32 s1, $0x11  }
0xbe: {  	s0 =	sor.u32 s1, s0  }
0xbf: {  	s0 =	sadd.s32 $0x8F2B, s0  }
0xc0: {  	[sflag:s0] =	ssyncadd.remote.s32 $0x1  }
0xc1: {  	_ =	sfence.sel $0xFFFF  }
0xc2: {  	[dreg:$0x0] =	wrdreg $0xFFFFFFFF;
	(pc) =	sbr.abs _section_cstart, $3  }
0xc3: {  	[dreg:$0x1] =	wrdreg $0xFFFFFFFF  }
0xc4: {  	_ =	task.clear_ibuf [dreg:s8], $0x2FFFF;
	_ =	strace $0x9FFFFFFF  }
0xc5: {  	(tm) =	ssettm $0x7FFFFFFF  }
tec
execute0_lowered:
.L_overlay_start_1:
0x0: {  	(tag) =	ssettag $0x1  }
0x1: {  	s9 =	rddreg [dreg:$0x0]  }
0x2: {  	s5 =	rddreg [dreg:$0x1]  }
0x3: {  	s10 =	rddreg [dreg:$0x2]  }
0x4: {  	s1 =	rddreg [dreg:$0x3]  }
0x5: {  	s0 =	rddreg [dreg:$0x4]  }
0x6: {  	s2 =	simm.s32 $0x0;
	s3 =	srdreg.scid;
	s14 =	simm.s32 $0x80  }
0x7: {  	s15 =	simm.s32 $0x1;
	s18 =	simm.s32 $0x10;
	s19 =	simm.s32 $0x0  }
0x8: {  	[smem:$0x7FF] =	sst s2;
	s4 =	sadd.s32 $0x4600, s5;
	s6 =	sand.u32 $0x1, s3  }
0x9: {  	s3 =	stileid.u32;
	s5 =	sadd.s32 $0x4800, s5;
	_ =	strace $0x80000047  }
0xa: {  	s7 =	ssub.s32 $0x2, s6;
	s11 =	sshll.u32 s6, $0x4;
	s12 =	smul.u32 $0xA00, s3  }
0xb: {  	s6 =	simm.s32 $0x33;
	s31 =	sshll.u32 s3, $0x6;
	s17 =	smul.u32 $0xA0, s3  }
0xc: {  	s29 =	sshrl.u32 s7, $0x1;
	s8 =	sor.u32 s3, s11;
	s16 =	sadd.s32 s10, s11  }
0xd: {  	s13 =	ssub.s32 s7, s29;
	p0 =	seq.s32 s8, $0x1F;
	s30 =	sshrl.u32 s12, $0x2  }
0xe: {  	s8 =	smul.u32 $0x9E0, s8;
	s7 =	sor.u32 $0x1C02, s31;
	s16 =	sadd.s32 s17, s16  }
0xf: {  	s17 =	simm.s32 $0x20;
	s6 =	simm.s32 @!p0 $0x4F;
	s12 =	sadd.s32 s30, s1  }
0x10: {  	s10 =	smax.u32 s13, $0x1;
	s13 =	simm.s32 $0x2800;
	s8 =	sadd.s32 s9, s8  }
0x11: {  	s9 =	sadd.s32 $0x13220, s9;
	s11 =	sshrl.u32 s12, $0x3;
	s12 =	simm.s32 $0x2  }
.LBB2_1:
0x12: {  	[spmem:s11], [sflag:s7] =	dma.local [hbm:s4], $0x50  }
0x13: {  	_ =	swait.ge [sflag:s12], $0x50  }
0x14: {  	[sflag:s12] =	ssyncset.done $0x0  }
0x15: {  	[sflag:s12] =	ssyncadd.s32 $0xFFFFFFB0  }
0x16: {  	[tilespmem:s13], [sflag:$0x2] =	stream.linear.gather [hbm4b:s5+s2], $0x80, $0x38;
	[tilespmem:$0x2B00] =	vst v63  }
0x17: {  	_ =	swait.ge [sflag:s12], $0x80  }
0x18: {  	s20 =	simm.s32 @p0 $0x80;
	[sflag:s12] =	ssyncset.done $0x0  }
0x19: {  	s21 =	simm.s32 @p0 $0x100;
	s22 =	simm.s32 @p0 $0x0;
	[sflag:s12] =	ssyncadd.s32 $0xFFFFFF80  }
0x1a: {  	[tilespmem:s22], [sflag:$0x2] =	stream.strided.gather @p0 [hbm4b:s9+s20], $0x1980, s21, s20, $0x38;
	[tilespmem:$0x2B00] =	vst v63  }
0x1b: {  	s20 =	simm.s32 @p0 $0x2  }
0x1c: {  	_ =	swait.ge @p0 [sflag:s20], $0x1980  }
0x1d: {  	s21 =	simm.s32 @!p0 $0x100;
	[sflag:s20] =	ssyncset.done @p0 $0x0  }
0x1e: {  	s22 =	simm.s32 @!p0 $0x0;
	[sflag:s20] =	ssyncadd.s32 @p0 $0xFFFFE680;
	s20 =	simm.s32 @!p0 $0x80  }
0x1f: {  	[tilespmem:s22], [sflag:$0x2] =	stream.strided.gather @!p0 [hbm4b:s8+s20], $0x2780, s21, s20, $0x38;
	[tilespmem:$0x2B00] =	vst v63  }
0x20: {  	p1 =	sne.s32 s6, $0x1;
	s20 =	simm.s32 @!p0 $0x2  }
.Ltmp0:
0x21: {  	_ =	swait.ge @!p0 [sflag:s20], $0x2780;
	(pc) =	sbr.rel @!p1 .LBB2_3-.Ltmp0, $4  }
0x22: {  	[sflag:s20] =	ssyncset.done @!p0 $0x0  }
0x23: {  	[sflag:s20] =	ssyncadd.s32 @!p0 $0xFFFFD880  }
0x24: {  	s21 =	simm.s32 $0x0;
	s20 =	sadd.s32 $0xFFFFFFFF, s6;
	[bflag:$0x0] =	sbarrier.arrive $0xFFFF  }
0x25: {  	[spmem:s1] =	stream.indirect.scatter.add.f32 [tilespmem:s13], [sflag:$0x1], $0x1, s2, s14, $0xb8;
	[tilespmem:$0x2B00] =	vst v63  }
.LBB2_2:
0x26: {  	p2 =	sne.s32 s20, $0x1  }
.Ltmp1:
0x27: {  	_ = 	snop;
	(pc) =	sbr.rel @p2 .LBB2_2-.Ltmp1, $3  }
0x28: {  	_ = 	snop  }
0x29: {  	s20 =	sadd.s32 $0xFFFFFFFF, s20;
	s21 =	sadd.s32 $0x80, s21;
	_ =	sdelay $0x1  }
0x2a: {  	[spmem:s1] =	stream.indirect.scatter.add.f32 [tilespmem:s13], [sflag:$0x1], $0x1, s21, s14, $0xb8;
	[tilespmem:$0x2B00] =	vst v63  }
.LBB2_3:
.Ltmp2:
0x2b: {  	(pc) =	sbr.rel @!p1 .LBB2_5-.Ltmp2, $3  }
0x2c: {  	_ =	sdelay $0x1  }
0x2d: {  	_ =	swait.ge [sflag:s15], $0x80  }
0x2e: {  	s20 =	sadd.s32 $0xFFFFFFFF, s6;
	[sflag:s15] =	ssyncset.done $0x0  }
.LBB2_4:
0x2f: {  	p1 =	sne.s32 s20, $0x1;
	s20 =	sadd.s32 $0xFFFFFFFF, s20;
	[sflag:s15] =	ssyncadd.s32 $0xFFFFFF80  }
.Ltmp3:
0x30: {  	(pc) =	sbr.rel @p1 .LBB2_4-.Ltmp3, $3  }
0x31: {  	_ =	sdelay $0x1  }
0x32: {  	_ =	swait.ge [sflag:s15], $0x80  }
0x33: {  	[sflag:s15] =	ssyncset.done $0x0  }
.LBB2_5:
0x34: {  	s19 =	sadd.s32 $0x1, s19  }
0x35: {  	[sflag:s15] =	ssyncadd.s32 $0xFFFFFF80;
	p1 =	sne.s32 s19, s10  }
.Ltmp4:
0x36: {  	[bflag:$0x0] =	sbarrier.arrive $0xFFFF;
	(pc) =	sbr.rel @p1 .LBB2_1-.Ltmp4, $4  }
0x37: {  	[hbm:s16@s17], [sflag:s7] =	dma.strided [spmem:s11@s18], $0x50, s15, $0x10   }
0x38: {  	_ =	swait.ge [sflag:s12], $0x50  }
0x39: {  	[sflag:s12] =	ssyncset.done $0x0  }
0x3a: {  	[sflag:s12] =	ssyncadd.s32 $0xFFFFFFB0  }
0x3b: {  	_ =	sfence.sel $0x180000  }
0x3c: {  	[bflag:$0x0] =	sbarrier.arrive $0xFFFF  }
0x3d: {  	p0 =	sne.s32 s3, $0x0;
	_ =	strace $0x90000047  }
0x3e: {  	s0 =	sadd.s32 @!p0 $0x100000, s0;
	[bflag:$0x2] =	sbarrier.arrive $0xFFFF  }
0x3f: {  	[sflag:s0] =	ssyncadd.tile.s32 @!p0 $0x1;
	_ =	shalt  }
.Lfunc_end2:
_tile_overlayer_lowered:
.L_overlay_start_2:
0x40: {  	(tag) =	ssettag $0x2  }
0x41: {  	s0 =	rddreg [dreg:$0x0];
	s2 =	stileid.u32  }
0x42: {  	s1 =	rddreg [dreg:$0x1];
	p0 =	sne.s32 s2, $0x0  }
0x43: {  	s3 =	rddreg [dreg:$0x2];
	[bflag:$0x3] =	sbarrier.arrive $0xFFFF;
	s2 =	simm.s32 @!p0 $0x1C02  }
0x44: {  	[timem:s3], [sflag:s2] =	dma.local @!p0 [hbm:s0], s1  }
0x45: {  	s0 =	simm.s32 @!p0 $0x2  }
0x46: {  	_ =	swait.ge @!p0 [sflag:s0], s1  }
0x47: {  	s1 =	ssub.s32 @!p0 $0x0, s1;
	[sflag:s0] =	ssyncset.done @!p0 $0x0  }
0x48: {  	[sflag:s0] =	ssyncadd.s32 @!p0 s1  }
0x49: {  	[bflag:$0x3] =	sbarrier.arrive $0xFFFF  }
0x4a: {  	_ =	shalt  }

// kernel: kernel.14.cloned.1.call-start
scs
__scs_entry_jumppad:
0x0: {  	(pc) =	sbr.rel $0x88, $3  }
0x1: {  	(tag) =	ssettag $0x0;
	lr =	simm.s32 $0x1  }
0x2: {  	[smem:$0x3F9C] =	sst lr;
	_ =	strace $0xD0000000  }
0x3: {  	_ = 	snop  }
0x4: {  	_ = 	snop  }
0x5: {  	_ = 	snop  }
0x6: {  	_ = 	snop  }
0x7: {  	_ = 	snop  }
__scs_overlays_trampoline_lowered:
0x8: {  	[smem:$0x3FAB] =	sst s0  }
0x9: {  	[smem:$0x3FAC] =	sst s1  }
0xa: {  	[smem:$0x3FAD] =	sst s2  }
0xb: {  	[smem:$0x3FAE] =	sst s3  }
0xc: {  	[smem:$0x3FAF] =	sst s4  }
0xd: {  	[smem:$0x3FB0] =	sst s5  }
0xe: {  	[smem:$0x3FB1] =	sst s6  }
0xf: {  	[smem:$0x3FB2] =	sst s7  }
0x10: {  	[smem:$0x3FB3] =	sst s8  }
0x11: {  	[smem:$0x3FB4] =	sst s9;
	s0 =	simm.s32 @!p0 $0x0  }
0x12: {  	s1 =	sld [smem:$0x3F9A];
	s0 =	simm.s32 @p0 $0x1  }
0x13: {  	[smem:$0x3FB5] =	sst s0;
	s0 =	simm.s32 @!p1 $0x0  }
0x14: {  	s2 =	sld [smem:$0x3F99];
	s0 =	simm.s32 @p1 $0x1  }
0x15: {  	[smem:$0x3FB6] =	sst s0;
	s0 =	simm.s32 @!p2 $0x0  }
0x16: {  	s3 =	sld [smem:$0x3FDB];
	s0 =	simm.s32 @p2 $0x1  }
0x17: {  	s4 =	simm.s32 $0x1BF5;
	[smem:$0x3FB8] =	sst s0  }
0x18: {  	s0 =	sld [smem:$0x3F9B];
	_ =	swait.ge [sflag:s4], $0x0  }
0x19: {  	s7 =	sld [smem:$0x3F9C]  }
0x1a: {  	s8 =	sadd.s32 $0xFFFFE003, lr  }
0x1b: {  	s9 =	sadd.s32 $0xFFFFFEF7, lr;
	s5 =	simm.s32 $0xFFFFFFFF;
	p2 =	slt.u32 s8, $0xFFFFF086  }
0x1c: {  	p1 =	slt.u32 s9, $0xF7A;
	s5 =	simm.s32 @!p2 $0x0  }
0x1d: {  	s5 =	simm.s32 @p1 $0x1;
	p0 =	seq.s32 s7, s2  }
0x1e: {  	s7 =	smul.u32 @!p0 $0xF7A, s2;
	p2 =	seq.s32 @!p0 s5, $0x0  }
0x1f: {  	s9 =	smul.u32 $0xF7A, s1;
	s8 =	simm.s32 @!p0 $0x1BF5;
	p2 =	por !p2, p0  }
0x20: {  	[sflag:s8] =	ssyncset.s32 @!p0 $0xFFFFF086;
	s6 =	sadd.s32 @!p0 s3, s7;
	s7 =	simm.s32 @!p0 $0x108  }
0x21: {  	s3 =	sadd.s32 s3, s9;
	s6 =	sadd.s32 @!p0 $0x88, s6;
	s7 =	simm.s32 @p2 $0x1082  }
0x22: {  	[simem:s7], [sflag:s8] =	dma.local @!p0 [hbm:s6], $0xF7A  }
0x23: {  	s9 =	sor.u32 $0xD0000000, s2;
	s6 =	simm.s32 $0x108;
	_ =	swait.ge @!p0 [sflag:s8], $0x0  }
0x24: {  	s3 =	sadd.s32 $0x88, s3;
	s6 =	simm.s32 @!p1 $0x1082;
	[sflag:s4] =	ssyncset.s32 $0xFFFFF086  }
0x25: {  	[simem:s6], [sflag:s4] =	dma.local [hbm:s3], $0xF7A  }
0x26: {  	[smem:$0x3F9C] =	sst s1;
	(tag) =	ssettag s2;
	_ =	strace s9  }
0x27: {  	s1 =	sld [smem:$0x3FAC]  }
0x28: {  	s2 =	sld [smem:$0x3FAD]  }
0x29: {  	s4 =	sld [smem:$0x3FAF]  }
0x2a: {  	p0 =	seq.s32 s5, $0x0;
	s5 =	sld [smem:$0x3FB0]  }
0x2b: {  	s6 =	sld [smem:$0x3FB1]  }
0x2c: {  	s7 =	sld [smem:$0x3FB2]  }
0x2d: {  	s3 =	simm.s32 $0x108;
	s8 =	sld [smem:$0x3FB3]  }
0x2e: {  	s3 =	simm.s32 @!p0 $0x1082;
	s9 =	sld [smem:$0x3FB4]  }
0x2f: {  	lr =	sadd.s32 s0, s3;
	s0 =	sld [smem:$0x3FAB]  }
0x30: {  	s3 =	sld [smem:$0x3FAE]  }
0x31: {  	[smem:$0x3FB7] =	sst s10  }
0x32: {  	s10 =	sld [smem:$0x3FB5];
	_ =	sdelay $0x3  }
0x33: {  	p0 =	seq.s32 s10, $0x1;
	s10 =	sld [smem:$0x3FB7];
	_ =	sdelay $0x3  }
0x34: {  	[smem:$0x3FB7] =	sst s10  }
0x35: {  	s10 =	sld [smem:$0x3FB6];
	_ =	sdelay $0x3  }
0x36: {  	p1 =	seq.s32 s10, $0x1;
	s10 =	sld [smem:$0x3FB7];
	_ =	sdelay $0x3  }
0x37: {  	[smem:$0x3FB7] =	sst s10  }
0x38: {  	s10 =	sld [smem:$0x3FB8]  }
0x39: {  	_ = 	snop;
	(pc) =	sbr.ind lr, $3  }
0x3a: {  	_ = 	snop  }
0x3b: {  	_ = 	snop  }
0x3c: {  	p2 =	seq.s32 s10, $0x1;
	s10 =	sld [smem:$0x3FB7]  }
0x3d: {  	_ =	shalt  }
0x3e: {  	_ =	shalt  }
0x3f: {  	_ =	shalt  }
0x40: {  	_ =	shalt  }
0x41: {  	_ =	shalt  }
0x42: {  	_ =	shalt  }
0x43: {  	_ =	shalt  }
0x44: {  	_ =	shalt  }
0x45: {  	_ =	shalt  }
0x46: {  	_ =	shalt  }
0x47: {  	_ =	shalt  }
0x48: {  	_ =	shalt  }
0x49: {  	_ =	shalt  }
0x4a: {  	_ =	shalt  }
0x4b: {  	_ =	shalt  }
0x4c: {  	_ =	shalt  }
0x4d: {  	_ =	shalt  }
0x4e: {  	_ =	shalt  }
0x4f: {  	_ =	shalt  }
0x50: {  	_ =	shalt  }
0x51: {  	_ =	shalt  }
0x52: {  	_ =	shalt  }
0x53: {  	_ =	shalt  }
0x54: {  	_ =	shalt  }
0x55: {  	_ =	shalt  }
0x56: {  	_ =	shalt  }
0x57: {  	_ =	shalt  }
0x58: {  	_ =	shalt  }
0x59: {  	_ =	shalt  }
0x5a: {  	_ =	shalt  }
0x5b: {  	_ =	shalt  }
0x5c: {  	_ =	shalt  }
0x5d: {  	_ =	shalt  }
0x5e: {  	_ =	shalt  }
0x5f: {  	_ =	shalt  }
0x60: {  	_ =	shalt  }
0x61: {  	_ =	shalt  }
0x62: {  	_ =	shalt  }
0x63: {  	_ =	shalt  }
0x64: {  	_ =	shalt  }
0x65: {  	_ =	shalt  }
0x66: {  	_ =	shalt  }
0x67: {  	_ =	shalt  }
0x68: {  	_ =	shalt  }
0x69: {  	_ =	shalt  }
0x6a: {  	_ =	shalt  }
0x6b: {  	_ =	shalt  }
0x6c: {  	_ =	shalt  }
0x6d: {  	_ =	shalt  }
0x6e: {  	_ =	shalt  }
0x6f: {  	_ =	shalt  }
0x70: {  	_ =	shalt  }
0x71: {  	_ =	shalt  }
0x72: {  	_ =	shalt  }
0x73: {  	_ =	shalt  }
0x74: {  	_ =	shalt  }
0x75: {  	_ =	shalt  }
0x76: {  	_ =	shalt  }
0x77: {  	_ =	shalt  }
0x78: {  	_ =	shalt  }
0x79: {  	_ =	shalt  }
0x7a: {  	_ =	shalt  }
0x7b: {  	_ =	shalt  }
0x7c: {  	_ =	shalt  }
0x7d: {  	_ =	shalt  }
0x7e: {  	_ =	shalt  }
0x7f: {  	_ =	shalt  }
0x80: {  	_ =	shalt  }
0x81: {  	_ =	shalt  }
0x82: {  	_ =	shalt  }
0x83: {  	_ =	shalt  }
0x84: {  	_ =	shalt  }
0x85: {  	_ =	shalt  }
0x86: {  	_ =	shalt  }
0x87: {  	_ =	shalt  }
.Lfunc_end0:
.L_simem_size_0:
called_computation.1_lowered:
.L_overlay_start_0:
0x88: {  	s2 =	sld [smem:$0x3FD9]  }
0x89: {  	s3 =	sld [smem:$0x3FFE];
	_ =	sdelay $0x1  }
0x8a: {  	s1 =	srdreg.scid  }
0x8b: {  	s0 =	sand.u32 $0x1, s1  }
0x8c: {  	s17 =	sshll.u32 s0, $0xA;
	s2 =	sadd.s32 s3, s2  }
0x8d: {  	s2 =	sadd.s32 s2, s17  }
0x8e: {  	[smem:$0x3FC3] =	sst s2  }
0x8f: {  	_ = 	snop  }
0x90: {  	s2 =	sld [smem:$0x3FD0];
	(tm) =	ssettm $0x1  }
0x91: {  	s18 =	sld [smem:$0x3FFB];
	_ =	sdelay $0x3  }
0x92: {  	_ =	strace s18  }
0x93: {  	s3 =	sld [smem:$0x3FFC];
	_ =	sdelay $0x3  }
0x94: {  	_ =	strace s3  }
0x95: {  	s3 =	sld [smem:$0x3FFD];
	_ =	sdelay $0x3  }
0x96: {  	_ =	strace s3  }
0x97: {  	_ =	strace $0x8FFFFFFF  }
0x98: {  	s19 =	sld [smem:$0x3FDB];
	_ =	sdelay $0x1  }
0x99: {  	s4 =	simm.s32 $_scs_section_size  }
0x9a: {  	s5 =	simm.s32 $_size__tile_overlayer_lowered;
	s6 =	simm.s32 $_tile_overlayer_lowered  }
0x9b: {  	s22 =	simm.s32 $0x1BFF;
	s21 =	sshll.u32 s6, $0x1;
	s3 =	sadd.s32 s4, s19  }
0x9c: {  	s7 =	simm.s32 $0x0;
	s20 =	sshll.u32 s5, $0x1;
	s5 =	sadd.s32 s21, s3  }
0x9d: {  	[timem:s7], [sflag:s22] =	dma.local [hbm:s5], s20  }
0x9e: {  	_ =	swait.ge [sflag:s22], s20  }
0x9f: {  	s4 =	ssub.s32 $0x0, s20;
	[sflag:s22] =	ssyncset.done $0x0  }
0xa0: {  	[sflag:s22] =	ssyncadd.s32 s4;
	_ =	sdelay $0x1  }
0xa1: {  	s23 =	simm.s32 $0x1B8B  }
0xa2: {  	_ =	swait.ge [sflag:s23], $0x1  }
0xa3: {  	[sflag:s23] =	ssyncset.done $0x0  }
0xa4: {  	s25 =	simm.s32 $0x1B8E;
	s24 =	sld [smem:$0x3FFE];
	[sflag:s23] =	ssyncadd.s32 $0xFFFFFFFF  }
0xa5: {  	s26 =	simm.s32 $execute0_lowered;
	[smem:$0x3FD2] =	sst s25  }
0xa6: {  	s5 =	sshll.u32 s26, $0x1;
	_ =	strace $0x80000049;
	[dreg:$0x1] =	wrdreg $0xFFFFFFFF  }
0xa7: {  	s28 =	simm.s32 $_size_execute0_lowered;
	s3 =	sadd.s32 s3, s5;
	[dreg:$0x0] =	wrdreg $0x0  }
0xa8: {  	s5 =	sshll.u32 s28, $0x1;
	[dreg:$0x2] =	wrdreg s3  }
0xa9: {  	[dreg:$0x3] =	wrdreg s5  }
0xaa: {  	[dreg:$0x4] =	wrdreg $0xC0  }
0xab: {  	_ =	task [dreg:s7], $0x5FFFF  }
0xac: {  	[dreg:$0x1] =	wrdreg $0xFFFFFFFF  }
0xad: {  	[dreg:$0x0] =	wrdreg $0x60  }
0xae: {  	[dreg:$0x2] =	wrdreg s2  }
0xaf: {  	[dreg:$0x3] =	wrdreg s24  }
0xb0: {  	[dreg:$0x4] =	wrdreg $0xA0000  }
0xb1: {  	[dreg:$0x5] =	wrdreg $0x9  }
0xb2: {  	_ =	task.clear_ibuf [dreg:s7], $0x6FFFF;
	_ =	strace $0x90000049  }
0xb3: {  	s29 =	simm.s32 $0x9;
	_ =	strace $0x8000004B  }
0xb4: {  	_ =	swait.ge [sflag:s29], $0x1  }
0xb5: {  	[sflag:s29] =	ssyncadd.s32 $0xFFFFFFFF  }
0xb6: {  	_ =	strace $0x9000004B  }
0xb7: {  	_ =	sfence  }
0xb8: {  	s30 =	sld [smem:$0x0];
	_ =	sdelay $0x2  }
0xb9: {  	s31 =	sshll.u32 s1, $0xD;
	s1 =	sshrl.u32 s1, $0x2  }
0xba: {  	s3 =	sand.u32 $0x4000, s31;
	s1 =	sadd.s32 s1, s30  }
0xbb: {  	s0 =	sor.u32 s3, s0;
	s1 =	sshll.u32 s1, $0x11  }
0xbc: {  	s0 =	sor.u32 s1, s0  }
0xbd: {  	s0 =	sadd.s32 $0x8F2B, s0  }
0xbe: {  	[sflag:s0] =	ssyncadd.remote.s32 $0x1  }
0xbf: {  	_ =	sfence.sel $0xFFFF  }
0xc0: {  	[dreg:$0x0] =	wrdreg $0xFFFFFFFF;
	(pc) =	sbr.abs _section_cstart, $3  }
0xc1: {  	[dreg:$0x1] =	wrdreg $0xFFFFFFFF  }
0xc2: {  	_ =	task.clear_ibuf [dreg:s7], $0x2FFFF;
	_ =	strace $0x9FFFFFFF  }
0xc3: {  	(tm) =	ssettm $0x7FFFFFFF  }
tec
execute0_lowered:
.L_overlay_start_1:
0x0: {  	(tag) =	ssettag $0x1  }
0x1: {  	s1 =	rddreg [dreg:$0x0]  }
0x2: {  	s0 =	rddreg [dreg:$0x1]  }
0x3: {  	s2 =	rddreg [dreg:$0x2];
	s3 =	simm.s32 $0x0;
	s4 =	srdreg.scid  }
0x4: {  	s7 =	stileid.u32;
	s18 =	simm.s32 $0x4;
	s22 =	simm.s32 $0x3  }
0x5: {  	s23 =	simm.s32 $0x80;
	s25 =	simm.s32 $0x1;
	s29 =	simm.s32 $0x0  }
0x6: {  	[smem:$0x7FF] =	sst s3;
	s4 =	sand.u32 $0x1, s4;
	s9 =	smul.u32 $0x50000, s7  }
0x7: {  	s12 =	sadd.s32 $0x18A00, s0;
	s28 =	sshll.u32 s7, $0x6;
	s16 =	smul.u32 $0x2800, s7  }
0x8: {  	_ =	strace $0x8000004A;
	s5 =	sshll.u32 s4, $0x4;
	[dreg:$0x4] =	wrdreg s12  }
0x9: {  	s8 =	ssub.s32 $0x2, s4;
	[dreg:$0x5] =	wrdreg s28;
	p0 =	seq.s32 s4, $0x1  }
0xa: {  	s4 =	simm.s32 $0x43200;
	s6 =	sor.u32 s7, s5;
	s5 =	sadd.s32 $0xEA00, s0  }
0xb: {  	s10 =	sshrl.u32 s8, $0x1;
	s9 =	sshrl.u32 s9, $0x2;
	s4 =	simm.s32 @!p0 $0x1B200  }
0xc: {  	s11 =	smul.u32 $0x2800, s6;
	s6 =	sadd.s32 $0x4A00, s0;
	s15 =	ssub.s32 s8, s10  }
0xd: {  	s17 =	sadd.s32 s9, s2;
	s8 =	sor.u32 $0x1C03, s28;
	s0 =	sadd.s32 s4, s0  }
0xe: {  	[dreg:$0x6] =	wrdreg s8;
	s15 =	smax.u32 s15, $0x1;
	s16 =	sadd.s32 s0, s16  }
0xf: {  	s17 =	sshrl.u32 s17, $0x3;
	s30 =	sshrl.u32 s11, $0x3;
	s11 =	sadd.s32 $0x800, s11  }
0x10: {  	s31 =	sadd.s32 s5, s30;
	s14 =	sshrl.u32 s11, $0x3;
	s12 =	sadd.s32 s6, s30  }
0x11: {  	[dreg:$0x7] =	wrdreg s31;
	s13 =	sadd.s32 s5, s14;
	s14 =	sadd.s32 s6, s14  }
.LBB2_1:
0x12: {  	s0 =	rddreg [dreg:$0x4]  }
0x13: {  	s4 =	rddreg [dreg:$0x6]  }
0x14: {  	[spmem:s17], [sflag:s4] =	dma.local [hbm:s0], $0x2800  }
0x15: {  	s0 =	rddreg [dreg:$0x7]  }
0x16: {  	[tilespmem:s3], [sflag:$0x4] =	stream.linear.gather [hbm4b:s0+s3], $0x800, $0x38;
	[tilespmem:$0x1E000] =	vst v63  }
0x17: {  	_ =	swait.ge [sflag:s18], $0x800  }
0x18: {  	[sflag:s18] =	ssyncset.done $0x0  }
0x19: {  	s24 =	simm.s32 $0x1000;
	[sflag:s18] =	ssyncadd.s32 $0xFFFFF800  }
0x1a: {  	[tilespmem:s24], [sflag:$0x4] =	stream.linear.gather [hbm4b:s12+s3], $0x800, $0x38;
	[tilespmem:$0x1E000] =	vst v63  }
0x1b: {  	_ =	swait.ge [sflag:s18], $0x800  }
0x1c: {  	[sflag:s18] =	ssyncset.done $0x0  }
0x1d: {  	s26 =	simm.s32 $0x800;
	[sflag:s18] =	ssyncadd.s32 $0xFFFFF800  }
0x1e: {  	[tilespmem:s26], [sflag:$0x2] =	stream.linear.gather [hbm4b:s13+s3], $0x800, $0x38;
	[tilespmem:$0x1E000] =	vst v63  }
0x1f: {  	s28 =	simm.s32 $0x1800;
	s7 =	simm.s32 $0x0  }
0x20: {  	[tilespmem:s28], [sflag:$0x2] =	stream.linear.gather [hbm4b:s14+s3], $0x800, $0x38;
	[tilespmem:$0x1E000] =	vst v63  }
0x21: {  	s8 =	sand.u32 $0xF, s7;
	_ =	swait.ge [sflag:s22], $0x2800  }
0x22: {  	s9 =	simm.s32 $0x0;
	p0 =	sne.s32 s8, $0x0;
	[sflag:s22] =	ssyncset.done $0x0  }
0x23: {  	s10 =	simm.s32 $0x200;
	p1 =	por @!p0 $0x1, $0x1;
	[sflag:s22] =	ssyncadd.s32 $0xFFFFD800  }
0x24: {  	s4 =	simm.s32 $0x2000;
	p0 =	por p1, p0;
	[bflag:$0x0] =	sbarrier.arrive $0xFFFF  }
0x25: {  	[tilespmem:s4], [sflag:$0x1] =	stream.indirect.gather [hbm4b:s1+s23], $0x80, s3, s23, $0xb8;
	[tilespmem:$0x1E000] =	vst v63  }
0x26: {  	s0 =	sand.u32 $0x1, s7;
	s19 =	sadd.s32 @!p0 $0x0, s11;
	s4 =	sand.u32 $0x1, s9  }
0x27: {  	s0 =	sshll.u32 s0, $0xE;
	s19 =	sshrl.u32 @!p0 s19, $0x3;
	s20 =	sshll.u32 @!p0 s4, $0xB  }
0x28: {  	s31 =	simm.s32 @!p0 $0x0;
	s30 =	sadd.s32 @!p0 s5, s19;
	s21 =	sxor.u32 @!p0 $0x800, s20  }
0x29: {  	[tilespmem:s21], [sflag:$0x2] =	stream.linear.gather @!p0 [hbm4b:s30+s31], $0x800, $0x38;
	[tilespmem:$0x1E000] =	vst v63  }
0x2a: {  	s19 =	sadd.s32 @!p0 s6, s19;
	s24 =	simm.s32 $0x0;
	s20 =	sxor.u32 @!p0 $0x1800, s20  }
0x2b: {  	[tilespmem:s20], [sflag:$0x2] =	stream.linear.gather @!p0 [hbm4b:s19+s31], $0x800, $0x38;
	[tilespmem:$0x1E000] =	vst v63  }
0x2c: {  	s26 =	sshll.u32 s4, $0xB;
	s20 =	sand.u32 $0xF, s25;
	_ =	swait.ge [sflag:s25], $0x4000  }
0x2d: {  	s4 =	simm.s32 $0x3;
	p0 =	sne.s32 s20, $0x0;
	[sflag:s25] =	ssyncset.done $0x0  }
0x2e: {  	s21 =	sand.u32 $0x3E00, s10;
	s31 =	simm.s32 @!p0 $0x2;
	[sflag:s25] =	ssyncadd.s32 $0xFFFFC000  }
0x2f: {  	s30 =	simm.s32 $0x2;
	s21 =	sshrl.u32 s21, $0x2;
	_ =	swait.ge @!p0 [sflag:s31], $0x800  }
0x30: {  	s19 =	sand.u32 $0x1E00, s24;
	s24 =	simm.s32 $0x1;
	[sflag:s31] =	ssyncset.done @!p0 $0x0  }
0x31: {  	s19 =	sshrl.u32 s19, $0x2;
	s20 =	sor.u32 $0x2000, s0;
	[sflag:s31] =	ssyncadd.s32 @!p0 $0xFFFFF800  }
0x32: {  	s0 =	sxor.u32 $0x6000, s0;
	s28 =	sand.u32 $0xF, s24;
	_ =	swait.ge @!p0 [sflag:s31], $0x800  }
0x33: {  	s24 =	sand.u32 $0x1, s24;
	s19 =	sor.u32 s19, s26;
	[sflag:s31] =	ssyncset.done @!p0 $0x0  }
0x34: {  	p1 =	sne.s32 s28, $0x0;
	s19 =	sor.u32 $0x1000, s19;
	[sflag:s31] =	ssyncadd.s32 @!p0 $0xFFFFF800  }
0x35: {  	[tilespmem:s0], [sflag:$0x1] =	stream.indirect.gather [hbm4b:s1+s23], $0x80, s21, s23, $0xb8;
	[tilespmem:$0x1E000] =	vst v63  }
0x36: {  	s31 =	simm.s32 $0x400;
	s21 =	simm.s32 $0x0;
	s0 =	sshll.u32 s24, $0xE  }
.LBB2_2:
0x37: {  	s24 =	sadd.s32 $0xFFFFFFFF, s21;
	s26 =	sor.u32 $0x2000, s0  }
0x38: {  	s28 =	smov.u32 s4;
	s4 =	sadd.s32 $0x1, s4;
	s7 =	smov.u32 s31  }
0x39: {  	[spmem:s2] =	stream.indirect.scatter.add.f32 [tilespmem:s20], [sflag:$0x4], $0x80, s19, s23, $0xb8;
	[tilespmem:$0x1E000] =	vst v63  }
0x3a: {  	p0 =	sgt.u32 @!p1 s24, $0x2;
	s19 =	sadd.s32 $0xFFFFFE00, s31;
	_ =	swait.ge [sflag:s18], $0x4000  }
0x3b: {  	s20 =	sand.u32 $0x1, s21;
	p1 =	por p0, p1;
	[sflag:s18] =	ssyncset.done $0x0  }
0x3c: {  	s19 =	sand.u32 $0x1E00, s19;
	s21 =	sshll.u32 @!p1 s21, $0xB;
	s24 =	sshll.u32 @!p1 s20, $0xB  }
0x3d: {  	s19 =	sshrl.u32 s19, $0x2;
	s21 =	sadd.s32 @!p1 s21, s11;
	s9 =	sxor.u32 @!p1 $0x800, s24  }
0x3e: {  	s20 =	sshll.u32 s20, $0xB;
	s24 =	sxor.u32 @!p1 $0x1800, s24;
	s21 =	sshrl.u32 @!p1 s21, $0x3  }
0x3f: {  	s8 =	simm.s32 @!p1 $0x0;
	s10 =	sadd.s32 @!p1 s5, s21;
	[sflag:s18] =	ssyncadd.s32 $0xFFFFC000  }
0x40: {  	[tilespmem:s9], [sflag:$0x2] =	stream.linear.gather @!p1 [hbm4b:s10+s8], $0x800, $0x38;
	[tilespmem:$0x1E000] =	vst v63  }
0x41: {  	p0 =	sne.s32 s4, $0x50;
	s9 =	sadd.s32 @!p1 s6, s21;
	s10 =	sor.u32 s19, s20  }
0x42: {  	[tilespmem:s24], [sflag:$0x2] =	stream.linear.gather @!p1 [hbm4b:s9+s8], $0x800, $0x38;
	[tilespmem:$0x1E000] =	vst v63  }
0x43: {  	s19 =	sor.u32 $0x1000, s10;
	s8 =	sand.u32 $0xF, s30;
	_ =	swait.ge [sflag:s25], $0x4000  }
0x44: {  	s30 =	smov.u32 s28;
	p2 =	sne.s32 s8, $0x0;
	[sflag:s25] =	ssyncset.done $0x0  }
0x45: {  	s20 =	smov.u32 s26;
	s8 =	simm.s32 @!p2 $0x2;
	[sflag:s25] =	ssyncadd.s32 $0xFFFFC000  }
0x46: {  	s31 =	sadd.s32 $0x200, s31;
	_ =	swait.ge @!p2 [sflag:s8], $0x800  }
0x47: {  	s7 =	sand.u32 $0x3E00, s7;
	s9 =	sxor.u32 $0x6000, s0;
	[sflag:s8] =	ssyncset.done @!p2 $0x0  }
.Ltmp0:
0x48: {  	s0 =	sadd.s32 $0xFFFFFFFF, s30;
	[sflag:s8] =	ssyncadd.s32 @!p2 $0xFFFFF800;
	(pc) =	sbr.rel @p0 .LBB2_2-.Ltmp0, $4  }
0x49: {  	s21 =	sshrl.u32 s0, $0x4;
	s10 =	sand.u32 $0xF, s0;
	_ =	swait.ge @!p2 [sflag:s8], $0x800  }
0x4a: {  	s7 =	sshrl.u32 s7, $0x2;
	s0 =	sand.u32 $0x1, s0;
	[sflag:s8] =	ssyncset.done @!p2 $0x0  }
0x4b: {  	p1 =	sne.s32 s10, $0x0;
	s0 =	sshll.u32 s0, $0xE;
	[sflag:s8] =	ssyncadd.s32 @!p2 $0xFFFFF800  }
0x4c: {  	[tilespmem:s9], [sflag:$0x1] =	stream.indirect.gather [hbm4b:s1+s23], $0x80, s7, s23, $0xb8;
	[tilespmem:$0x1E000] =	vst v63  }
0x4d: {  	s4 =	sadd.s32 $0xFFFFFFFF, s21  }
0x4e: {  	[spmem:s2] =	stream.indirect.scatter.add.f32 [tilespmem:s20], [sflag:$0x4], $0x80, s19, s23, $0xb8;
	[tilespmem:$0x1E000] =	vst v63  }
0x4f: {  	p0 =	sgt.u32 @!p1 s4, $0x2  }
0x50: {  	p0 =	por p0, p1  }
0x51: {  	_ =	swait.ge [sflag:s18], $0x4000;
	s7 =	sshll.u32 @!p0 s21, $0xB  }
0x52: {  	s4 =	sand.u32 $0x1, s21;
	[sflag:s18] =	ssyncset.done $0x0;
	s7 =	sadd.s32 @!p0 s7, s11  }
0x53: {  	s8 =	sshll.u32 @!p0 s4, $0xB;
	s19 =	simm.s32 @!p0 $0x0;
	s7 =	sshrl.u32 @!p0 s7, $0x3  }
0x54: {  	[sflag:s18] =	ssyncadd.s32 $0xFFFFC000;
	s9 =	sxor.u32 @!p0 $0x800, s8;
	s10 =	sadd.s32 @!p0 s5, s7  }
0x55: {  	[tilespmem:s9], [sflag:$0x2] =	stream.linear.gather @!p0 [hbm4b:s10+s19], $0x800, $0x38;
	[tilespmem:$0x1E000] =	vst v63  }
0x56: {  	s8 =	sxor.u32 @!p0 $0x1800, s8;
	s7 =	sadd.s32 @!p0 s6, s7  }
0x57: {  	[tilespmem:s8], [sflag:$0x2] =	stream.linear.gather @!p0 [hbm4b:s7+s19], $0x800, $0x38;
	[tilespmem:$0x1E000] =	vst v63  }
0x58: {  	s19 =	sand.u32 $0xF, s30;
	_ =	swait.ge [sflag:s25], $0x4000  }
0x59: {  	p0 =	sne.s32 s19, $0x0;
	[sflag:s25] =	ssyncset.done $0x0  }
0x5a: {  	s7 =	simm.s32 @!p0 $0x2;
	[sflag:s25] =	ssyncadd.s32 $0xFFFFC000  }
0x5b: {  	_ =	swait.ge @!p0 [sflag:s7], $0x800  }
0x5c: {  	[sflag:s7] =	ssyncset.done @!p0 $0x0  }
0x5d: {  	s20 =	sadd.s32 $0xFFFFFE00, s31;
	s24 =	sxor.u32 $0x6000, s0;
	[sflag:s7] =	ssyncadd.s32 @!p0 $0xFFFFF800  }
0x5e: {  	s4 =	sshll.u32 s4, $0xB;
	s8 =	sand.u32 $0x1E00, s20;
	_ =	swait.ge @!p0 [sflag:s7], $0x800  }
0x5f: {  	s21 =	sand.u32 $0x3E00, s31;
	s8 =	sshrl.u32 s8, $0x2;
	[sflag:s7] =	ssyncset.done @!p0 $0x0  }
0x60: {  	s4 =	sor.u32 s8, s4;
	s8 =	sshrl.u32 s21, $0x2;
	[sflag:s7] =	ssyncadd.s32 @!p0 $0xFFFFF800  }
0x61: {  	[tilespmem:s24], [sflag:$0x1] =	stream.indirect.gather [hbm4b:s1+s23], $0x80, s8, s23, $0xb8;
	[tilespmem:$0x1E000] =	vst v63  }
0x62: {  	s26 =	sor.u32 $0x2000, s0;
	s4 =	sor.u32 $0x1000, s4  }
0x63: {  	[spmem:s2] =	stream.indirect.scatter.add.f32 [tilespmem:s26], [sflag:$0x4], $0x80, s4, s23, $0xb8;
	[tilespmem:$0x1E000] =	vst v63  }
0x64: {  	_ =	swait.ge [sflag:s18], $0x4000  }
0x65: {  	[sflag:s18] =	ssyncset.done $0x0  }
0x66: {  	[sflag:s18] =	ssyncadd.s32 $0xFFFFC000  }
0x67: {  	_ =	swait.ge [sflag:s25], $0x4000  }
0x68: {  	[sflag:s25] =	ssyncset.done $0x0  }
0x69: {  	s28 =	simm.s32 $0x1780;
	s30 =	simm.s32 $0x6000;
	[sflag:s25] =	ssyncadd.s32 $0xFFFFC000  }
0x6a: {  	[spmem:s2] =	stream.indirect.scatter.add.f32 [tilespmem:s30], [sflag:$0x4], $0x80, s28, s23, $0xb8;
	[tilespmem:$0x1E000] =	vst v63  }
0x6b: {  	_ =	swait.ge [sflag:s18], $0x4000  }
0x6c: {  	[sflag:s18] =	ssyncset.done $0x0  }
0x6d: {  	[sflag:s18] =	ssyncadd.s32 $0xFFFFC000  }
0x6e: {  	s29 =	sadd.s32 $0x1, s29;
	[bflag:$0x0] =	sbarrier.arrive $0xFFFF  }
0x6f: {  	p0 =	sne.s32 s29, s15;
	s31 =	rddreg [dreg:$0x5]  }
.Ltmp1:
0x70: {  	s0 =	sor.u32 $0x1C04, s31;
	(pc) =	sbr.rel @p0 .LBB2_1-.Ltmp1, $4  }
0x71: {  	[hbm:s16], [sflag:s0] =	dma.local [spmem:s17], $0x2800  }
0x72: {  	_ =	swait.ge [sflag:s18], $0x2800  }
0x73: {  	[sflag:s18] =	ssyncset.done $0x0  }
0x74: {  	[sflag:s18] =	ssyncadd.s32 $0xFFFFD800  }
0x75: {  	_ =	sfence.sel $0x180000  }
0x76: {  	[bflag:$0x0] =	sbarrier.arrive $0xFFFF  }
0x77: {  	_ =	strace $0x9000004A  }
0x78: {  	s0 =	stileid.u32;
	[bflag:$0x2] =	sbarrier.arrive $0xFFFF  }
0x79: {  	p0 =	sne.s32 s0, $0x0;
	s0 =	rddreg [dreg:$0x3]  }
0x7a: {  	s0 =	sadd.s32 @!p0 $0x100000, s0  }
0x7b: {  	[sflag:s0] =	ssyncadd.tile.s32 @!p0 $0x1;
	_ =	shalt  }
.Lfunc_end2:
_tile_overlayer_lowered:
.L_overlay_start_2:
0x7c: {  	(tag) =	ssettag $0x2  }
0x7d: {  	s0 =	rddreg [dreg:$0x0];
	s2 =	stileid.u32  }
0x7e: {  	s1 =	rddreg [dreg:$0x1];
	p0 =	sne.s32 s2, $0x0  }
0x7f: {  	s3 =	rddreg [dreg:$0x2];
	[bflag:$0x3] =	sbarrier.arrive $0xFFFF;
	s2 =	simm.s32 @!p0 $0x1C04  }
0x80: {  	[timem:s3], [sflag:s2] =	dma.local @!p0 [hbm:s0], s1  }
0x81: {  	s0 =	simm.s32 @!p0 $0x4  }
0x82: {  	_ =	swait.ge @!p0 [sflag:s0], s1  }
0x83: {  	s1 =	ssub.s32 @!p0 $0x0, s1;
	[sflag:s0] =	ssyncset.done @!p0 $0x0  }
0x84: {  	[sflag:s0] =	ssyncadd.s32 @!p0 s1  }
0x85: {  	[bflag:$0x3] =	sbarrier.arrive $0xFFFF  }
0x86: {  	_ =	shalt  }

// kernel: kernel.17.cloned.1.call-start
scs
__scs_entry_jumppad:
0x0: {  	(pc) =	sbr.rel $0x88, $3  }
0x1: {  	(tag) =	ssettag $0x0;
	lr =	simm.s32 $0x1  }
0x2: {  	[smem:$0x3F9C] =	sst lr;
	_ =	strace $0xD0000000  }
0x3: {  	_ = 	snop  }
0x4: {  	_ = 	snop  }
0x5: {  	_ = 	snop  }
0x6: {  	_ = 	snop  }
0x7: {  	_ = 	snop  }
__scs_overlays_trampoline_lowered:
0x8: {  	[smem:$0x3FAB] =	sst s0  }
0x9: {  	[smem:$0x3FAC] =	sst s1  }
0xa: {  	[smem:$0x3FAD] =	sst s2  }
0xb: {  	[smem:$0x3FAE] =	sst s3  }
0xc: {  	[smem:$0x3FAF] =	sst s4  }
0xd: {  	[smem:$0x3FB0] =	sst s5  }
0xe: {  	[smem:$0x3FB1] =	sst s6  }
0xf: {  	[smem:$0x3FB2] =	sst s7  }
0x10: {  	[smem:$0x3FB3] =	sst s8  }
0x11: {  	[smem:$0x3FB4] =	sst s9;
	s0 =	simm.s32 @!p0 $0x0  }
0x12: {  	s1 =	sld [smem:$0x3F9A];
	s0 =	simm.s32 @p0 $0x1  }
0x13: {  	[smem:$0x3FB5] =	sst s0;
	s0 =	simm.s32 @!p1 $0x0  }
0x14: {  	s2 =	sld [smem:$0x3F99];
	s0 =	simm.s32 @p1 $0x1  }
0x15: {  	[smem:$0x3FB6] =	sst s0;
	s0 =	simm.s32 @!p2 $0x0  }
0x16: {  	s3 =	sld [smem:$0x3FDB];
	s0 =	simm.s32 @p2 $0x1  }
0x17: {  	s4 =	simm.s32 $0x1BF5;
	[smem:$0x3FB8] =	sst s0  }
0x18: {  	s0 =	sld [smem:$0x3F9B];
	_ =	swait.ge [sflag:s4], $0x0  }
0x19: {  	s7 =	sld [smem:$0x3F9C]  }
0x1a: {  	s8 =	sadd.s32 $0xFFFFE003, lr  }
0x1b: {  	s9 =	sadd.s32 $0xFFFFFEF7, lr;
	s5 =	simm.s32 $0xFFFFFFFF;
	p2 =	slt.u32 s8, $0xFFFFF086  }
0x1c: {  	p1 =	slt.u32 s9, $0xF7A;
	s5 =	simm.s32 @!p2 $0x0  }
0x1d: {  	s5 =	simm.s32 @p1 $0x1;
	p0 =	seq.s32 s7, s2  }
0x1e: {  	s7 =	smul.u32 @!p0 $0xF7A, s2;
	p2 =	seq.s32 @!p0 s5, $0x0  }
0x1f: {  	s9 =	smul.u32 $0xF7A, s1;
	s8 =	simm.s32 @!p0 $0x1BF5;
	p2 =	por !p2, p0  }
0x20: {  	[sflag:s8] =	ssyncset.s32 @!p0 $0xFFFFF086;
	s6 =	sadd.s32 @!p0 s3, s7;
	s7 =	simm.s32 @!p0 $0x108  }
0x21: {  	s3 =	sadd.s32 s3, s9;
	s6 =	sadd.s32 @!p0 $0x88, s6;
	s7 =	simm.s32 @p2 $0x1082  }
0x22: {  	[simem:s7], [sflag:s8] =	dma.local @!p0 [hbm:s6], $0xF7A  }
0x23: {  	s9 =	sor.u32 $0xD0000000, s2;
	s6 =	simm.s32 $0x108;
	_ =	swait.ge @!p0 [sflag:s8], $0x0  }
0x24: {  	s3 =	sadd.s32 $0x88, s3;
	s6 =	simm.s32 @!p1 $0x1082;
	[sflag:s4] =	ssyncset.s32 $0xFFFFF086  }
0x25: {  	[simem:s6], [sflag:s4] =	dma.local [hbm:s3], $0xF7A  }
0x26: {  	[smem:$0x3F9C] =	sst s1;
	(tag) =	ssettag s2;
	_ =	strace s9  }
0x27: {  	s1 =	sld [smem:$0x3FAC]  }
0x28: {  	s2 =	sld [smem:$0x3FAD]  }
0x29: {  	s4 =	sld [smem:$0x3FAF]  }
0x2a: {  	p0 =	seq.s32 s5, $0x0;
	s5 =	sld [smem:$0x3FB0]  }
0x2b: {  	s6 =	sld [smem:$0x3FB1]  }
0x2c: {  	s7 =	sld [smem:$0x3FB2]  }
0x2d: {  	s3 =	simm.s32 $0x108;
	s8 =	sld [smem:$0x3FB3]  }
0x2e: {  	s3 =	simm.s32 @!p0 $0x1082;
	s9 =	sld [smem:$0x3FB4]  }
0x2f: {  	lr =	sadd.s32 s0, s3;
	s0 =	sld [smem:$0x3FAB]  }
0x30: {  	s3 =	sld [smem:$0x3FAE]  }
0x31: {  	[smem:$0x3FB7] =	sst s10  }
0x32: {  	s10 =	sld [smem:$0x3FB5];
	_ =	sdelay $0x3  }
0x33: {  	p0 =	seq.s32 s10, $0x1;
	s10 =	sld [smem:$0x3FB7];
	_ =	sdelay $0x3  }
0x34: {  	[smem:$0x3FB7] =	sst s10  }
0x35: {  	s10 =	sld [smem:$0x3FB6];
	_ =	sdelay $0x3  }
0x36: {  	p1 =	seq.s32 s10, $0x1;
	s10 =	sld [smem:$0x3FB7];
	_ =	sdelay $0x3  }
0x37: {  	[smem:$0x3FB7] =	sst s10  }
0x38: {  	s10 =	sld [smem:$0x3FB8]  }
0x39: {  	_ = 	snop;
	(pc) =	sbr.ind lr, $3  }
0x3a: {  	_ = 	snop  }
0x3b: {  	_ = 	snop  }
0x3c: {  	p2 =	seq.s32 s10, $0x1;
	s10 =	sld [smem:$0x3FB7]  }
0x3d: {  	_ =	shalt  }
0x3e: {  	_ =	shalt  }
0x3f: {  	_ =	shalt  }
0x40: {  	_ =	shalt  }
0x41: {  	_ =	shalt  }
0x42: {  	_ =	shalt  }
0x43: {  	_ =	shalt  }
0x44: {  	_ =	shalt  }
0x45: {  	_ =	shalt  }
0x46: {  	_ =	shalt  }
0x47: {  	_ =	shalt  }
0x48: {  	_ =	shalt  }
0x49: {  	_ =	shalt  }
0x4a: {  	_ =	shalt  }
0x4b: {  	_ =	shalt  }
0x4c: {  	_ =	shalt  }
0x4d: {  	_ =	shalt  }
0x4e: {  	_ =	shalt  }
0x4f: {  	_ =	shalt  }
0x50: {  	_ =	shalt  }
0x51: {  	_ =	shalt  }
0x52: {  	_ =	shalt  }
0x53: {  	_ =	shalt  }
0x54: {  	_ =	shalt  }
0x55: {  	_ =	shalt  }
0x56: {  	_ =	shalt  }
0x57: {  	_ =	shalt  }
0x58: {  	_ =	shalt  }
0x59: {  	_ =	shalt  }
0x5a: {  	_ =	shalt  }
0x5b: {  	_ =	shalt  }
0x5c: {  	_ =	shalt  }
0x5d: {  	_ =	shalt  }
0x5e: {  	_ =	shalt  }
0x5f: {  	_ =	shalt  }
0x60: {  	_ =	shalt  }
0x61: {  	_ =	shalt  }
0x62: {  	_ =	shalt  }
0x63: {  	_ =	shalt  }
0x64: {  	_ =	shalt  }
0x65: {  	_ =	shalt  }
0x66: {  	_ =	shalt  }
0x67: {  	_ =	shalt  }
0x68: {  	_ =	shalt  }
0x69: {  	_ =	shalt  }
0x6a: {  	_ =	shalt  }
0x6b: {  	_ =	shalt  }
0x6c: {  	_ =	shalt  }
0x6d: {  	_ =	shalt  }
0x6e: {  	_ =	shalt  }
0x6f: {  	_ =	shalt  }
0x70: {  	_ =	shalt  }
0x71: {  	_ =	shalt  }
0x72: {  	_ =	shalt  }
0x73: {  	_ =	shalt  }
0x74: {  	_ =	shalt  }
0x75: {  	_ =	shalt  }
0x76: {  	_ =	shalt  }
0x77: {  	_ =	shalt  }
0x78: {  	_ =	shalt  }
0x79: {  	_ =	shalt  }
0x7a: {  	_ =	shalt  }
0x7b: {  	_ =	shalt  }
0x7c: {  	_ =	shalt  }
0x7d: {  	_ =	shalt  }
0x7e: {  	_ =	shalt  }
0x7f: {  	_ =	shalt  }
0x80: {  	_ =	shalt  }
0x81: {  	_ =	shalt  }
0x82: {  	_ =	shalt  }
0x83: {  	_ =	shalt  }
0x84: {  	_ =	shalt  }
0x85: {  	_ =	shalt  }
0x86: {  	_ =	shalt  }
0x87: {  	_ =	shalt  }
.Lfunc_end0:
.L_simem_size_0:
called_computation.2_lowered:
.L_overlay_start_0:
0x88: {  	s2 =	sld [smem:$0x3FD9]  }
0x89: {  	s3 =	sld [smem:$0x3FFE];
	_ =	sdelay $0x1  }
0x8a: {  	s1 =	srdreg.scid  }
0x8b: {  	s0 =	sand.u32 $0x1, s1  }
0x8c: {  	s17 =	sshll.u32 s0, $0xA;
	s2 =	sadd.s32 s3, s2  }
0x8d: {  	s2 =	sadd.s32 s2, s17  }
0x8e: {  	[smem:$0x3FC3] =	sst s2  }
0x8f: {  	_ = 	snop  }
0x90: {  	s2 =	sld [smem:$0x3FD0];
	(tm) =	ssettm $0x1  }
0x91: {  	s18 =	sld [smem:$0x3FFB];
	_ =	sdelay $0x3  }
0x92: {  	_ =	strace s18  }
0x93: {  	s3 =	sld [smem:$0x3FFC];
	_ =	sdelay $0x3  }
0x94: {  	_ =	strace s3  }
0x95: {  	s3 =	sld [smem:$0x3FFD];
	_ =	sdelay $0x3  }
0x96: {  	_ =	strace s3  }
0x97: {  	_ =	strace $0x8FFFFFFF  }
0x98: {  	s19 =	sld [smem:$0x3FDB];
	_ =	sdelay $0x1  }
0x99: {  	s4 =	simm.s32 $_scs_section_size  }
0x9a: {  	s5 =	simm.s32 $_size__tile_overlayer_lowered;
	s6 =	simm.s32 $_tile_overlayer_lowered  }
0x9b: {  	s22 =	simm.s32 $0x1BFF;
	s21 =	sshll.u32 s6, $0x1;
	s3 =	sadd.s32 s4, s19  }
0x9c: {  	s7 =	simm.s32 $0x0;
	s20 =	sshll.u32 s5, $0x1;
	s5 =	sadd.s32 s21, s3  }
0x9d: {  	[timem:s7], [sflag:s22] =	dma.local [hbm:s5], s20  }
0x9e: {  	_ =	swait.ge [sflag:s22], s20  }
0x9f: {  	s4 =	ssub.s32 $0x0, s20;
	[sflag:s22] =	ssyncset.done $0x0  }
0xa0: {  	[sflag:s22] =	ssyncadd.s32 s4;
	_ =	sdelay $0x1  }
0xa1: {  	s23 =	simm.s32 $0x1B8B  }
0xa2: {  	_ =	swait.ge [sflag:s23], $0x1  }
0xa3: {  	[sflag:s23] =	ssyncset.done $0x0  }
0xa4: {  	s25 =	simm.s32 $0x1B8E;
	s24 =	sld [smem:$0x3FFE];
	[sflag:s23] =	ssyncadd.s32 $0xFFFFFFFF  }
0xa5: {  	s26 =	simm.s32 $execute0_lowered;
	[smem:$0x3FD2] =	sst s25  }
0xa6: {  	s5 =	sshll.u32 s26, $0x1;
	_ =	strace $0x8000004C;
	[dreg:$0x1] =	wrdreg $0xFFFFFFFF  }
0xa7: {  	s28 =	simm.s32 $_size_execute0_lowered;
	s3 =	sadd.s32 s3, s5;
	[dreg:$0x0] =	wrdreg $0x0  }
0xa8: {  	s5 =	sshll.u32 s28, $0x1;
	[dreg:$0x2] =	wrdreg s3  }
0xa9: {  	[dreg:$0x3] =	wrdreg s5  }
0xaa: {  	[dreg:$0x4] =	wrdreg $0xC0  }
0xab: {  	_ =	task [dreg:s7], $0x5FFFF  }
0xac: {  	[dreg:$0x1] =	wrdreg $0xFFFFFFFF  }
0xad: {  	[dreg:$0x0] =	wrdreg $0x60  }
0xae: {  	[dreg:$0x2] =	wrdreg s2  }
0xaf: {  	[dreg:$0x3] =	wrdreg s24  }
0xb0: {  	[dreg:$0x4] =	wrdreg $0xA0000  }
0xb1: {  	[dreg:$0x5] =	wrdreg $0x9  }
0xb2: {  	_ =	task.clear_ibuf [dreg:s7], $0x6FFFF;
	_ =	strace $0x9000004C  }
0xb3: {  	s29 =	simm.s32 $0x9;
	_ =	strace $0x8000004E  }
0xb4: {  	_ =	swait.ge [sflag:s29], $0x1  }
0xb5: {  	[sflag:s29] =	ssyncadd.s32 $0xFFFFFFFF  }
0xb6: {  	_ =	strace $0x9000004E  }
0xb7: {  	_ =	sfence  }
0xb8: {  	s30 =	sld [smem:$0x0];
	_ =	sdelay $0x2  }
0xb9: {  	s31 =	sshll.u32 s1, $0xD;
	s1 =	sshrl.u32 s1, $0x2  }
0xba: {  	s3 =	sand.u32 $0x4000, s31;
	s1 =	sadd.s32 s1, s30  }
0xbb: {  	s0 =	sor.u32 s3, s0;
	s1 =	sshll.u32 s1, $0x11  }
0xbc: {  	s0 =	sor.u32 s1, s0  }
0xbd: {  	s0 =	sadd.s32 $0x8F2B, s0  }
0xbe: {  	[sflag:s0] =	ssyncadd.remote.s32 $0x1  }
0xbf: {  	_ =	sfence.sel $0xFFFF  }
0xc0: {  	[dreg:$0x0] =	wrdreg $0xFFFFFFFF;
	(pc) =	sbr.abs _section_cstart, $3  }
0xc1: {  	[dreg:$0x1] =	wrdreg $0xFFFFFFFF  }
0xc2: {  	_ =	task.clear_ibuf [dreg:s7], $0x2FFFF;
	_ =	strace $0x9FFFFFFF  }
0xc3: {  	(tm) =	ssettm $0x7FFFFFFF  }
tec
execute0_lowered:
.L_overlay_start_1:
0x0: {  	(tag) =	ssettag $0x1  }
0x1: {  	s1 =	rddreg [dreg:$0x0]  }
0x2: {  	s0 =	rddreg [dreg:$0x1]  }
0x3: {  	s2 =	rddreg [dreg:$0x2];
	s3 =	simm.s32 $0x0;
	s4 =	srdreg.scid  }
0x4: {  	s7 =	stileid.u32;
	s18 =	simm.s32 $0x4;
	s22 =	simm.s32 $0x3  }
0x5: {  	s23 =	simm.s32 $0x80;
	s25 =	simm.s32 $0x1;
	s29 =	simm.s32 $0x0  }
0x6: {  	[smem:$0x7FF] =	sst s3;
	s4 =	sand.u32 $0x1, s4;
	s9 =	smul.u32 $0x50000, s7  }
0x7: {  	s12 =	sadd.s32 $0x18A00, s0;
	s28 =	sshll.u32 s7, $0x6;
	s16 =	smul.u32 $0x2800, s7  }
0x8: {  	_ =	strace $0x8000004D;
	s5 =	sshll.u32 s4, $0x4;
	[dreg:$0x4] =	wrdreg s12  }
0x9: {  	s8 =	ssub.s32 $0x2, s4;
	[dreg:$0x5] =	wrdreg s28;
	p0 =	seq.s32 s4, $0x1  }
0xa: {  	s4 =	simm.s32 $0x43200;
	s6 =	sor.u32 s7, s5;
	s5 =	sadd.s32 $0xEA00, s0  }
0xb: {  	s10 =	sshrl.u32 s8, $0x1;
	s9 =	sshrl.u32 s9, $0x2;
	s4 =	simm.s32 @!p0 $0x1B200  }
0xc: {  	s11 =	smul.u32 $0x2800, s6;
	s6 =	sadd.s32 $0x4A00, s0;
	s15 =	ssub.s32 s8, s10  }
0xd: {  	s17 =	sadd.s32 s9, s2;
	s8 =	sor.u32 $0x1C03, s28;
	s0 =	sadd.s32 s4, s0  }
0xe: {  	[dreg:$0x6] =	wrdreg s8;
	s15 =	smax.u32 s15, $0x1;
	s16 =	sadd.s32 s0, s16  }
0xf: {  	s17 =	sshrl.u32 s17, $0x3;
	s30 =	sshrl.u32 s11, $0x3;
	s11 =	sadd.s32 $0x800, s11  }
0x10: {  	s31 =	sadd.s32 s5, s30;
	s14 =	sshrl.u32 s11, $0x3;
	s12 =	sadd.s32 s6, s30  }
0x11: {  	[dreg:$0x7] =	wrdreg s31;
	s13 =	sadd.s32 s5, s14;
	s14 =	sadd.s32 s6, s14  }
.LBB2_1:
0x12: {  	s0 =	rddreg [dreg:$0x4]  }
0x13: {  	s4 =	rddreg [dreg:$0x6]  }
0x14: {  	[spmem:s17], [sflag:s4] =	dma.local [hbm:s0], $0x2800  }
0x15: {  	s0 =	rddreg [dreg:$0x7]  }
0x16: {  	[tilespmem:s3], [sflag:$0x4] =	stream.linear.gather [hbm4b:s0+s3], $0x800, $0x38;
	[tilespmem:$0x1E000] =	vst v63  }
0x17: {  	_ =	swait.ge [sflag:s18], $0x800  }
0x18: {  	[sflag:s18] =	ssyncset.done $0x0  }
0x19: {  	s24 =	simm.s32 $0x1000;
	[sflag:s18] =	ssyncadd.s32 $0xFFFFF800  }
0x1a: {  	[tilespmem:s24], [sflag:$0x4] =	stream.linear.gather [hbm4b:s12+s3], $0x800, $0x38;
	[tilespmem:$0x1E000] =	vst v63  }
0x1b: {  	_ =	swait.ge [sflag:s18], $0x800  }
0x1c: {  	[sflag:s18] =	ssyncset.done $0x0  }
0x1d: {  	s26 =	simm.s32 $0x800;
	[sflag:s18] =	ssyncadd.s32 $0xFFFFF800  }
0x1e: {  	[tilespmem:s26], [sflag:$0x2] =	stream.linear.gather [hbm4b:s13+s3], $0x800, $0x38;
	[tilespmem:$0x1E000] =	vst v63  }
0x1f: {  	s28 =	simm.s32 $0x1800;
	s7 =	simm.s32 $0x0  }
0x20: {  	[tilespmem:s28], [sflag:$0x2] =	stream.linear.gather [hbm4b:s14+s3], $0x800, $0x38;
	[tilespmem:$0x1E000] =	vst v63  }
0x21: {  	s8 =	sand.u32 $0xF, s7;
	_ =	swait.ge [sflag:s22], $0x2800  }
0x22: {  	s9 =	simm.s32 $0x0;
	p0 =	sne.s32 s8, $0x0;
	[sflag:s22] =	ssyncset.done $0x0  }
0x23: {  	s10 =	simm.s32 $0x200;
	p1 =	por @!p0 $0x1, $0x1;
	[sflag:s22] =	ssyncadd.s32 $0xFFFFD800  }
0x24: {  	s4 =	simm.s32 $0x2000;
	p0 =	por p1, p0;
	[bflag:$0x0] =	sbarrier.arrive $0xFFFF  }
0x25: {  	[tilespmem:s4], [sflag:$0x1] =	stream.indirect.gather [hbm4b:s1+s23], $0x80, s3, s23, $0xb8;
	[tilespmem:$0x1E000] =	vst v63  }
0x26: {  	s0 =	sand.u32 $0x1, s7;
	s19 =	sadd.s32 @!p0 $0x0, s11;
	s4 =	sand.u32 $0x1, s9  }
0x27: {  	s0 =	sshll.u32 s0, $0xE;
	s19 =	sshrl.u32 @!p0 s19, $0x3;
	s20 =	sshll.u32 @!p0 s4, $0xB  }
0x28: {  	s31 =	simm.s32 @!p0 $0x0;
	s30 =	sadd.s32 @!p0 s5, s19;
	s21 =	sxor.u32 @!p0 $0x800, s20  }
0x29: {  	[tilespmem:s21], [sflag:$0x2] =	stream.linear.gather @!p0 [hbm4b:s30+s31], $0x800, $0x38;
	[tilespmem:$0x1E000] =	vst v63  }
0x2a: {  	s19 =	sadd.s32 @!p0 s6, s19;
	s24 =	simm.s32 $0x0;
	s20 =	sxor.u32 @!p0 $0x1800, s20  }
0x2b: {  	[tilespmem:s20], [sflag:$0x2] =	stream.linear.gather @!p0 [hbm4b:s19+s31], $0x800, $0x38;
	[tilespmem:$0x1E000] =	vst v63  }
0x2c: {  	s26 =	sshll.u32 s4, $0xB;
	s20 =	sand.u32 $0xF, s25;
	_ =	swait.ge [sflag:s25], $0x4000  }
0x2d: {  	s4 =	simm.s32 $0x3;
	p0 =	sne.s32 s20, $0x0;
	[sflag:s25] =	ssyncset.done $0x0  }
0x2e: {  	s21 =	sand.u32 $0x3E00, s10;
	s31 =	simm.s32 @!p0 $0x2;
	[sflag:s25] =	ssyncadd.s32 $0xFFFFC000  }
0x2f: {  	s30 =	simm.s32 $0x2;
	s21 =	sshrl.u32 s21, $0x2;
	_ =	swait.ge @!p0 [sflag:s31], $0x800  }
0x30: {  	s19 =	sand.u32 $0x1E00, s24;
	s24 =	simm.s32 $0x1;
	[sflag:s31] =	ssyncset.done @!p0 $0x0  }
0x31: {  	s19 =	sshrl.u32 s19, $0x2;
	s20 =	sor.u32 $0x2000, s0;
	[sflag:s31] =	ssyncadd.s32 @!p0 $0xFFFFF800  }
0x32: {  	s0 =	sxor.u32 $0x6000, s0;
	s28 =	sand.u32 $0xF, s24;
	_ =	swait.ge @!p0 [sflag:s31], $0x800  }
0x33: {  	s24 =	sand.u32 $0x1, s24;
	s19 =	sor.u32 s19, s26;
	[sflag:s31] =	ssyncset.done @!p0 $0x0  }
0x34: {  	p1 =	sne.s32 s28, $0x0;
	s19 =	sor.u32 $0x1000, s19;
	[sflag:s31] =	ssyncadd.s32 @!p0 $0xFFFFF800  }
0x35: {  	[tilespmem:s0], [sflag:$0x1] =	stream.indirect.gather [hbm4b:s1+s23], $0x80, s21, s23, $0xb8;
	[tilespmem:$0x1E000] =	vst v63  }
0x36: {  	s31 =	simm.s32 $0x400;
	s21 =	simm.s32 $0x0;
	s0 =	sshll.u32 s24, $0xE  }
.LBB2_2:
0x37: {  	s24 =	sadd.s32 $0xFFFFFFFF, s21;
	s26 =	sor.u32 $0x2000, s0  }
0x38: {  	s28 =	smov.u32 s4;
	s4 =	sadd.s32 $0x1, s4;
	s7 =	smov.u32 s31  }
0x39: {  	[spmem:s2] =	stream.indirect.scatter.add.f32 [tilespmem:s20], [sflag:$0x4], $0x80, s19, s23, $0xb8;
	[tilespmem:$0x1E000] =	vst v63  }
0x3a: {  	p0 =	sgt.u32 @!p1 s24, $0x2;
	s19 =	sadd.s32 $0xFFFFFE00, s31;
	_ =	swait.ge [sflag:s18], $0x4000  }
0x3b: {  	s20 =	sand.u32 $0x1, s21;
	p1 =	por p0, p1;
	[sflag:s18] =	ssyncset.done $0x0  }
0x3c: {  	s19 =	sand.u32 $0x1E00, s19;
	s21 =	sshll.u32 @!p1 s21, $0xB;
	s24 =	sshll.u32 @!p1 s20, $0xB  }
0x3d: {  	s19 =	sshrl.u32 s19, $0x2;
	s21 =	sadd.s32 @!p1 s21, s11;
	s9 =	sxor.u32 @!p1 $0x800, s24  }
0x3e: {  	s20 =	sshll.u32 s20, $0xB;
	s24 =	sxor.u32 @!p1 $0x1800, s24;
	s21 =	sshrl.u32 @!p1 s21, $0x3  }
0x3f: {  	s8 =	simm.s32 @!p1 $0x0;
	s10 =	sadd.s32 @!p1 s5, s21;
	[sflag:s18] =	ssyncadd.s32 $0xFFFFC000  }
0x40: {  	[tilespmem:s9], [sflag:$0x2] =	stream.linear.gather @!p1 [hbm4b:s10+s8], $0x800, $0x38;
	[tilespmem:$0x1E000] =	vst v63  }
0x41: {  	p0 =	sne.s32 s4, $0x50;
	s9 =	sadd.s32 @!p1 s6, s21;
	s10 =	sor.u32 s19, s20  }
0x42: {  	[tilespmem:s24], [sflag:$0x2] =	stream.linear.gather @!p1 [hbm4b:s9+s8], $0x800, $0x38;
	[tilespmem:$0x1E000] =	vst v63  }
0x43: {  	s19 =	sor.u32 $0x1000, s10;
	s8 =	sand.u32 $0xF, s30;
	_ =	swait.ge [sflag:s25], $0x4000  }
0x44: {  	s30 =	smov.u32 s28;
	p2 =	sne.s32 s8, $0x0;
	[sflag:s25] =	ssyncset.done $0x0  }
0x45: {  	s20 =	smov.u32 s26;
	s8 =	simm.s32 @!p2 $0x2;
	[sflag:s25] =	ssyncadd.s32 $0xFFFFC000  }
0x46: {  	s31 =	sadd.s32 $0x200, s31;
	_ =	swait.ge @!p2 [sflag:s8], $0x800  }
0x47: {  	s7 =	sand.u32 $0x3E00, s7;
	s9 =	sxor.u32 $0x6000, s0;
	[sflag:s8] =	ssyncset.done @!p2 $0x0  }
.Ltmp0:
0x48: {  	s0 =	sadd.s32 $0xFFFFFFFF, s30;
	[sflag:s8] =	ssyncadd.s32 @!p2 $0xFFFFF800;
	(pc) =	sbr.rel @p0 .LBB2_2-.Ltmp0, $4  }
0x49: {  	s21 =	sshrl.u32 s0, $0x4;
	s10 =	sand.u32 $0xF, s0;
	_ =	swait.ge @!p2 [sflag:s8], $0x800  }
0x4a: {  	s7 =	sshrl.u32 s7, $0x2;
	s0 =	sand.u32 $0x1, s0;
	[sflag:s8] =	ssyncset.done @!p2 $0x0  }
0x4b: {  	p1 =	sne.s32 s10, $0x0;
	s0 =	sshll.u32 s0, $0xE;
	[sflag:s8] =	ssyncadd.s32 @!p2 $0xFFFFF800  }
0x4c: {  	[tilespmem:s9], [sflag:$0x1] =	stream.indirect.gather [hbm4b:s1+s23], $0x80, s7, s23, $0xb8;
	[tilespmem:$0x1E000] =	vst v63  }
0x4d: {  	s4 =	sadd.s32 $0xFFFFFFFF, s21  }
0x4e: {  	[spmem:s2] =	stream.indirect.scatter.add.f32 [tilespmem:s20], [sflag:$0x4], $0x80, s19, s23, $0xb8;
	[tilespmem:$0x1E000] =	vst v63  }
0x4f: {  	p0 =	sgt.u32 @!p1 s4, $0x2  }
0x50: {  	p0 =	por p0, p1  }
0x51: {  	_ =	swait.ge [sflag:s18], $0x4000;
	s7 =	sshll.u32 @!p0 s21, $0xB  }
0x52: {  	s4 =	sand.u32 $0x1, s21;
	[sflag:s18] =	ssyncset.done $0x0;
	s7 =	sadd.s32 @!p0 s7, s11  }
0x53: {  	s8 =	sshll.u32 @!p0 s4, $0xB;
	s19 =	simm.s32 @!p0 $0x0;
	s7 =	sshrl.u32 @!p0 s7, $0x3  }
0x54: {  	[sflag:s18] =	ssyncadd.s32 $0xFFFFC000;
	s9 =	sxor.u32 @!p0 $0x800, s8;
	s10 =	sadd.s32 @!p0 s5, s7  }
0x55: {  	[tilespmem:s9], [sflag:$0x2] =	stream.linear.gather @!p0 [hbm4b:s10+s19], $0x800, $0x38;
	[tilespmem:$0x1E000] =	vst v63  }
0x56: {  	s8 =	sxor.u32 @!p0 $0x1800, s8;
	s7 =	sadd.s32 @!p0 s6, s7  }
0x57: {  	[tilespmem:s8], [sflag:$0x2] =	stream.linear.gather @!p0 [hbm4b:s7+s19], $0x800, $0x38;
	[tilespmem:$0x1E000] =	vst v63  }
0x58: {  	s19 =	sand.u32 $0xF, s30;
	_ =	swait.ge [sflag:s25], $0x4000  }
0x59: {  	p0 =	sne.s32 s19, $0x0;
	[sflag:s25] =	ssyncset.done $0x0  }
0x5a: {  	s7 =	simm.s32 @!p0 $0x2;
	[sflag:s25] =	ssyncadd.s32 $0xFFFFC000  }
0x5b: {  	_ =	swait.ge @!p0 [sflag:s7], $0x800  }
0x5c: {  	[sflag:s7] =	ssyncset.done @!p0 $0x0  }
0x5d: {  	s20 =	sadd.s32 $0xFFFFFE00, s31;
	s24 =	sxor.u32 $0x6000, s0;
	[sflag:s7] =	ssyncadd.s32 @!p0 $0xFFFFF800  }
0x5e: {  	s4 =	sshll.u32 s4, $0xB;
	s8 =	sand.u32 $0x1E00, s20;
	_ =	swait.ge @!p0 [sflag:s7], $0x800  }
0x5f: {  	s21 =	sand.u32 $0x3E00, s31;
	s8 =	sshrl.u32 s8, $0x2;
	[sflag:s7] =	ssyncset.done @!p0 $0x0  }
0x60: {  	s4 =	sor.u32 s8, s4;
	s8 =	sshrl.u32 s21, $0x2;
	[sflag:s7] =	ssyncadd.s32 @!p0 $0xFFFFF800  }
0x61: {  	[tilespmem:s24], [sflag:$0x1] =	stream.indirect.gather [hbm4b:s1+s23], $0x80, s8, s23, $0xb8;
	[tilespmem:$0x1E000] =	vst v63  }
0x62: {  	s26 =	sor.u32 $0x2000, s0;
	s4 =	sor.u32 $0x1000, s4  }
0x63: {  	[spmem:s2] =	stream.indirect.scatter.add.f32 [tilespmem:s26], [sflag:$0x4], $0x80, s4, s23, $0xb8;
	[tilespmem:$0x1E000] =	vst v63  }
0x64: {  	_ =	swait.ge [sflag:s18], $0x4000  }
0x65: {  	[sflag:s18] =	ssyncset.done $0x0  }
0x66: {  	[sflag:s18] =	ssyncadd.s32 $0xFFFFC000  }
0x67: {  	_ =	swait.ge [sflag:s25], $0x4000  }
0x68: {  	[sflag:s25] =	ssyncset.done $0x0  }
0x69: {  	s28 =	simm.s32 $0x1780;
	s30 =	simm.s32 $0x6000;
	[sflag:s25] =	ssyncadd.s32 $0xFFFFC000  }
0x6a: {  	[spmem:s2] =	stream.indirect.scatter.add.f32 [tilespmem:s30], [sflag:$0x4], $0x80, s28, s23, $0xb8;
	[tilespmem:$0x1E000] =	vst v63  }
0x6b: {  	_ =	swait.ge [sflag:s18], $0x4000  }
0x6c: {  	[sflag:s18] =	ssyncset.done $0x0  }
0x6d: {  	[sflag:s18] =	ssyncadd.s32 $0xFFFFC000  }
0x6e: {  	s29 =	sadd.s32 $0x1, s29;
	[bflag:$0x0] =	sbarrier.arrive $0xFFFF  }
0x6f: {  	p0 =	sne.s32 s29, s15;
	s31 =	rddreg [dreg:$0x5]  }
.Ltmp1:
0x70: {  	s0 =	sor.u32 $0x1C04, s31;
	(pc) =	sbr.rel @p0 .LBB2_1-.Ltmp1, $4  }
0x71: {  	[hbm:s16], [sflag:s0] =	dma.local [spmem:s17], $0x2800  }
0x72: {  	_ =	swait.ge [sflag:s18], $0x2800  }
0x73: {  	[sflag:s18] =	ssyncset.done $0x0  }
0x74: {  	[sflag:s18] =	ssyncadd.s32 $0xFFFFD800  }
0x75: {  	_ =	sfence.sel $0x180000  }
0x76: {  	[bflag:$0x0] =	sbarrier.arrive $0xFFFF  }
0x77: {  	_ =	strace $0x9000004D  }
0x78: {  	s0 =	stileid.u32;
	[bflag:$0x2] =	sbarrier.arrive $0xFFFF  }
0x79: {  	p0 =	sne.s32 s0, $0x0;
	s0 =	rddreg [dreg:$0x3]  }
0x7a: {  	s0 =	sadd.s32 @!p0 $0x100000, s0  }
0x7b: {  	[sflag:s0] =	ssyncadd.tile.s32 @!p0 $0x1;
	_ =	shalt  }
.Lfunc_end2:
_tile_overlayer_lowered:
.L_overlay_start_2:
0x7c: {  	(tag) =	ssettag $0x2  }
0x7d: {  	s0 =	rddreg [dreg:$0x0];
	s2 =	stileid.u32  }
0x7e: {  	s1 =	rddreg [dreg:$0x1];
	p0 =	sne.s32 s2, $0x0  }
0x7f: {  	s3 =	rddreg [dreg:$0x2];
	[bflag:$0x3] =	sbarrier.arrive $0xFFFF;
	s2 =	simm.s32 @!p0 $0x1C04  }
0x80: {  	[timem:s3], [sflag:s2] =	dma.local @!p0 [hbm:s0], s1  }
0x81: {  	s0 =	simm.s32 @!p0 $0x4  }
0x82: {  	_ =	swait.ge @!p0 [sflag:s0], s1  }
0x83: {  	s1 =	ssub.s32 @!p0 $0x0, s1;
	[sflag:s0] =	ssyncset.done @!p0 $0x0  }
0x84: {  	[sflag:s0] =	ssyncadd.s32 @!p0 s1  }
0x85: {  	[bflag:$0x3] =	sbarrier.arrive $0xFFFF  }
0x86: {  	_ =	shalt  }

// kernel: kernel.20.cloned.1.call-start
scs
__scs_entry_jumppad:
0x0: {  	(pc) =	sbr.rel $0x88, $3  }
0x1: {  	(tag) =	ssettag $0x0;
	lr =	simm.s32 $0x1  }
0x2: {  	[smem:$0x3F9C] =	sst lr;
	_ =	strace $0xD0000000  }
0x3: {  	_ = 	snop  }
0x4: {  	_ = 	snop  }
0x5: {  	_ = 	snop  }
0x6: {  	_ = 	snop  }
0x7: {  	_ = 	snop  }
__scs_overlays_trampoline_lowered:
0x8: {  	[smem:$0x3FAB] =	sst s0  }
0x9: {  	[smem:$0x3FAC] =	sst s1  }
0xa: {  	[smem:$0x3FAD] =	sst s2  }
0xb: {  	[smem:$0x3FAE] =	sst s3  }
0xc: {  	[smem:$0x3FAF] =	sst s4  }
0xd: {  	[smem:$0x3FB0] =	sst s5  }
0xe: {  	[smem:$0x3FB1] =	sst s6  }
0xf: {  	[smem:$0x3FB2] =	sst s7  }
0x10: {  	[smem:$0x3FB3] =	sst s8  }
0x11: {  	[smem:$0x3FB4] =	sst s9;
	s0 =	simm.s32 @!p0 $0x0  }
0x12: {  	s1 =	sld [smem:$0x3F9A];
	s0 =	simm.s32 @p0 $0x1  }
0x13: {  	[smem:$0x3FB5] =	sst s0;
	s0 =	simm.s32 @!p1 $0x0  }
0x14: {  	s2 =	sld [smem:$0x3F99];
	s0 =	simm.s32 @p1 $0x1  }
0x15: {  	[smem:$0x3FB6] =	sst s0;
	s0 =	simm.s32 @!p2 $0x0  }
0x16: {  	s3 =	sld [smem:$0x3FDB];
	s0 =	simm.s32 @p2 $0x1  }
0x17: {  	s4 =	simm.s32 $0x1BF5;
	[smem:$0x3FB8] =	sst s0  }
0x18: {  	s0 =	sld [smem:$0x3F9B];
	_ =	swait.ge [sflag:s4], $0x0  }
0x19: {  	s7 =	sld [smem:$0x3F9C]  }
0x1a: {  	s8 =	sadd.s32 $0xFFFFE003, lr  }
0x1b: {  	s9 =	sadd.s32 $0xFFFFFEF7, lr;
	s5 =	simm.s32 $0xFFFFFFFF;
	p2 =	slt.u32 s8, $0xFFFFF086  }
0x1c: {  	p1 =	slt.u32 s9, $0xF7A;
	s5 =	simm.s32 @!p2 $0x0  }
0x1d: {  	s5 =	simm.s32 @p1 $0x1;
	p0 =	seq.s32 s7, s2  }
0x1e: {  	s7 =	smul.u32 @!p0 $0xF7A, s2;
	p2 =	seq.s32 @!p0 s5, $0x0  }
0x1f: {  	s9 =	smul.u32 $0xF7A, s1;
	s8 =	simm.s32 @!p0 $0x1BF5;
	p2 =	por !p2, p0  }
0x20: {  	[sflag:s8] =	ssyncset.s32 @!p0 $0xFFFFF086;
	s6 =	sadd.s32 @!p0 s3, s7;
	s7 =	simm.s32 @!p0 $0x108  }
0x21: {  	s3 =	sadd.s32 s3, s9;
	s6 =	sadd.s32 @!p0 $0x88, s6;
	s7 =	simm.s32 @p2 $0x1082  }
0x22: {  	[simem:s7], [sflag:s8] =	dma.local @!p0 [hbm:s6], $0xF7A  }
0x23: {  	s9 =	sor.u32 $0xD0000000, s2;
	s6 =	simm.s32 $0x108;
	_ =	swait.ge @!p0 [sflag:s8], $0x0  }
0x24: {  	s3 =	sadd.s32 $0x88, s3;
	s6 =	simm.s32 @!p1 $0x1082;
	[sflag:s4] =	ssyncset.s32 $0xFFFFF086  }
0x25: {  	[simem:s6], [sflag:s4] =	dma.local [hbm:s3], $0xF7A  }
0x26: {  	[smem:$0x3F9C] =	sst s1;
	(tag) =	ssettag s2;
	_ =	strace s9  }
0x27: {  	s1 =	sld [smem:$0x3FAC]  }
0x28: {  	s2 =	sld [smem:$0x3FAD]  }
0x29: {  	s4 =	sld [smem:$0x3FAF]  }
0x2a: {  	p0 =	seq.s32 s5, $0x0;
	s5 =	sld [smem:$0x3FB0]  }
0x2b: {  	s6 =	sld [smem:$0x3FB1]  }
0x2c: {  	s7 =	sld [smem:$0x3FB2]  }
0x2d: {  	s3 =	simm.s32 $0x108;
	s8 =	sld [smem:$0x3FB3]  }
0x2e: {  	s3 =	simm.s32 @!p0 $0x1082;
	s9 =	sld [smem:$0x3FB4]  }
0x2f: {  	lr =	sadd.s32 s0, s3;
	s0 =	sld [smem:$0x3FAB]  }
0x30: {  	s3 =	sld [smem:$0x3FAE]  }
0x31: {  	[smem:$0x3FB7] =	sst s10  }
0x32: {  	s10 =	sld [smem:$0x3FB5];
	_ =	sdelay $0x3  }
0x33: {  	p0 =	seq.s32 s10, $0x1;
	s10 =	sld [smem:$0x3FB7];
	_ =	sdelay $0x3  }
0x34: {  	[smem:$0x3FB7] =	sst s10  }
0x35: {  	s10 =	sld [smem:$0x3FB6];
	_ =	sdelay $0x3  }
0x36: {  	p1 =	seq.s32 s10, $0x1;
	s10 =	sld [smem:$0x3FB7];
	_ =	sdelay $0x3  }
0x37: {  	[smem:$0x3FB7] =	sst s10  }
0x38: {  	s10 =	sld [smem:$0x3FB8]  }
0x39: {  	_ = 	snop;
	(pc) =	sbr.ind lr, $3  }
0x3a: {  	_ = 	snop  }
0x3b: {  	_ = 	snop  }
0x3c: {  	p2 =	seq.s32 s10, $0x1;
	s10 =	sld [smem:$0x3FB7]  }
0x3d: {  	_ =	shalt  }
0x3e: {  	_ =	shalt  }
0x3f: {  	_ =	shalt  }
0x40: {  	_ =	shalt  }
0x41: {  	_ =	shalt  }
0x42: {  	_ =	shalt  }
0x43: {  	_ =	shalt  }
0x44: {  	_ =	shalt  }
0x45: {  	_ =	shalt  }
0x46: {  	_ =	shalt  }
0x47: {  	_ =	shalt  }
0x48: {  	_ =	shalt  }
0x49: {  	_ =	shalt  }
0x4a: {  	_ =	shalt  }
0x4b: {  	_ =	shalt  }
0x4c: {  	_ =	shalt  }
0x4d: {  	_ =	shalt  }
0x4e: {  	_ =	shalt  }
0x4f: {  	_ =	shalt  }
0x50: {  	_ =	shalt  }
0x51: {  	_ =	shalt  }
0x52: {  	_ =	shalt  }
0x53: {  	_ =	shalt  }
0x54: {  	_ =	shalt  }
0x55: {  	_ =	shalt  }
0x56: {  	_ =	shalt  }
0x57: {  	_ =	shalt  }
0x58: {  	_ =	shalt  }
0x59: {  	_ =	shalt  }
0x5a: {  	_ =	shalt  }
0x5b: {  	_ =	shalt  }
0x5c: {  	_ =	shalt  }
0x5d: {  	_ =	shalt  }
0x5e: {  	_ =	shalt  }
0x5f: {  	_ =	shalt  }
0x60: {  	_ =	shalt  }
0x61: {  	_ =	shalt  }
0x62: {  	_ =	shalt  }
0x63: {  	_ =	shalt  }
0x64: {  	_ =	shalt  }
0x65: {  	_ =	shalt  }
0x66: {  	_ =	shalt  }
0x67: {  	_ =	shalt  }
0x68: {  	_ =	shalt  }
0x69: {  	_ =	shalt  }
0x6a: {  	_ =	shalt  }
0x6b: {  	_ =	shalt  }
0x6c: {  	_ =	shalt  }
0x6d: {  	_ =	shalt  }
0x6e: {  	_ =	shalt  }
0x6f: {  	_ =	shalt  }
0x70: {  	_ =	shalt  }
0x71: {  	_ =	shalt  }
0x72: {  	_ =	shalt  }
0x73: {  	_ =	shalt  }
0x74: {  	_ =	shalt  }
0x75: {  	_ =	shalt  }
0x76: {  	_ =	shalt  }
0x77: {  	_ =	shalt  }
0x78: {  	_ =	shalt  }
0x79: {  	_ =	shalt  }
0x7a: {  	_ =	shalt  }
0x7b: {  	_ =	shalt  }
0x7c: {  	_ =	shalt  }
0x7d: {  	_ =	shalt  }
0x7e: {  	_ =	shalt  }
0x7f: {  	_ =	shalt  }
0x80: {  	_ =	shalt  }
0x81: {  	_ =	shalt  }
0x82: {  	_ =	shalt  }
0x83: {  	_ =	shalt  }
0x84: {  	_ =	shalt  }
0x85: {  	_ =	shalt  }
0x86: {  	_ =	shalt  }
0x87: {  	_ =	shalt  }
.Lfunc_end0:
.L_simem_size_0:
called_computation.3_lowered:
.L_overlay_start_0:
0x88: {  	s2 =	sld [smem:$0x3FD9]  }
0x89: {  	s3 =	sld [smem:$0x3FFE];
	_ =	sdelay $0x1  }
0x8a: {  	s1 =	srdreg.scid  }
0x8b: {  	s0 =	sand.u32 $0x1, s1  }
0x8c: {  	s17 =	sshll.u32 s0, $0xA;
	s2 =	sadd.s32 s3, s2  }
0x8d: {  	s2 =	sadd.s32 s2, s17  }
0x8e: {  	[smem:$0x3FC3] =	sst s2  }
0x8f: {  	_ = 	snop  }
0x90: {  	s2 =	sld [smem:$0x3FD0];
	(tm) =	ssettm $0x1  }
0x91: {  	s18 =	sld [smem:$0x3FFB];
	_ =	sdelay $0x3  }
0x92: {  	_ =	strace s18  }
0x93: {  	s3 =	sld [smem:$0x3FFC];
	_ =	sdelay $0x3  }
0x94: {  	_ =	strace s3  }
0x95: {  	s3 =	sld [smem:$0x3FFD];
	_ =	sdelay $0x3  }
0x96: {  	_ =	strace s3  }
0x97: {  	_ =	strace $0x8FFFFFFF  }
0x98: {  	s19 =	sld [smem:$0x3FDB];
	_ =	sdelay $0x1  }
0x99: {  	s4 =	simm.s32 $_scs_section_size  }
0x9a: {  	s5 =	simm.s32 $_size__tile_overlayer_lowered;
	s6 =	simm.s32 $_tile_overlayer_lowered  }
0x9b: {  	s22 =	simm.s32 $0x1BFF;
	s21 =	sshll.u32 s6, $0x1;
	s3 =	sadd.s32 s4, s19  }
0x9c: {  	s7 =	simm.s32 $0x0;
	s20 =	sshll.u32 s5, $0x1;
	s5 =	sadd.s32 s21, s3  }
0x9d: {  	[timem:s7], [sflag:s22] =	dma.local [hbm:s5], s20  }
0x9e: {  	_ =	swait.ge [sflag:s22], s20  }
0x9f: {  	s4 =	ssub.s32 $0x0, s20;
	[sflag:s22] =	ssyncset.done $0x0  }
0xa0: {  	[sflag:s22] =	ssyncadd.s32 s4;
	_ =	sdelay $0x1  }
0xa1: {  	s23 =	simm.s32 $0x1B8B  }
0xa2: {  	_ =	swait.ge [sflag:s23], $0x1  }
0xa3: {  	[sflag:s23] =	ssyncset.done $0x0  }
0xa4: {  	s25 =	simm.s32 $0x1B8E;
	s24 =	sld [smem:$0x3FFE];
	[sflag:s23] =	ssyncadd.s32 $0xFFFFFFFF  }
0xa5: {  	s26 =	simm.s32 $execute0_lowered;
	[smem:$0x3FD2] =	sst s25  }
0xa6: {  	s5 =	sshll.u32 s26, $0x1;
	_ =	strace $0x8000004F;
	[dreg:$0x1] =	wrdreg $0xFFFFFFFF  }
0xa7: {  	s28 =	simm.s32 $_size_execute0_lowered;
	s3 =	sadd.s32 s3, s5;
	[dreg:$0x0] =	wrdreg $0x0  }
0xa8: {  	s5 =	sshll.u32 s28, $0x1;
	[dreg:$0x2] =	wrdreg s3  }
0xa9: {  	[dreg:$0x3] =	wrdreg s5  }
0xaa: {  	[dreg:$0x4] =	wrdreg $0xC0  }
0xab: {  	_ =	task [dreg:s7], $0x5FFFF  }
0xac: {  	[dreg:$0x1] =	wrdreg $0xFFFFFFFF  }
0xad: {  	[dreg:$0x0] =	wrdreg $0x60  }
0xae: {  	[dreg:$0x2] =	wrdreg s2  }
0xaf: {  	[dreg:$0x3] =	wrdreg s24  }
0xb0: {  	[dreg:$0x4] =	wrdreg $0xA0000  }
0xb1: {  	[dreg:$0x5] =	wrdreg $0x9  }
0xb2: {  	_ =	task.clear_ibuf [dreg:s7], $0x6FFFF;
	_ =	strace $0x9000004F  }
0xb3: {  	s29 =	simm.s32 $0x9;
	_ =	strace $0x80000051  }
0xb4: {  	_ =	swait.ge [sflag:s29], $0x1  }
0xb5: {  	[sflag:s29] =	ssyncadd.s32 $0xFFFFFFFF  }
0xb6: {  	_ =	strace $0x90000051  }
0xb7: {  	_ =	sfence  }
0xb8: {  	s30 =	sld [smem:$0x0];
	_ =	sdelay $0x2  }
0xb9: {  	s31 =	sshll.u32 s1, $0xD;
	s1 =	sshrl.u32 s1, $0x2  }
0xba: {  	s3 =	sand.u32 $0x4000, s31;
	s1 =	sadd.s32 s1, s30  }
0xbb: {  	s0 =	sor.u32 s3, s0;
	s1 =	sshll.u32 s1, $0x11  }
0xbc: {  	s0 =	sor.u32 s1, s0  }
0xbd: {  	s0 =	sadd.s32 $0x8F2B, s0  }
0xbe: {  	[sflag:s0] =	ssyncadd.remote.s32 $0x1  }
0xbf: {  	_ =	sfence.sel $0xFFFF  }
0xc0: {  	[dreg:$0x0] =	wrdreg $0xFFFFFFFF;
	(pc) =	sbr.abs _section_cstart, $3  }
0xc1: {  	[dreg:$0x1] =	wrdreg $0xFFFFFFFF  }
0xc2: {  	_ =	task.clear_ibuf [dreg:s7], $0x2FFFF;
	_ =	strace $0x9FFFFFFF  }
0xc3: {  	(tm) =	ssettm $0x7FFFFFFF  }
tec
execute0_lowered:
.L_overlay_start_1:
0x0: {  	(tag) =	ssettag $0x1  }
0x1: {  	s1 =	rddreg [dreg:$0x0]  }
0x2: {  	s0 =	rddreg [dreg:$0x1]  }
0x3: {  	s2 =	rddreg [dreg:$0x2];
	s3 =	simm.s32 $0x0;
	s4 =	srdreg.scid  }
0x4: {  	s7 =	stileid.u32;
	s18 =	simm.s32 $0x4;
	s22 =	simm.s32 $0x3  }
0x5: {  	s23 =	simm.s32 $0x80;
	s25 =	simm.s32 $0x1;
	s29 =	simm.s32 $0x0  }
0x6: {  	[smem:$0x7FF] =	sst s3;
	s4 =	sand.u32 $0x1, s4;
	s9 =	smul.u32 $0x50000, s7  }
0x7: {  	s12 =	sadd.s32 $0x18A00, s0;
	s28 =	sshll.u32 s7, $0x6;
	s16 =	smul.u32 $0x2800, s7  }
0x8: {  	_ =	strace $0x80000050;
	s5 =	sshll.u32 s4, $0x4;
	[dreg:$0x4] =	wrdreg s12  }
0x9: {  	s8 =	ssub.s32 $0x2, s4;
	[dreg:$0x5] =	wrdreg s28;
	p0 =	seq.s32 s4, $0x1  }
0xa: {  	s4 =	simm.s32 $0x43200;
	s6 =	sor.u32 s7, s5;
	s5 =	sadd.s32 $0xEA00, s0  }
0xb: {  	s10 =	sshrl.u32 s8, $0x1;
	s9 =	sshrl.u32 s9, $0x2;
	s4 =	simm.s32 @!p0 $0x1B200  }
0xc: {  	s11 =	smul.u32 $0x2800, s6;
	s6 =	sadd.s32 $0x4A00, s0;
	s15 =	ssub.s32 s8, s10  }
0xd: {  	s17 =	sadd.s32 s9, s2;
	s8 =	sor.u32 $0x1C03, s28;
	s0 =	sadd.s32 s4, s0  }
0xe: {  	[dreg:$0x6] =	wrdreg s8;
	s15 =	smax.u32 s15, $0x1;
	s16 =	sadd.s32 s0, s16  }
0xf: {  	s17 =	sshrl.u32 s17, $0x3;
	s30 =	sshrl.u32 s11, $0x3;
	s11 =	sadd.s32 $0x800, s11  }
0x10: {  	s31 =	sadd.s32 s5, s30;
	s14 =	sshrl.u32 s11, $0x3;
	s12 =	sadd.s32 s6, s30  }
0x11: {  	[dreg:$0x7] =	wrdreg s31;
	s13 =	sadd.s32 s5, s14;
	s14 =	sadd.s32 s6, s14  }
.LBB2_1:
0x12: {  	s0 =	rddreg [dreg:$0x4]  }
0x13: {  	s4 =	rddreg [dreg:$0x6]  }
0x14: {  	[spmem:s17], [sflag:s4] =	dma.local [hbm:s0], $0x2800  }
0x15: {  	s0 =	rddreg [dreg:$0x7]  }
0x16: {  	[tilespmem:s3], [sflag:$0x4] =	stream.linear.gather [hbm4b:s0+s3], $0x800, $0x38;
	[tilespmem:$0x1E000] =	vst v63  }
0x17: {  	_ =	swait.ge [sflag:s18], $0x800  }
0x18: {  	[sflag:s18] =	ssyncset.done $0x0  }
0x19: {  	s24 =	simm.s32 $0x1000;
	[sflag:s18] =	ssyncadd.s32 $0xFFFFF800  }
0x1a: {  	[tilespmem:s24], [sflag:$0x4] =	stream.linear.gather [hbm4b:s12+s3], $0x800, $0x38;
	[tilespmem:$0x1E000] =	vst v63  }
0x1b: {  	_ =	swait.ge [sflag:s18], $0x800  }
0x1c: {  	[sflag:s18] =	ssyncset.done $0x0  }
0x1d: {  	s26 =	simm.s32 $0x800;
	[sflag:s18] =	ssyncadd.s32 $0xFFFFF800  }
0x1e: {  	[tilespmem:s26], [sflag:$0x2] =	stream.linear.gather [hbm4b:s13+s3], $0x800, $0x38;
	[tilespmem:$0x1E000] =	vst v63  }
0x1f: {  	s28 =	simm.s32 $0x1800;
	s7 =	simm.s32 $0x0  }
0x20: {  	[tilespmem:s28], [sflag:$0x2] =	stream.linear.gather [hbm4b:s14+s3], $0x800, $0x38;
	[tilespmem:$0x1E000] =	vst v63  }
0x21: {  	s8 =	sand.u32 $0xF, s7;
	_ =	swait.ge [sflag:s22], $0x2800  }
0x22: {  	s9 =	simm.s32 $0x0;
	p0 =	sne.s32 s8, $0x0;
	[sflag:s22] =	ssyncset.done $0x0  }
0x23: {  	s10 =	simm.s32 $0x200;
	p1 =	por @!p0 $0x1, $0x1;
	[sflag:s22] =	ssyncadd.s32 $0xFFFFD800  }
0x24: {  	s4 =	simm.s32 $0x2000;
	p0 =	por p1, p0;
	[bflag:$0x0] =	sbarrier.arrive $0xFFFF  }
0x25: {  	[tilespmem:s4], [sflag:$0x1] =	stream.indirect.gather [hbm4b:s1+s23], $0x80, s3, s23, $0xb8;
	[tilespmem:$0x1E000] =	vst v63  }
0x26: {  	s0 =	sand.u32 $0x1, s7;
	s19 =	sadd.s32 @!p0 $0x0, s11;
	s4 =	sand.u32 $0x1, s9  }
0x27: {  	s0 =	sshll.u32 s0, $0xE;
	s19 =	sshrl.u32 @!p0 s19, $0x3;
	s20 =	sshll.u32 @!p0 s4, $0xB  }
0x28: {  	s31 =	simm.s32 @!p0 $0x0;
	s30 =	sadd.s32 @!p0 s5, s19;
	s21 =	sxor.u32 @!p0 $0x800, s20  }
0x29: {  	[tilespmem:s21], [sflag:$0x2] =	stream.linear.gather @!p0 [hbm4b:s30+s31], $0x800, $0x38;
	[tilespmem:$0x1E000] =	vst v63  }
0x2a: {  	s19 =	sadd.s32 @!p0 s6, s19;
	s24 =	simm.s32 $0x0;
	s20 =	sxor.u32 @!p0 $0x1800, s20  }
0x2b: {  	[tilespmem:s20], [sflag:$0x2] =	stream.linear.gather @!p0 [hbm4b:s19+s31], $0x800, $0x38;
	[tilespmem:$0x1E000] =	vst v63  }
0x2c: {  	s26 =	sshll.u32 s4, $0xB;
	s20 =	sand.u32 $0xF, s25;
	_ =	swait.ge [sflag:s25], $0x4000  }
0x2d: {  	s4 =	simm.s32 $0x3;
	p0 =	sne.s32 s20, $0x0;
	[sflag:s25] =	ssyncset.done $0x0  }
0x2e: {  	s21 =	sand.u32 $0x3E00, s10;
	s31 =	simm.s32 @!p0 $0x2;
	[sflag:s25] =	ssyncadd.s32 $0xFFFFC000  }
0x2f: {  	s30 =	simm.s32 $0x2;
	s21 =	sshrl.u32 s21, $0x2;
	_ =	swait.ge @!p0 [sflag:s31], $0x800  }
0x30: {  	s19 =	sand.u32 $0x1E00, s24;
	s24 =	simm.s32 $0x1;
	[sflag:s31] =	ssyncset.done @!p0 $0x0  }
0x31: {  	s19 =	sshrl.u32 s19, $0x2;
	s20 =	sor.u32 $0x2000, s0;
	[sflag:s31] =	ssyncadd.s32 @!p0 $0xFFFFF800  }
0x32: {  	s0 =	sxor.u32 $0x6000, s0;
	s28 =	sand.u32 $0xF, s24;
	_ =	swait.ge @!p0 [sflag:s31], $0x800  }
0x33: {  	s24 =	sand.u32 $0x1, s24;
	s19 =	sor.u32 s19, s26;
	[sflag:s31] =	ssyncset.done @!p0 $0x0  }
0x34: {  	p1 =	sne.s32 s28, $0x0;
	s19 =	sor.u32 $0x1000, s19;
	[sflag:s31] =	ssyncadd.s32 @!p0 $0xFFFFF800  }
0x35: {  	[tilespmem:s0], [sflag:$0x1] =	stream.indirect.gather [hbm4b:s1+s23], $0x80, s21, s23, $0xb8;
	[tilespmem:$0x1E000] =	vst v63  }
0x36: {  	s31 =	simm.s32 $0x400;
	s21 =	simm.s32 $0x0;
	s0 =	sshll.u32 s24, $0xE  }
.LBB2_2:
0x37: {  	s24 =	sadd.s32 $0xFFFFFFFF, s21;
	s26 =	sor.u32 $0x2000, s0  }
0x38: {  	s28 =	smov.u32 s4;
	s4 =	sadd.s32 $0x1, s4;
	s7 =	smov.u32 s31  }
0x39: {  	[spmem:s2] =	stream.indirect.scatter.add.f32 [tilespmem:s20], [sflag:$0x4], $0x80, s19, s23, $0xb8;
	[tilespmem:$0x1E000] =	vst v63  }
0x3a: {  	p0 =	sgt.u32 @!p1 s24, $0x2;
	s19 =	sadd.s32 $0xFFFFFE00, s31;
	_ =	swait.ge [sflag:s18], $0x4000  }
0x3b: {  	s20 =	sand.u32 $0x1, s21;
	p1 =	por p0, p1;
	[sflag:s18] =	ssyncset.done $0x0  }
0x3c: {  	s19 =	sand.u32 $0x1E00, s19;
	s21 =	sshll.u32 @!p1 s21, $0xB;
	s24 =	sshll.u32 @!p1 s20, $0xB  }
0x3d: {  	s19 =	sshrl.u32 s19, $0x2;
	s21 =	sadd.s32 @!p1 s21, s11;
	s9 =	sxor.u32 @!p1 $0x800, s24  }
0x3e: {  	s20 =	sshll.u32 s20, $0xB;
	s24 =	sxor.u32 @!p1 $0x1800, s24;
	s21 =	sshrl.u32 @!p1 s21, $0x3  }
0x3f: {  	s8 =	simm.s32 @!p1 $0x0;
	s10 =	sadd.s32 @!p1 s5, s21;
	[sflag:s18] =	ssyncadd.s32 $0xFFFFC000  }
0x40: {  	[tilespmem:s9], [sflag:$0x2] =	stream.linear.gather @!p1 [hbm4b:s10+s8], $0x800, $0x38;
	[tilespmem:$0x1E000] =	vst v63  }
0x41: {  	p0 =	sne.s32 s4, $0x50;
	s9 =	sadd.s32 @!p1 s6, s21;
	s10 =	sor.u32 s19, s20  }
0x42: {  	[tilespmem:s24], [sflag:$0x2] =	stream.linear.gather @!p1 [hbm4b:s9+s8], $0x800, $0x38;
	[tilespmem:$0x1E000] =	vst v63  }
0x43: {  	s19 =	sor.u32 $0x1000, s10;
	s8 =	sand.u32 $0xF, s30;
	_ =	swait.ge [sflag:s25], $0x4000  }
0x44: {  	s30 =	smov.u32 s28;
	p2 =	sne.s32 s8, $0x0;
	[sflag:s25] =	ssyncset.done $0x0  }
0x45: {  	s20 =	smov.u32 s26;
	s8 =	simm.s32 @!p2 $0x2;
	[sflag:s25] =	ssyncadd.s32 $0xFFFFC000  }
0x46: {  	s31 =	sadd.s32 $0x200, s31;
	_ =	swait.ge @!p2 [sflag:s8], $0x800  }
0x47: {  	s7 =	sand.u32 $0x3E00, s7;
	s9 =	sxor.u32 $0x6000, s0;
	[sflag:s8] =	ssyncset.done @!p2 $0x0  }
.Ltmp0:
0x48: {  	s0 =	sadd.s32 $0xFFFFFFFF, s30;
	[sflag:s8] =	ssyncadd.s32 @!p2 $0xFFFFF800;
	(pc) =	sbr.rel @p0 .LBB2_2-.Ltmp0, $4  }
0x49: {  	s21 =	sshrl.u32 s0, $0x4;
	s10 =	sand.u32 $0xF, s0;
	_ =	swait.ge @!p2 [sflag:s8], $0x800  }
0x4a: {  	s7 =	sshrl.u32 s7, $0x2;
	s0 =	sand.u32 $0x1, s0;
	[sflag:s8] =	ssyncset.done @!p2 $0x0  }
0x4b: {  	p1 =	sne.s32 s10, $0x0;
	s0 =	sshll.u32 s0, $0xE;
	[sflag:s8] =	ssyncadd.s32 @!p2 $0xFFFFF800  }
0x4c: {  	[tilespmem:s9], [sflag:$0x1] =	stream.indirect.gather [hbm4b:s1+s23], $0x80, s7, s23, $0xb8;
	[tilespmem:$0x1E000] =	vst v63  }
0x4d: {  	s4 =	sadd.s32 $0xFFFFFFFF, s21  }
0x4e: {  	[spmem:s2] =	stream.indirect.scatter.add.f32 [tilespmem:s20], [sflag:$0x4], $0x80, s19, s23, $0xb8;
	[tilespmem:$0x1E000] =	vst v63  }
0x4f: {  	p0 =	sgt.u32 @!p1 s4, $0x2  }
0x50: {  	p0 =	por p0, p1  }
0x51: {  	_ =	swait.ge [sflag:s18], $0x4000;
	s7 =	sshll.u32 @!p0 s21, $0xB  }
0x52: {  	s4 =	sand.u32 $0x1, s21;
	[sflag:s18] =	ssyncset.done $0x0;
	s7 =	sadd.s32 @!p0 s7, s11  }
0x53: {  	s8 =	sshll.u32 @!p0 s4, $0xB;
	s19 =	simm.s32 @!p0 $0x0;
	s7 =	sshrl.u32 @!p0 s7, $0x3  }
0x54: {  	[sflag:s18] =	ssyncadd.s32 $0xFFFFC000;
	s9 =	sxor.u32 @!p0 $0x800, s8;
	s10 =	sadd.s32 @!p0 s5, s7  }
0x55: {  	[tilespmem:s9], [sflag:$0x2] =	stream.linear.gather @!p0 [hbm4b:s10+s19], $0x800, $0x38;
	[tilespmem:$0x1E000] =	vst v63  }
0x56: {  	s8 =	sxor.u32 @!p0 $0x1800, s8;
	s7 =	sadd.s32 @!p0 s6, s7  }
0x57: {  	[tilespmem:s8], [sflag:$0x2] =	stream.linear.gather @!p0 [hbm4b:s7+s19], $0x800, $0x38;
	[tilespmem:$0x1E000] =	vst v63  }
0x58: {  	s19 =	sand.u32 $0xF, s30;
	_ =	swait.ge [sflag:s25], $0x4000  }
0x59: {  	p0 =	sne.s32 s19, $0x0;
	[sflag:s25] =	ssyncset.done $0x0  }
0x5a: {  	s7 =	simm.s32 @!p0 $0x2;
	[sflag:s25] =	ssyncadd.s32 $0xFFFFC000  }
0x5b: {  	_ =	swait.ge @!p0 [sflag:s7], $0x800  }
0x5c: {  	[sflag:s7] =	ssyncset.done @!p0 $0x0  }
0x5d: {  	s20 =	sadd.s32 $0xFFFFFE00, s31;
	s24 =	sxor.u32 $0x6000, s0;
	[sflag:s7] =	ssyncadd.s32 @!p0 $0xFFFFF800  }
0x5e: {  	s4 =	sshll.u32 s4, $0xB;
	s8 =	sand.u32 $0x1E00, s20;
	_ =	swait.ge @!p0 [sflag:s7], $0x800  }
0x5f: {  	s21 =	sand.u32 $0x3E00, s31;
	s8 =	sshrl.u32 s8, $0x2;
	[sflag:s7] =	ssyncset.done @!p0 $0x0  }
0x60: {  	s4 =	sor.u32 s8, s4;
	s8 =	sshrl.u32 s21, $0x2;
	[sflag:s7] =	ssyncadd.s32 @!p0 $0xFFFFF800  }
0x61: {  	[tilespmem:s24], [sflag:$0x1] =	stream.indirect.gather [hbm4b:s1+s23], $0x80, s8, s23, $0xb8;
	[tilespmem:$0x1E000] =	vst v63  }
0x62: {  	s26 =	sor.u32 $0x2000, s0;
	s4 =	sor.u32 $0x1000, s4  }
0x63: {  	[spmem:s2] =	stream.indirect.scatter.add.f32 [tilespmem:s26], [sflag:$0x4], $0x80, s4, s23, $0xb8;
	[tilespmem:$0x1E000] =	vst v63  }
0x64: {  	_ =	swait.ge [sflag:s18], $0x4000  }
0x65: {  	[sflag:s18] =	ssyncset.done $0x0  }
0x66: {  	[sflag:s18] =	ssyncadd.s32 $0xFFFFC000  }
0x67: {  	_ =	swait.ge [sflag:s25], $0x4000  }
0x68: {  	[sflag:s25] =	ssyncset.done $0x0  }
0x69: {  	s28 =	simm.s32 $0x1780;
	s30 =	simm.s32 $0x6000;
	[sflag:s25] =	ssyncadd.s32 $0xFFFFC000  }
0x6a: {  	[spmem:s2] =	stream.indirect.scatter.add.f32 [tilespmem:s30], [sflag:$0x4], $0x80, s28, s23, $0xb8;
	[tilespmem:$0x1E000] =	vst v63  }
0x6b: {  	_ =	swait.ge [sflag:s18], $0x4000  }
0x6c: {  	[sflag:s18] =	ssyncset.done $0x0  }
0x6d: {  	[sflag:s18] =	ssyncadd.s32 $0xFFFFC000  }
0x6e: {  	s29 =	sadd.s32 $0x1, s29;
	[bflag:$0x0] =	sbarrier.arrive $0xFFFF  }
0x6f: {  	p0 =	sne.s32 s29, s15;
	s31 =	rddreg [dreg:$0x5]  }
.Ltmp1:
0x70: {  	s0 =	sor.u32 $0x1C04, s31;
	(pc) =	sbr.rel @p0 .LBB2_1-.Ltmp1, $4  }
0x71: {  	[hbm:s16], [sflag:s0] =	dma.local [spmem:s17], $0x2800  }
0x72: {  	_ =	swait.ge [sflag:s18], $0x2800  }
0x73: {  	[sflag:s18] =	ssyncset.done $0x0  }
0x74: {  	[sflag:s18] =	ssyncadd.s32 $0xFFFFD800  }
0x75: {  	_ =	sfence.sel $0x180000  }
0x76: {  	[bflag:$0x0] =	sbarrier.arrive $0xFFFF  }
0x77: {  	_ =	strace $0x90000050  }
0x78: {  	s0 =	stileid.u32;
	[bflag:$0x2] =	sbarrier.arrive $0xFFFF  }
0x79: {  	p0 =	sne.s32 s0, $0x0;
	s0 =	rddreg [dreg:$0x3]  }
0x7a: {  	s0 =	sadd.s32 @!p0 $0x100000, s0  }
0x7b: {  	[sflag:s0] =	ssyncadd.tile.s32 @!p0 $0x1;
	_ =	shalt  }
.Lfunc_end2:
_tile_overlayer_lowered:
.L_overlay_start_2:
0x7c: {  	(tag) =	ssettag $0x2  }
0x7d: {  	s0 =	rddreg [dreg:$0x0];
	s2 =	stileid.u32  }
0x7e: {  	s1 =	rddreg [dreg:$0x1];
	p0 =	sne.s32 s2, $0x0  }
0x7f: {  	s3 =	rddreg [dreg:$0x2];
	[bflag:$0x3] =	sbarrier.arrive $0xFFFF;
	s2 =	simm.s32 @!p0 $0x1C04  }
0x80: {  	[timem:s3], [sflag:s2] =	dma.local @!p0 [hbm:s0], s1  }
0x81: {  	s0 =	simm.s32 @!p0 $0x4  }
0x82: {  	_ =	swait.ge @!p0 [sflag:s0], s1  }
0x83: {  	s1 =	ssub.s32 @!p0 $0x0, s1;
	[sflag:s0] =	ssyncset.done @!p0 $0x0  }
0x84: {  	[sflag:s0] =	ssyncadd.s32 @!p0 s1  }
0x85: {  	[bflag:$0x3] =	sbarrier.arrive $0xFFFF  }
0x86: {  	_ =	shalt  }

</sc_bundles>
